<compile_context>
chip_gen: v7x
topology: tpu7x:2x2x1
jax: 0.10.2.dev20260603
libtpu: 0.0.44.dev20260713+nightly
codegen_flags: <defaults>
</compile_context>

<pallas_src>
import functools

import jax
import jax.numpy as jnp
from jax import lax
from jax.experimental import pallas as pl
from jax.experimental.pallas import tpu as pltpu
from jax.experimental.pallas import tpu_sc as plsc

D_EMBED = 64
MAX_LEN = 200
NUM_CORES = 2
NUM_SUBCORES = 16
NW = NUM_CORES * NUM_SUBCORES
CHUNK = 256
NBUF = 4
LANES = 16


def _sc_gather_body(idx_hbm, te_hbm, out_hbm, table_v,
                    ibuf0, ibuf1, ibuf2, ibuf3,
                    obuf0, obuf1, obuf2, obuf3, sem_i, sem_o):
    ibufs = (ibuf0, ibuf1, ibuf2, ibuf3)
    obufs = (obuf0, obuf1, obuf2, obuf3)
    total_rows = idx_hbm.shape[0]
    rows_per_w = total_rows // NW
    n_chunks = rows_per_w // CHUNK

    wid = lax.axis_index("s") * NUM_CORES + lax.axis_index("c")
    row_base = wid * rows_per_w

    pltpu.sync_copy(te_hbm, table_v)

    iota16 = lax.iota(jnp.int32, LANES)
    zeros16 = iota16 * 0

    for b in range(NBUF):
        pltpu.make_async_copy(
            idx_hbm.at[pl.ds(pl.multiple_of(row_base + b * CHUNK, CHUNK), CHUNK)],
            ibufs[b],
            sem_i.at[b],
        ).start()

    def _compute_chunk(ib, ob):
        @plsc.parallel_loop(0, CHUNK, step=1, unroll=16)
        def rbody(r):
            rsplat = plsc.load_gather(ib, [zeros16 + r])
            src = rsplat * D_EMBED + iota16
            for k in range(D_EMBED // LANES):
                vals = plsc.load_gather(table_v, [src + (k * LANES)])
                ob[pl.ds(r * D_EMBED + k * LANES, LANES)] = vals

    def outer(g, carry):
        for b in range(NBUF):
            cg = g * NBUF + b
            pltpu.make_async_copy(
                idx_hbm.at[pl.ds(0, CHUNK)], ibufs[b], sem_i.at[b]
            ).wait()
            @pl.when(g > 0)
            def _wait_out():
                pltpu.make_async_copy(
                    obufs[b], out_hbm.at[pl.ds(0, CHUNK * D_EMBED)], sem_o.at[b]
                ).wait()

            _compute_chunk(ibufs[b], obufs[b])

            @pl.when(cg + NBUF < n_chunks)
            def _prefetch():
                nstart = pl.multiple_of(row_base + (cg + NBUF) * CHUNK, CHUNK)
                pltpu.make_async_copy(
                    idx_hbm.at[pl.ds(nstart, CHUNK)], ibufs[b], sem_i.at[b]
                ).start()

            ostart = pl.multiple_of(
                (row_base + cg * CHUNK) * D_EMBED, CHUNK * D_EMBED
            )
            pltpu.make_async_copy(
                obufs[b],
                out_hbm.at[pl.ds(ostart, CHUNK * D_EMBED)],
                sem_o.at[b],
            ).start()
        return carry

    lax.fori_loop(0, n_chunks // NBUF, outer, 0)

    for b in range(NBUF):
        pltpu.make_async_copy(
            obufs[b], out_hbm.at[pl.ds(0, CHUNK * D_EMBED)], sem_o.at[b]
        ).wait()


@jax.jit
def kernel(time_idxs, te):
    batch, hist = time_idxs.shape
    total_rows = batch * hist
    idx_flat = time_idxs.reshape(total_rows)
    te_flat = te.reshape(MAX_LEN * D_EMBED)
    mesh = plsc.VectorSubcoreMesh(
        core_axis_name="c", subcore_axis_name="s",
        num_cores=NUM_CORES, num_subcores=NUM_SUBCORES,
    )
    sc_call = functools.partial(
        pl.kernel,
        out_type=jax.ShapeDtypeStruct((total_rows * D_EMBED,), jnp.float32),
        mesh=mesh,
        scratch_types=[
            pltpu.VMEM((MAX_LEN * D_EMBED,), jnp.float32),
            pltpu.VMEM((CHUNK,), jnp.int32),
            pltpu.VMEM((CHUNK,), jnp.int32),
            pltpu.VMEM((CHUNK,), jnp.int32),
            pltpu.VMEM((CHUNK,), jnp.int32),
            pltpu.VMEM((CHUNK * D_EMBED,), jnp.float32),
            pltpu.VMEM((CHUNK * D_EMBED,), jnp.float32),
            pltpu.VMEM((CHUNK * D_EMBED,), jnp.float32),
            pltpu.VMEM((CHUNK * D_EMBED,), jnp.float32),
            pltpu.SemaphoreType.DMA((4,)),
            pltpu.SemaphoreType.DMA((4,)),
        ],
        compiler_params=pltpu.CompilerParams(needs_layout_passes=False),
    )(_sc_gather_body)
    out_flat = sc_call(idx_flat, te_flat)
    return out_flat.reshape(batch, hist, D_EMBED)

# --- scband reference (transcript-rebuilt; emitter-appended) ---
"""Pipeline reference for scband-temporal-encoding-54236847014452 (READ-ONLY COPY).

The authoritative reference and input builder live on the scoring server;
editing this copy changes nothing except your own understanding.
"""

import jax, jax.numpy as jnp
import numpy as np
import math

D_EMBED = 64
MAX_LEN = 200
BATCH = 16384
HIST = 200

def _build_te(max_len, d_embed):
    times = np.arange(max_len, dtype=np.float32)[:, None]
    omegas = np.exp(np.arange(0, d_embed, 2).astype(np.float32) * (-math.log(10000.0) / d_embed))
    te = np.zeros((max_len, d_embed), dtype=np.float32)
    te[:, 0::2] = np.sin(times * omegas)
    te[:, 1::2] = np.cos(times * omegas)
    return jnp.asarray(te)

def setup_inputs(seed: int = 0) -> dict:
    key = jax.random.key(seed)
    te = _build_te(MAX_LEN, D_EMBED)
    time_idxs = jax.random.randint(key, (BATCH, HIST), 0, MAX_LEN, dtype=jnp.int32)
    return {"time_idxs": time_idxs, "te": te}

def reference(time_idxs, te):
    # nn.functional.embedding(time_idxs, self.te) -> row gather from te
    return jnp.take(te, time_idxs, axis=0)

if __name__ == "__main__":
    import jax
    _d = setup_inputs()
    print(jax.jit(kernel)(*tuple(_d.values())))

</pallas_src>

<mosaic_0001>
#map = affine_map<(d0, d1) -> (0)>
module attributes {stable_mosaic.version = 14 : i64} {
  func.func @_sc_gather_body(%arg0: i32, %arg1: i32, %arg2: memref<3276800xi32, #tpu.memory_space<hbm>>, %arg3: memref<12800xf32, #tpu.memory_space<hbm>>, %arg4: memref<209715200xf32, #tpu.memory_space<hbm>>, %arg5: memref<12800xf32, #tpu.memory_space<vmem>>, %arg6: memref<256xi32, #tpu.memory_space<vmem>>, %arg7: memref<256xi32, #tpu.memory_space<vmem>>, %arg8: memref<256xi32, #tpu.memory_space<vmem>>, %arg9: memref<256xi32, #tpu.memory_space<vmem>>, %arg10: memref<16384xf32, #tpu.memory_space<vmem>>, %arg11: memref<16384xf32, #tpu.memory_space<vmem>>, %arg12: memref<16384xf32, #tpu.memory_space<vmem>>, %arg13: memref<16384xf32, #tpu.memory_space<vmem>>, %arg14: memref<4x!tpu.dma_semaphore, #tpu.memory_space<semaphore_mem>>, %arg15: memref<4x!tpu.dma_semaphore, #tpu.memory_space<semaphore_mem>>) attributes {dimension_semantics = [#tpu.dimension_semantics<core_parallel>, #tpu.dimension_semantics<subcore_parallel>], iteration_bounds = array<i64: 2, 16>, scalar_prefetch = 0 : i64, scratch_operands = 11 : i64, tpu.core_type = #tpu.core_type<sc_vector_subcore>, window_params = [{transform_indices = #map}, {transform_indices = #map}, {transform_indices = #map}]} {
    %mul3A = arith.constant 2 : i32
    %mul3A_0 = arith.muli %arg1, %mul3A : i32
    %add3A = arith.addi %mul3A_0, %arg0 : i32
    %mul3A_1 = arith.constant 102400 : i32
    %mul3A_2 = arith.muli %add3A, %mul3A_1 : i32
    "tpu.region"() ({
      %run_scoped3A = tpu.sem_alloc : memref<!tpu.dma_semaphore, #tpu.memory_space<semaphore_mem>>
      tpu.enqueue_dma source(%arg3 : memref<12800xf32, #tpu.memory_space<hbm>>) target(%arg5 : memref<12800xf32, #tpu.memory_space<vmem>>) target_semaphore(%run_scoped3A : memref<!tpu.dma_semaphore, #tpu.memory_space<semaphore_mem>>)
      tpu.wait_dma2 semaphore(%run_scoped3A : memref<!tpu.dma_semaphore, #tpu.memory_space<semaphore_mem>>) src(%arg3 : memref<12800xf32, #tpu.memory_space<hbm>>) dst(%arg5 : memref<12800xf32, #tpu.memory_space<vmem>>)
      tpu.yield
    }) : () -> ()
    %iota3A = tpu.iota {dimensions = array<i32: 0>} : vector<16xi32>
    %mul3A_3 = arith.constant 0 : i32
    %mul3A_4 = vector.broadcast %mul3A_3 : i32 to vector<16xi32>
    %mul3A_5 = arith.muli %iota3A, %mul3A_4 : vector<16xi32>
    %add3A_6 = arith.constant 0 : i32
    %add3A_7 = arith.addi %mul3A_2, %add3A_6 : i32
    %multiple_of3A = tpu.assume_multiple %add3A_7, 256 : i32
    %dma_start3A = arith.constant 0 : i32
    %dma_start3A_8 = tpu.memref_slice %arg2[%multiple_of3A] : memref<3276800xi32, #tpu.memory_space<hbm>> -> memref<256xi32, #tpu.memory_space<hbm>>
    %dma_start3A_9 = tpu.memref_slice %arg14[%dma_start3A] : memref<4x!tpu.dma_semaphore, #tpu.memory_space<semaphore_mem>> -> memref<1x!tpu.dma_semaphore, #tpu.memory_space<semaphore_mem>>
    %dma_start3A_10 = tpu.memref_squeeze %dma_start3A_9 : memref<1x!tpu.dma_semaphore, #tpu.memory_space<semaphore_mem>> -> memref<!tpu.dma_semaphore, #tpu.memory_space<semaphore_mem>>
    %dma_start3A_11 = tpu.memref_slice %arg2[%multiple_of3A] : memref<3276800xi32, #tpu.memory_space<hbm>> -> memref<256xi32, #tpu.memory_space<hbm>>
    tpu.enqueue_dma source(%dma_start3A_11 : memref<256xi32, #tpu.memory_space<hbm>>) target(%arg6 : memref<256xi32, #tpu.memory_space<vmem>>) target_semaphore(%dma_start3A_10 : memref<!tpu.dma_semaphore, #tpu.memory_space<semaphore_mem>>)
    %add3A_12 = arith.constant 256 : i32
    %add3A_13 = arith.addi %mul3A_2, %add3A_12 : i32
    %multiple_of3A_14 = tpu.assume_multiple %add3A_13, 256 : i32
    %dma_start3A_15 = arith.constant 1 : i32
    %dma_start3A_16 = tpu.memref_slice %arg2[%multiple_of3A_14] : memref<3276800xi32, #tpu.memory_space<hbm>> -> memref<256xi32, #tpu.memory_space<hbm>>
    %dma_start3A_17 = tpu.memref_slice %arg14[%dma_start3A_15] : memref<4x!tpu.dma_semaphore, #tpu.memory_space<semaphore_mem>> -> memref<1x!tpu.dma_semaphore, #tpu.memory_space<semaphore_mem>>
    %dma_start3A_18 = tpu.memref_squeeze %dma_start3A_17 : memref<1x!tpu.dma_semaphore, #tpu.memory_space<semaphore_mem>> -> memref<!tpu.dma_semaphore, #tpu.memory_space<semaphore_mem>>
    %dma_start3A_19 = tpu.memref_slice %arg2[%multiple_of3A_14] : memref<3276800xi32, #tpu.memory_space<hbm>> -> memref<256xi32, #tpu.memory_space<hbm>>
    tpu.enqueue_dma source(%dma_start3A_19 : memref<256xi32, #tpu.memory_space<hbm>>) target(%arg7 : memref<256xi32, #tpu.memory_space<vmem>>) target_semaphore(%dma_start3A_18 : memref<!tpu.dma_semaphore, #tpu.memory_space<semaphore_mem>>)
    %add3A_20 = arith.constant 512 : i32
    %add3A_21 = arith.addi %mul3A_2, %add3A_20 : i32
    %multiple_of3A_22 = tpu.assume_multiple %add3A_21, 256 : i32
    %dma_start3A_23 = arith.constant 2 : i32
    %dma_start3A_24 = tpu.memref_slice %arg2[%multiple_of3A_22] : memref<3276800xi32, #tpu.memory_space<hbm>> -> memref<256xi32, #tpu.memory_space<hbm>>
    %dma_start3A_25 = tpu.memref_slice %arg14[%dma_start3A_23] : memref<4x!tpu.dma_semaphore, #tpu.memory_space<semaphore_mem>> -> memref<1x!tpu.dma_semaphore, #tpu.memory_space<semaphore_mem>>
    %dma_start3A_26 = tpu.memref_squeeze %dma_start3A_25 : memref<1x!tpu.dma_semaphore, #tpu.memory_space<semaphore_mem>> -> memref<!tpu.dma_semaphore, #tpu.memory_space<semaphore_mem>>
    %dma_start3A_27 = tpu.memref_slice %arg2[%multiple_of3A_22] : memref<3276800xi32, #tpu.memory_space<hbm>> -> memref<256xi32, #tpu.memory_space<hbm>>
    tpu.enqueue_dma source(%dma_start3A_27 : memref<256xi32, #tpu.memory_space<hbm>>) target(%arg8 : memref<256xi32, #tpu.memory_space<vmem>>) target_semaphore(%dma_start3A_26 : memref<!tpu.dma_semaphore, #tpu.memory_space<semaphore_mem>>)
    %add3A_28 = arith.constant 768 : i32
    %add3A_29 = arith.addi %mul3A_2, %add3A_28 : i32
    %multiple_of3A_30 = tpu.assume_multiple %add3A_29, 256 : i32
    %dma_start3A_31 = arith.constant 3 : i32
    %dma_start3A_32 = tpu.memref_slice %arg2[%multiple_of3A_30] : memref<3276800xi32, #tpu.memory_space<hbm>> -> memref<256xi32, #tpu.memory_space<hbm>>
    %dma_start3A_33 = tpu.memref_slice %arg14[%dma_start3A_31] : memref<4x!tpu.dma_semaphore, #tpu.memory_space<semaphore_mem>> -> memref<1x!tpu.dma_semaphore, #tpu.memory_space<semaphore_mem>>
    %dma_start3A_34 = tpu.memref_squeeze %dma_start3A_33 : memref<1x!tpu.dma_semaphore, #tpu.memory_space<semaphore_mem>> -> memref<!tpu.dma_semaphore, #tpu.memory_space<semaphore_mem>>
    %dma_start3A_35 = tpu.memref_slice %arg2[%multiple_of3A_30] : memref<3276800xi32, #tpu.memory_space<hbm>> -> memref<256xi32, #tpu.memory_space<hbm>>
    tpu.enqueue_dma source(%dma_start3A_35 : memref<256xi32, #tpu.memory_space<hbm>>) target(%arg9 : memref<256xi32, #tpu.memory_space<vmem>>) target_semaphore(%dma_start3A_34 : memref<!tpu.dma_semaphore, #tpu.memory_space<semaphore_mem>>)
    %scan3A = arith.constant 0 : i32
    %scan3A_36 = arith.constant 0 : i32
    %scan3A_37 = arith.constant 100 : i32
    %scan3A_38 = arith.addi %scan3A_36, %scan3A_37 : i32
    %scan3A_39 = arith.constant 1 : i32
    scf.for %scan3A_68 = %scan3A_36 to %scan3A_38 step %scan3A_39  : i32 {
      %mul3A_69 = arith.constant 4 : i32
      %mul3A_70 = arith.muli %scan3A_68, %mul3A_69 : i32
      %add3A_71 = arith.constant 0 : i32
      %add3A_72 = arith.addi %mul3A_70, %add3A_71 : i32
      %dma_wait3A_73 = arith.constant 0 : i32
      %dma_wait3A_74 = arith.constant 0 : i32
      %dma_wait3A_75 = tpu.memref_slice %arg2[%dma_wait3A_74] : memref<3276800xi32, #tpu.memory_space<hbm>> -> memref<256xi32, #tpu.memory_space<hbm>>
      %dma_wait3A_76 = tpu.memref_slice %arg14[%dma_wait3A_73] : memref<4x!tpu.dma_semaphore, #tpu.memory_space<semaphore_mem>> -> memref<1x!tpu.dma_semaphore, #tpu.memory_space<semaphore_mem>>
      %dma_wait3A_77 = tpu.memref_squeeze %dma_wait3A_76 : memref<1x!tpu.dma_semaphore, #tpu.memory_space<semaphore_mem>> -> memref<!tpu.dma_semaphore, #tpu.memory_space<semaphore_mem>>
      %dma_wait3A_78 = arith.constant 0 : i32
      %dma_wait3A_79 = tpu.memref_slice %arg2[%dma_wait3A_78] : memref<3276800xi32, #tpu.memory_space<hbm>> -> memref<256xi32, #tpu.memory_space<hbm>>
      tpu.wait_dma2 semaphore(%dma_wait3A_77 : memref<!tpu.dma_semaphore, #tpu.memory_space<semaphore_mem>>) src(%dma_wait3A_79 : memref<256xi32, #tpu.memory_space<hbm>>) dst(%arg6 : memref<256xi32, #tpu.memory_space<vmem>>)
      %gt3A = arith.constant 0 : i32
      %gt3A_80 = arith.cmpi sgt, %scan3A_68, %gt3A : i32
      %convert_element_type3A = arith.extui %gt3A_80 : i1 to i32
      %cond3A = arith.constant 0 : i32
      %cond3A_81 = arith.cmpi ne, %convert_element_type3A, %cond3A : i32
      scf.if %cond3A_81 {
        %dma_wait3A_212 = arith.constant 0 : i32
        %dma_wait3A_213 = arith.constant 0 : i32
        %dma_wait3A_214 = tpu.memref_slice %arg4[%dma_wait3A_213] : memref<209715200xf32, #tpu.memory_space<hbm>> -> memref<16384xf32, #tpu.memory_space<hbm>>
        %dma_wait3A_215 = tpu.memref_slice %arg15[%dma_wait3A_212] : memref<4x!tpu.dma_semaphore, #tpu.memory_space<semaphore_mem>> -> memref<1x!tpu.dma_semaphore, #tpu.memory_space<semaphore_mem>>
        %dma_wait3A_216 = tpu.memref_squeeze %dma_wait3A_215 : memref<1x!tpu.dma_semaphore, #tpu.memory_space<semaphore_mem>> -> memref<!tpu.dma_semaphore, #tpu.memory_space<semaphore_mem>>
        %dma_wait3A_217 = arith.constant 0 : i32
        %dma_wait3A_218 = tpu.memref_slice %arg4[%dma_wait3A_217] : memref<209715200xf32, #tpu.memory_space<hbm>> -> memref<16384xf32, #tpu.memory_space<hbm>>
        tpu.wait_dma2 semaphore(%dma_wait3A_216 : memref<!tpu.dma_semaphore, #tpu.memory_space<semaphore_mem>>) src(%arg10 : memref<16384xf32, #tpu.memory_space<vmem>>) dst(%dma_wait3A_218 : memref<16384xf32, #tpu.memory_space<hbm>>)
      } else {
      }
      %parallel_loop3A = arith.constant 0 : i32
      %parallel_loop3A_82 = arith.constant 256 : i32
      %parallel_loop3A_83 = arith.constant 1 : i32
      scf.for %parallel_loop3A_212 = %parallel_loop3A to %parallel_loop3A_82 step %parallel_loop3A_83  : i32 {
        %parallel_loop3A_213 = vector.broadcast %parallel_loop3A_212 : i32 to vector<16xi32>
        %parallel_loop3A_214 = arith.addi %mul3A_5, %parallel_loop3A_213 : vector<16xi32>
        %parallel_loop3A_215 = tpu.vector_load_idx %arg6[%parallel_loop3A_214] : memref<256xi32, #tpu.memory_space<vmem>>[vector<16xi32>], vector<16xi32>,
        %parallel_loop3A_216 = arith.constant 64 : i32
        %parallel_loop3A_217 = vector.broadcast %parallel_loop3A_216 : i32 to vector<16xi32>
        %parallel_loop3A_218 = arith.muli %parallel_loop3A_215, %parallel_loop3A_217 : vector<16xi32>
        %parallel_loop3A_219 = arith.addi %parallel_loop3A_218, %iota3A : vector<16xi32>
        %parallel_loop3A_220 = arith.constant 0 : i32
        %parallel_loop3A_221 = vector.broadcast %parallel_loop3A_220 : i32 to vector<16xi32>
        %parallel_loop3A_222 = arith.addi %parallel_loop3A_219, %parallel_loop3A_221 : vector<16xi32>
        %parallel_loop3A_223 = tpu.vector_load_idx %arg5[%parallel_loop3A_222] : memref<12800xf32, #tpu.memory_space<vmem>>[vector<16xi32>], vector<16xf32>,
        %parallel_loop3A_224 = arith.constant 64 : i32
        %parallel_loop3A_225 = arith.muli %parallel_loop3A_212, %parallel_loop3A_224 : i32
        %parallel_loop3A_226 = arith.constant 0 : i32
        %parallel_loop3A_227 = arith.addi %parallel_loop3A_225, %parallel_loop3A_226 : i32
        %parallel_loop3A_228 = arith.index_cast %parallel_loop3A_227 : i32 to index
        %parallel_loop3A_229 = tpu.vector_load %arg10[%parallel_loop3A_228] {strides = array<i32>} : memref<16384xf32, #tpu.memory_space<vmem>>, vector<16xf32>,
        tpu.vector_store %arg10[%parallel_loop3A_228], %parallel_loop3A_223 {strides = array<i32>} : memref<16384xf32, #tpu.memory_space<vmem>>, vector<16xf32>,
        %parallel_loop3A_230 = arith.constant 16 : i32
        %parallel_loop3A_231 = vector.broadcast %parallel_loop3A_230 : i32 to vector<16xi32>
        %parallel_loop3A_232 = arith.addi %parallel_loop3A_219, %parallel_loop3A_231 : vector<16xi32>
        %parallel_loop3A_233 = tpu.vector_load_idx %arg5[%parallel_loop3A_232] : memref<12800xf32, #tpu.memory_space<vmem>>[vector<16xi32>], vector<16xf32>,
        %parallel_loop3A_234 = arith.constant 64 : i32
        %parallel_loop3A_235 = arith.muli %parallel_loop3A_212, %parallel_loop3A_234 : i32
        %parallel_loop3A_236 = arith.constant 16 : i32
        %parallel_loop3A_237 = arith.addi %parallel_loop3A_235, %parallel_loop3A_236 : i32
        %parallel_loop3A_238 = arith.index_cast %parallel_loop3A_237 : i32 to index
        %parallel_loop3A_239 = tpu.vector_load %arg10[%parallel_loop3A_238] {strides = array<i32>} : memref<16384xf32, #tpu.memory_space<vmem>>, vector<16xf32>,
        tpu.vector_store %arg10[%parallel_loop3A_238], %parallel_loop3A_233 {strides = array<i32>} : memref<16384xf32, #tpu.memory_space<vmem>>, vector<16xf32>,
        %parallel_loop3A_240 = arith.constant 32 : i32
        %parallel_loop3A_241 = vector.broadcast %parallel_loop3A_240 : i32 to vector<16xi32>
        %parallel_loop3A_242 = arith.addi %parallel_loop3A_219, %parallel_loop3A_241 : vector<16xi32>
        %parallel_loop3A_243 = tpu.vector_load_idx %arg5[%parallel_loop3A_242] : memref<12800xf32, #tpu.memory_space<vmem>>[vector<16xi32>], vector<16xf32>,
        %parallel_loop3A_244 = arith.constant 64 : i32
        %parallel_loop3A_245 = arith.muli %parallel_loop3A_212, %parallel_loop3A_244 : i32
        %parallel_loop3A_246 = arith.constant 32 : i32
        %parallel_loop3A_247 = arith.addi %parallel_loop3A_245, %parallel_loop3A_246 : i32
        %parallel_loop3A_248 = arith.index_cast %parallel_loop3A_247 : i32 to index
        %parallel_loop3A_249 = tpu.vector_load %arg10[%parallel_loop3A_248] {strides = array<i32>} : memref<16384xf32, #tpu.memory_space<vmem>>, vector<16xf32>,
        tpu.vector_store %arg10[%parallel_loop3A_248], %parallel_loop3A_243 {strides = array<i32>} : memref<16384xf32, #tpu.memory_space<vmem>>, vector<16xf32>,
        %parallel_loop3A_250 = arith.constant 48 : i32
        %parallel_loop3A_251 = vector.broadcast %parallel_loop3A_250 : i32 to vector<16xi32>
        %parallel_loop3A_252 = arith.addi %parallel_loop3A_219, %parallel_loop3A_251 : vector<16xi32>
        %parallel_loop3A_253 = tpu.vector_load_idx %arg5[%parallel_loop3A_252] : memref<12800xf32, #tpu.memory_space<vmem>>[vector<16xi32>], vector<16xf32>,
        %parallel_loop3A_254 = arith.constant 64 : i32
        %parallel_loop3A_255 = arith.muli %parallel_loop3A_212, %parallel_loop3A_254 : i32
        %parallel_loop3A_256 = arith.constant 48 : i32
        %parallel_loop3A_257 = arith.addi %parallel_loop3A_255, %parallel_loop3A_256 : i32
        %parallel_loop3A_258 = arith.index_cast %parallel_loop3A_257 : i32 to index
        %parallel_loop3A_259 = tpu.vector_load %arg10[%parallel_loop3A_258] {strides = array<i32>} : memref<16384xf32, #tpu.memory_space<vmem>>, vector<16xf32>,
        tpu.vector_store %arg10[%parallel_loop3A_258], %parallel_loop3A_253 {strides = array<i32>} : memref<16384xf32, #tpu.memory_space<vmem>>, vector<16xf32>,
      } {sc.loop_unroll_factor = 16 : i64, sc.parallel_access}
      %add3A_84 = arith.constant 4 : i32
      %add3A_85 = arith.addi %add3A_72, %add3A_84 : i32
      %lt3A = arith.constant 400 : i32
      %lt3A_86 = arith.cmpi slt, %add3A_85, %lt3A : i32
      %convert_element_type3A_87 = arith.extui %lt3A_86 : i1 to i32
      %cond3A_88 = arith.constant 0 : i32
      %cond3A_89 = arith.cmpi ne, %convert_element_type3A_87, %cond3A_88 : i32
      scf.if %cond3A_89 {
        %add3A_212 = arith.constant 4 : i32
        %add3A_213 = arith.addi %add3A_72, %add3A_212 : i32
        %mul3A_214 = arith.constant 256 : i32
        %mul3A_215 = arith.muli %add3A_213, %mul3A_214 : i32
        %add3A_216 = arith.addi %mul3A_2, %mul3A_215 : i32
        %multiple_of3A_217 = tpu.assume_multiple %add3A_216, 256 : i32
        %dma_start3A_218 = arith.constant 0 : i32
        %dma_start3A_219 = tpu.memref_slice %arg2[%multiple_of3A_217] : memref<3276800xi32, #tpu.memory_space<hbm>> -> memref<256xi32, #tpu.memory_space<hbm>>
        %dma_start3A_220 = tpu.memref_slice %arg14[%dma_start3A_218] : memref<4x!tpu.dma_semaphore, #tpu.memory_space<semaphore_mem>> -> memref<1x!tpu.dma_semaphore, #tpu.memory_space<semaphore_mem>>
        %dma_start3A_221 = tpu.memref_squeeze %dma_start3A_220 : memref<1x!tpu.dma_semaphore, #tpu.memory_space<semaphore_mem>> -> memref<!tpu.dma_semaphore, #tpu.memory_space<semaphore_mem>>
        %dma_start3A_222 = tpu.memref_slice %arg2[%multiple_of3A_217] : memref<3276800xi32, #tpu.memory_space<hbm>> -> memref<256xi32, #tpu.memory_space<hbm>>
        tpu.enqueue_dma source(%dma_start3A_222 : memref<256xi32, #tpu.memory_space<hbm>>) target(%arg6 : memref<256xi32, #tpu.memory_space<vmem>>) target_semaphore(%dma_start3A_221 : memref<!tpu.dma_semaphore, #tpu.memory_space<semaphore_mem>>)
      } else {
      }
      %mul3A_90 = arith.constant 256 : i32
      %mul3A_91 = arith.muli %add3A_72, %mul3A_90 : i32
      %add3A_92 = arith.addi %mul3A_2, %mul3A_91 : i32
      %mul3A_93 = arith.constant 64 : i32
      %mul3A_94 = arith.muli %add3A_92, %mul3A_93 : i32
      %multiple_of3A_95 = tpu.assume_multiple %mul3A_94, 16384 : i32
      %dma_start3A_96 = arith.constant 0 : i32
      %dma_start3A_97 = tpu.memref_slice %arg4[%multiple_of3A_95] : memref<209715200xf32, #tpu.memory_space<hbm>> -> memref<16384xf32, #tpu.memory_space<hbm>>
      %dma_start3A_98 = tpu.memref_slice %arg15[%dma_start3A_96] : memref<4x!tpu.dma_semaphore, #tpu.memory_space<semaphore_mem>> -> memref<1x!tpu.dma_semaphore, #tpu.memory_space<semaphore_mem>>
      %dma_start3A_99 = tpu.memref_squeeze %dma_start3A_98 : memref<1x!tpu.dma_semaphore, #tpu.memory_space<semaphore_mem>> -> memref<!tpu.dma_semaphore, #tpu.memory_space<semaphore_mem>>
      %dma_start3A_100 = tpu.memref_slice %arg4[%multiple_of3A_95] : memref<209715200xf32, #tpu.memory_space<hbm>> -> memref<16384xf32, #tpu.memory_space<hbm>>
      tpu.enqueue_dma source(%arg10 : memref<16384xf32, #tpu.memory_space<vmem>>) target(%dma_start3A_100 : memref<16384xf32, #tpu.memory_space<hbm>>) target_semaphore(%dma_start3A_99 : memref<!tpu.dma_semaphore, #tpu.memory_space<semaphore_mem>>)
      %mul3A_101 = arith.constant 4 : i32
      %mul3A_102 = arith.muli %scan3A_68, %mul3A_101 : i32
      %add3A_103 = arith.constant 1 : i32
      %add3A_104 = arith.addi %mul3A_102, %add3A_103 : i32
      %dma_wait3A_105 = arith.constant 1 : i32
      %dma_wait3A_106 = arith.constant 0 : i32
      %dma_wait3A_107 = tpu.memref_slice %arg2[%dma_wait3A_106] : memref<3276800xi32, #tpu.memory_space<hbm>> -> memref<256xi32, #tpu.memory_space<hbm>>
      %dma_wait3A_108 = tpu.memref_slice %arg14[%dma_wait3A_105] : memref<4x!tpu.dma_semaphore, #tpu.memory_space<semaphore_mem>> -> memref<1x!tpu.dma_semaphore, #tpu.memory_space<semaphore_mem>>
      %dma_wait3A_109 = tpu.memref_squeeze %dma_wait3A_108 : memref<1x!tpu.dma_semaphore, #tpu.memory_space<semaphore_mem>> -> memref<!tpu.dma_semaphore, #tpu.memory_space<semaphore_mem>>
      %dma_wait3A_110 = arith.constant 0 : i32
      %dma_wait3A_111 = tpu.memref_slice %arg2[%dma_wait3A_110] : memref<3276800xi32, #tpu.memory_space<hbm>> -> memref<256xi32, #tpu.memory_space<hbm>>
      tpu.wait_dma2 semaphore(%dma_wait3A_109 : memref<!tpu.dma_semaphore, #tpu.memory_space<semaphore_mem>>) src(%dma_wait3A_111 : memref<256xi32, #tpu.memory_space<hbm>>) dst(%arg7 : memref<256xi32, #tpu.memory_space<vmem>>)
      %gt3A_112 = arith.constant 0 : i32
      %gt3A_113 = arith.cmpi sgt, %scan3A_68, %gt3A_112 : i32
      %convert_element_type3A_114 = arith.extui %gt3A_113 : i1 to i32
      %cond3A_115 = arith.constant 0 : i32
      %cond3A_116 = arith.cmpi ne, %convert_element_type3A_114, %cond3A_115 : i32
      scf.if %cond3A_116 {
        %dma_wait3A_212 = arith.constant 1 : i32
        %dma_wait3A_213 = arith.constant 0 : i32
        %dma_wait3A_214 = tpu.memref_slice %arg4[%dma_wait3A_213] : memref<209715200xf32, #tpu.memory_space<hbm>> -> memref<16384xf32, #tpu.memory_space<hbm>>
        %dma_wait3A_215 = tpu.memref_slice %arg15[%dma_wait3A_212] : memref<4x!tpu.dma_semaphore, #tpu.memory_space<semaphore_mem>> -> memref<1x!tpu.dma_semaphore, #tpu.memory_space<semaphore_mem>>
        %dma_wait3A_216 = tpu.memref_squeeze %dma_wait3A_215 : memref<1x!tpu.dma_semaphore, #tpu.memory_space<semaphore_mem>> -> memref<!tpu.dma_semaphore, #tpu.memory_space<semaphore_mem>>
        %dma_wait3A_217 = arith.constant 0 : i32
        %dma_wait3A_218 = tpu.memref_slice %arg4[%dma_wait3A_217] : memref<209715200xf32, #tpu.memory_space<hbm>> -> memref<16384xf32, #tpu.memory_space<hbm>>
        tpu.wait_dma2 semaphore(%dma_wait3A_216 : memref<!tpu.dma_semaphore, #tpu.memory_space<semaphore_mem>>) src(%arg11 : memref<16384xf32, #tpu.memory_space<vmem>>) dst(%dma_wait3A_218 : memref<16384xf32, #tpu.memory_space<hbm>>)
      } else {
      }
      %parallel_loop3A_117 = arith.constant 0 : i32
      %parallel_loop3A_118 = arith.constant 256 : i32
      %parallel_loop3A_119 = arith.constant 1 : i32
      scf.for %parallel_loop3A_212 = %parallel_loop3A_117 to %parallel_loop3A_118 step %parallel_loop3A_119  : i32 {
        %parallel_loop3A_213 = vector.broadcast %parallel_loop3A_212 : i32 to vector<16xi32>
        %parallel_loop3A_214 = arith.addi %mul3A_5, %parallel_loop3A_213 : vector<16xi32>
        %parallel_loop3A_215 = tpu.vector_load_idx %arg7[%parallel_loop3A_214] : memref<256xi32, #tpu.memory_space<vmem>>[vector<16xi32>], vector<16xi32>,
        %parallel_loop3A_216 = arith.constant 64 : i32
        %parallel_loop3A_217 = vector.broadcast %parallel_loop3A_216 : i32 to vector<16xi32>
        %parallel_loop3A_218 = arith.muli %parallel_loop3A_215, %parallel_loop3A_217 : vector<16xi32>
        %parallel_loop3A_219 = arith.addi %parallel_loop3A_218, %iota3A : vector<16xi32>
        %parallel_loop3A_220 = arith.constant 0 : i32
        %parallel_loop3A_221 = vector.broadcast %parallel_loop3A_220 : i32 to vector<16xi32>
        %parallel_loop3A_222 = arith.addi %parallel_loop3A_219, %parallel_loop3A_221 : vector<16xi32>
        %parallel_loop3A_223 = tpu.vector_load_idx %arg5[%parallel_loop3A_222] : memref<12800xf32, #tpu.memory_space<vmem>>[vector<16xi32>], vector<16xf32>,
        %parallel_loop3A_224 = arith.constant 64 : i32
        %parallel_loop3A_225 = arith.muli %parallel_loop3A_212, %parallel_loop3A_224 : i32
        %parallel_loop3A_226 = arith.constant 0 : i32
        %parallel_loop3A_227 = arith.addi %parallel_loop3A_225, %parallel_loop3A_226 : i32
        %parallel_loop3A_228 = arith.index_cast %parallel_loop3A_227 : i32 to index
        %parallel_loop3A_229 = tpu.vector_load %arg11[%parallel_loop3A_228] {strides = array<i32>} : memref<16384xf32, #tpu.memory_space<vmem>>, vector<16xf32>,
        tpu.vector_store %arg11[%parallel_loop3A_228], %parallel_loop3A_223 {strides = array<i32>} : memref<16384xf32, #tpu.memory_space<vmem>>, vector<16xf32>,
        %parallel_loop3A_230 = arith.constant 16 : i32
        %parallel_loop3A_231 = vector.broadcast %parallel_loop3A_230 : i32 to vector<16xi32>
        %parallel_loop3A_232 = arith.addi %parallel_loop3A_219, %parallel_loop3A_231 : vector<16xi32>
        %parallel_loop3A_233 = tpu.vector_load_idx %arg5[%parallel_loop3A_232] : memref<12800xf32, #tpu.memory_space<vmem>>[vector<16xi32>], vector<16xf32>,
        %parallel_loop3A_234 = arith.constant 64 : i32
        %parallel_loop3A_235 = arith.muli %parallel_loop3A_212, %parallel_loop3A_234 : i32
        %parallel_loop3A_236 = arith.constant 16 : i32
        %parallel_loop3A_237 = arith.addi %parallel_loop3A_235, %parallel_loop3A_236 : i32
        %parallel_loop3A_238 = arith.index_cast %parallel_loop3A_237 : i32 to index
        %parallel_loop3A_239 = tpu.vector_load %arg11[%parallel_loop3A_238] {strides = array<i32>} : memref<16384xf32, #tpu.memory_space<vmem>>, vector<16xf32>,
        tpu.vector_store %arg11[%parallel_loop3A_238], %parallel_loop3A_233 {strides = array<i32>} : memref<16384xf32, #tpu.memory_space<vmem>>, vector<16xf32>,
        %parallel_loop3A_240 = arith.constant 32 : i32
        %parallel_loop3A_241 = vector.broadcast %parallel_loop3A_240 : i32 to vector<16xi32>
        %parallel_loop3A_242 = arith.addi %parallel_loop3A_219, %parallel_loop3A_241 : vector<16xi32>
        %parallel_loop3A_243 = tpu.vector_load_idx %arg5[%parallel_loop3A_242] : memref<12800xf32, #tpu.memory_space<vmem>>[vector<16xi32>], vector<16xf32>,
        %parallel_loop3A_244 = arith.constant 64 : i32
        %parallel_loop3A_245 = arith.muli %parallel_loop3A_212, %parallel_loop3A_244 : i32
        %parallel_loop3A_246 = arith.constant 32 : i32
        %parallel_loop3A_247 = arith.addi %parallel_loop3A_245, %parallel_loop3A_246 : i32
        %parallel_loop3A_248 = arith.index_cast %parallel_loop3A_247 : i32 to index
        %parallel_loop3A_249 = tpu.vector_load %arg11[%parallel_loop3A_248] {strides = array<i32>} : memref<16384xf32, #tpu.memory_space<vmem>>, vector<16xf32>,
        tpu.vector_store %arg11[%parallel_loop3A_248], %parallel_loop3A_243 {strides = array<i32>} : memref<16384xf32, #tpu.memory_space<vmem>>, vector<16xf32>,
        %parallel_loop3A_250 = arith.constant 48 : i32
        %parallel_loop3A_251 = vector.broadcast %parallel_loop3A_250 : i32 to vector<16xi32>
        %parallel_loop3A_252 = arith.addi %parallel_loop3A_219, %parallel_loop3A_251 : vector<16xi32>
        %parallel_loop3A_253 = tpu.vector_load_idx %arg5[%parallel_loop3A_252] : memref<12800xf32, #tpu.memory_space<vmem>>[vector<16xi32>], vector<16xf32>,
        %parallel_loop3A_254 = arith.constant 64 : i32
        %parallel_loop3A_255 = arith.muli %parallel_loop3A_212, %parallel_loop3A_254 : i32
        %parallel_loop3A_256 = arith.constant 48 : i32
        %parallel_loop3A_257 = arith.addi %parallel_loop3A_255, %parallel_loop3A_256 : i32
        %parallel_loop3A_258 = arith.index_cast %parallel_loop3A_257 : i32 to index
        %parallel_loop3A_259 = tpu.vector_load %arg11[%parallel_loop3A_258] {strides = array<i32>} : memref<16384xf32, #tpu.memory_space<vmem>>, vector<16xf32>,
        tpu.vector_store %arg11[%parallel_loop3A_258], %parallel_loop3A_253 {strides = array<i32>} : memref<16384xf32, #tpu.memory_space<vmem>>, vector<16xf32>,
      } {sc.loop_unroll_factor = 16 : i64, sc.parallel_access}
      %add3A_120 = arith.constant 4 : i32
      %add3A_121 = arith.addi %add3A_104, %add3A_120 : i32
      %lt3A_122 = arith.constant 400 : i32
      %lt3A_123 = arith.cmpi slt, %add3A_121, %lt3A_122 : i32
      %convert_element_type3A_124 = arith.extui %lt3A_123 : i1 to i32
      %cond3A_125 = arith.constant 0 : i32
      %cond3A_126 = arith.cmpi ne, %convert_element_type3A_124, %cond3A_125 : i32
      scf.if %cond3A_126 {
        %add3A_212 = arith.constant 4 : i32
        %add3A_213 = arith.addi %add3A_104, %add3A_212 : i32
        %mul3A_214 = arith.constant 256 : i32
        %mul3A_215 = arith.muli %add3A_213, %mul3A_214 : i32
        %add3A_216 = arith.addi %mul3A_2, %mul3A_215 : i32
        %multiple_of3A_217 = tpu.assume_multiple %add3A_216, 256 : i32
        %dma_start3A_218 = arith.constant 1 : i32
        %dma_start3A_219 = tpu.memref_slice %arg2[%multiple_of3A_217] : memref<3276800xi32, #tpu.memory_space<hbm>> -> memref<256xi32, #tpu.memory_space<hbm>>
        %dma_start3A_220 = tpu.memref_slice %arg14[%dma_start3A_218] : memref<4x!tpu.dma_semaphore, #tpu.memory_space<semaphore_mem>> -> memref<1x!tpu.dma_semaphore, #tpu.memory_space<semaphore_mem>>
        %dma_start3A_221 = tpu.memref_squeeze %dma_start3A_220 : memref<1x!tpu.dma_semaphore, #tpu.memory_space<semaphore_mem>> -> memref<!tpu.dma_semaphore, #tpu.memory_space<semaphore_mem>>
        %dma_start3A_222 = tpu.memref_slice %arg2[%multiple_of3A_217] : memref<3276800xi32, #tpu.memory_space<hbm>> -> memref<256xi32, #tpu.memory_space<hbm>>
        tpu.enqueue_dma source(%dma_start3A_222 : memref<256xi32, #tpu.memory_space<hbm>>) target(%arg7 : memref<256xi32, #tpu.memory_space<vmem>>) target_semaphore(%dma_start3A_221 : memref<!tpu.dma_semaphore, #tpu.memory_space<semaphore_mem>>)
      } else {
      }
      %mul3A_127 = arith.constant 256 : i32
      %mul3A_128 = arith.muli %add3A_104, %mul3A_127 : i32
      %add3A_129 = arith.addi %mul3A_2, %mul3A_128 : i32
      %mul3A_130 = arith.constant 64 : i32
      %mul3A_131 = arith.muli %add3A_129, %mul3A_130 : i32
      %multiple_of3A_132 = tpu.assume_multiple %mul3A_131, 16384 : i32
      %dma_start3A_133 = arith.constant 1 : i32
      %dma_start3A_134 = tpu.memref_slice %arg4[%multiple_of3A_132] : memref<209715200xf32, #tpu.memory_space<hbm>> -> memref<16384xf32, #tpu.memory_space<hbm>>
      %dma_start3A_135 = tpu.memref_slice %arg15[%dma_start3A_133] : memref<4x!tpu.dma_semaphore, #tpu.memory_space<semaphore_mem>> -> memref<1x!tpu.dma_semaphore, #tpu.memory_space<semaphore_mem>>
      %dma_start3A_136 = tpu.memref_squeeze %dma_start3A_135 : memref<1x!tpu.dma_semaphore, #tpu.memory_space<semaphore_mem>> -> memref<!tpu.dma_semaphore, #tpu.memory_space<semaphore_mem>>
      %dma_start3A_137 = tpu.memref_slice %arg4[%multiple_of3A_132] : memref<209715200xf32, #tpu.memory_space<hbm>> -> memref<16384xf32, #tpu.memory_space<hbm>>
      tpu.enqueue_dma source(%arg11 : memref<16384xf32, #tpu.memory_space<vmem>>) target(%dma_start3A_137 : memref<16384xf32, #tpu.memory_space<hbm>>) target_semaphore(%dma_start3A_136 : memref<!tpu.dma_semaphore, #tpu.memory_space<semaphore_mem>>)
      %mul3A_138 = arith.constant 4 : i32
      %mul3A_139 = arith.muli %scan3A_68, %mul3A_138 : i32
      %add3A_140 = arith.constant 2 : i32
      %add3A_141 = arith.addi %mul3A_139, %add3A_140 : i32
      %dma_wait3A_142 = arith.constant 2 : i32
      %dma_wait3A_143 = arith.constant 0 : i32
      %dma_wait3A_144 = tpu.memref_slice %arg2[%dma_wait3A_143] : memref<3276800xi32, #tpu.memory_space<hbm>> -> memref<256xi32, #tpu.memory_space<hbm>>
      %dma_wait3A_145 = tpu.memref_slice %arg14[%dma_wait3A_142] : memref<4x!tpu.dma_semaphore, #tpu.memory_space<semaphore_mem>> -> memref<1x!tpu.dma_semaphore, #tpu.memory_space<semaphore_mem>>
      %dma_wait3A_146 = tpu.memref_squeeze %dma_wait3A_145 : memref<1x!tpu.dma_semaphore, #tpu.memory_space<semaphore_mem>> -> memref<!tpu.dma_semaphore, #tpu.memory_space<semaphore_mem>>
      %dma_wait3A_147 = arith.constant 0 : i32
      %dma_wait3A_148 = tpu.memref_slice %arg2[%dma_wait3A_147] : memref<3276800xi32, #tpu.memory_space<hbm>> -> memref<256xi32, #tpu.memory_space<hbm>>
      tpu.wait_dma2 semaphore(%dma_wait3A_146 : memref<!tpu.dma_semaphore, #tpu.memory_space<semaphore_mem>>) src(%dma_wait3A_148 : memref<256xi32, #tpu.memory_space<hbm>>) dst(%arg8 : memref<256xi32, #tpu.memory_space<vmem>>)
      %gt3A_149 = arith.constant 0 : i32
      %gt3A_150 = arith.cmpi sgt, %scan3A_68, %gt3A_149 : i32
      %convert_element_type3A_151 = arith.extui %gt3A_150 : i1 to i32
      %cond3A_152 = arith.constant 0 : i32
      %cond3A_153 = arith.cmpi ne, %convert_element_type3A_151, %cond3A_152 : i32
      scf.if %cond3A_153 {
        %dma_wait3A_212 = arith.constant 2 : i32
        %dma_wait3A_213 = arith.constant 0 : i32
        %dma_wait3A_214 = tpu.memref_slice %arg4[%dma_wait3A_213] : memref<209715200xf32, #tpu.memory_space<hbm>> -> memref<16384xf32, #tpu.memory_space<hbm>>
        %dma_wait3A_215 = tpu.memref_slice %arg15[%dma_wait3A_212] : memref<4x!tpu.dma_semaphore, #tpu.memory_space<semaphore_mem>> -> memref<1x!tpu.dma_semaphore, #tpu.memory_space<semaphore_mem>>
        %dma_wait3A_216 = tpu.memref_squeeze %dma_wait3A_215 : memref<1x!tpu.dma_semaphore, #tpu.memory_space<semaphore_mem>> -> memref<!tpu.dma_semaphore, #tpu.memory_space<semaphore_mem>>
        %dma_wait3A_217 = arith.constant 0 : i32
        %dma_wait3A_218 = tpu.memref_slice %arg4[%dma_wait3A_217] : memref<209715200xf32, #tpu.memory_space<hbm>> -> memref<16384xf32, #tpu.memory_space<hbm>>
        tpu.wait_dma2 semaphore(%dma_wait3A_216 : memref<!tpu.dma_semaphore, #tpu.memory_space<semaphore_mem>>) src(%arg12 : memref<16384xf32, #tpu.memory_space<vmem>>) dst(%dma_wait3A_218 : memref<16384xf32, #tpu.memory_space<hbm>>)
      } else {
      }
      %parallel_loop3A_154 = arith.constant 0 : i32
      %parallel_loop3A_155 = arith.constant 256 : i32
      %parallel_loop3A_156 = arith.constant 1 : i32
      scf.for %parallel_loop3A_212 = %parallel_loop3A_154 to %parallel_loop3A_155 step %parallel_loop3A_156  : i32 {
        %parallel_loop3A_213 = vector.broadcast %parallel_loop3A_212 : i32 to vector<16xi32>
        %parallel_loop3A_214 = arith.addi %mul3A_5, %parallel_loop3A_213 : vector<16xi32>
        %parallel_loop3A_215 = tpu.vector_load_idx %arg8[%parallel_loop3A_214] : memref<256xi32, #tpu.memory_space<vmem>>[vector<16xi32>], vector<16xi32>,
        %parallel_loop3A_216 = arith.constant 64 : i32
        %parallel_loop3A_217 = vector.broadcast %parallel_loop3A_216 : i32 to vector<16xi32>
        %parallel_loop3A_218 = arith.muli %parallel_loop3A_215, %parallel_loop3A_217 : vector<16xi32>
        %parallel_loop3A_219 = arith.addi %parallel_loop3A_218, %iota3A : vector<16xi32>
        %parallel_loop3A_220 = arith.constant 0 : i32
        %parallel_loop3A_221 = vector.broadcast %parallel_loop3A_220 : i32 to vector<16xi32>
        %parallel_loop3A_222 = arith.addi %parallel_loop3A_219, %parallel_loop3A_221 : vector<16xi32>
        %parallel_loop3A_223 = tpu.vector_load_idx %arg5[%parallel_loop3A_222] : memref<12800xf32, #tpu.memory_space<vmem>>[vector<16xi32>], vector<16xf32>,
        %parallel_loop3A_224 = arith.constant 64 : i32
        %parallel_loop3A_225 = arith.muli %parallel_loop3A_212, %parallel_loop3A_224 : i32
        %parallel_loop3A_226 = arith.constant 0 : i32
        %parallel_loop3A_227 = arith.addi %parallel_loop3A_225, %parallel_loop3A_226 : i32
        %parallel_loop3A_228 = arith.index_cast %parallel_loop3A_227 : i32 to index
        %parallel_loop3A_229 = tpu.vector_load %arg12[%parallel_loop3A_228] {strides = array<i32>} : memref<16384xf32, #tpu.memory_space<vmem>>, vector<16xf32>,
        tpu.vector_store %arg12[%parallel_loop3A_228], %parallel_loop3A_223 {strides = array<i32>} : memref<16384xf32, #tpu.memory_space<vmem>>, vector<16xf32>,
        %parallel_loop3A_230 = arith.constant 16 : i32
        %parallel_loop3A_231 = vector.broadcast %parallel_loop3A_230 : i32 to vector<16xi32>
        %parallel_loop3A_232 = arith.addi %parallel_loop3A_219, %parallel_loop3A_231 : vector<16xi32>
        %parallel_loop3A_233 = tpu.vector_load_idx %arg5[%parallel_loop3A_232] : memref<12800xf32, #tpu.memory_space<vmem>>[vector<16xi32>], vector<16xf32>,
        %parallel_loop3A_234 = arith.constant 64 : i32
        %parallel_loop3A_235 = arith.muli %parallel_loop3A_212, %parallel_loop3A_234 : i32
        %parallel_loop3A_236 = arith.constant 16 : i32
        %parallel_loop3A_237 = arith.addi %parallel_loop3A_235, %parallel_loop3A_236 : i32
        %parallel_loop3A_238 = arith.index_cast %parallel_loop3A_237 : i32 to index
        %parallel_loop3A_239 = tpu.vector_load %arg12[%parallel_loop3A_238] {strides = array<i32>} : memref<16384xf32, #tpu.memory_space<vmem>>, vector<16xf32>,
        tpu.vector_store %arg12[%parallel_loop3A_238], %parallel_loop3A_233 {strides = array<i32>} : memref<16384xf32, #tpu.memory_space<vmem>>, vector<16xf32>,
        %parallel_loop3A_240 = arith.constant 32 : i32
        %parallel_loop3A_241 = vector.broadcast %parallel_loop3A_240 : i32 to vector<16xi32>
        %parallel_loop3A_242 = arith.addi %parallel_loop3A_219, %parallel_loop3A_241 : vector<16xi32>
        %parallel_loop3A_243 = tpu.vector_load_idx %arg5[%parallel_loop3A_242] : memref<12800xf32, #tpu.memory_space<vmem>>[vector<16xi32>], vector<16xf32>,
        %parallel_loop3A_244 = arith.constant 64 : i32
        %parallel_loop3A_245 = arith.muli %parallel_loop3A_212, %parallel_loop3A_244 : i32
        %parallel_loop3A_246 = arith.constant 32 : i32
        %parallel_loop3A_247 = arith.addi %parallel_loop3A_245, %parallel_loop3A_246 : i32
        %parallel_loop3A_248 = arith.index_cast %parallel_loop3A_247 : i32 to index
        %parallel_loop3A_249 = tpu.vector_load %arg12[%parallel_loop3A_248] {strides = array<i32>} : memref<16384xf32, #tpu.memory_space<vmem>>, vector<16xf32>,
        tpu.vector_store %arg12[%parallel_loop3A_248], %parallel_loop3A_243 {strides = array<i32>} : memref<16384xf32, #tpu.memory_space<vmem>>, vector<16xf32>,
        %parallel_loop3A_250 = arith.constant 48 : i32
        %parallel_loop3A_251 = vector.broadcast %parallel_loop3A_250 : i32 to vector<16xi32>
        %parallel_loop3A_252 = arith.addi %parallel_loop3A_219, %parallel_loop3A_251 : vector<16xi32>
        %parallel_loop3A_253 = tpu.vector_load_idx %arg5[%parallel_loop3A_252] : memref<12800xf32, #tpu.memory_space<vmem>>[vector<16xi32>], vector<16xf32>,
        %parallel_loop3A_254 = arith.constant 64 : i32
        %parallel_loop3A_255 = arith.muli %parallel_loop3A_212, %parallel_loop3A_254 : i32
        %parallel_loop3A_256 = arith.constant 48 : i32
        %parallel_loop3A_257 = arith.addi %parallel_loop3A_255, %parallel_loop3A_256 : i32
        %parallel_loop3A_258 = arith.index_cast %parallel_loop3A_257 : i32 to index
        %parallel_loop3A_259 = tpu.vector_load %arg12[%parallel_loop3A_258] {strides = array<i32>} : memref<16384xf32, #tpu.memory_space<vmem>>, vector<16xf32>,
        tpu.vector_store %arg12[%parallel_loop3A_258], %parallel_loop3A_253 {strides = array<i32>} : memref<16384xf32, #tpu.memory_space<vmem>>, vector<16xf32>,
      } {sc.loop_unroll_factor = 16 : i64, sc.parallel_access}
      %add3A_157 = arith.constant 4 : i32
      %add3A_158 = arith.addi %add3A_141, %add3A_157 : i32
      %lt3A_159 = arith.constant 400 : i32
      %lt3A_160 = arith.cmpi slt, %add3A_158, %lt3A_159 : i32
      %convert_element_type3A_161 = arith.extui %lt3A_160 : i1 to i32
      %cond3A_162 = arith.constant 0 : i32
      %cond3A_163 = arith.cmpi ne, %convert_element_type3A_161, %cond3A_162 : i32
      scf.if %cond3A_163 {
        %add3A_212 = arith.constant 4 : i32
        %add3A_213 = arith.addi %add3A_141, %add3A_212 : i32
        %mul3A_214 = arith.constant 256 : i32
        %mul3A_215 = arith.muli %add3A_213, %mul3A_214 : i32
        %add3A_216 = arith.addi %mul3A_2, %mul3A_215 : i32
        %multiple_of3A_217 = tpu.assume_multiple %add3A_216, 256 : i32
        %dma_start3A_218 = arith.constant 2 : i32
        %dma_start3A_219 = tpu.memref_slice %arg2[%multiple_of3A_217] : memref<3276800xi32, #tpu.memory_space<hbm>> -> memref<256xi32, #tpu.memory_space<hbm>>
        %dma_start3A_220 = tpu.memref_slice %arg14[%dma_start3A_218] : memref<4x!tpu.dma_semaphore, #tpu.memory_space<semaphore_mem>> -> memref<1x!tpu.dma_semaphore, #tpu.memory_space<semaphore_mem>>
        %dma_start3A_221 = tpu.memref_squeeze %dma_start3A_220 : memref<1x!tpu.dma_semaphore, #tpu.memory_space<semaphore_mem>> -> memref<!tpu.dma_semaphore, #tpu.memory_space<semaphore_mem>>
        %dma_start3A_222 = tpu.memref_slice %arg2[%multiple_of3A_217] : memref<3276800xi32, #tpu.memory_space<hbm>> -> memref<256xi32, #tpu.memory_space<hbm>>
        tpu.enqueue_dma source(%dma_start3A_222 : memref<256xi32, #tpu.memory_space<hbm>>) target(%arg8 : memref<256xi32, #tpu.memory_space<vmem>>) target_semaphore(%dma_start3A_221 : memref<!tpu.dma_semaphore, #tpu.memory_space<semaphore_mem>>)
      } else {
      }
      %mul3A_164 = arith.constant 256 : i32
      %mul3A_165 = arith.muli %add3A_141, %mul3A_164 : i32
      %add3A_166 = arith.addi %mul3A_2, %mul3A_165 : i32
      %mul3A_167 = arith.constant 64 : i32
      %mul3A_168 = arith.muli %add3A_166, %mul3A_167 : i32
      %multiple_of3A_169 = tpu.assume_multiple %mul3A_168, 16384 : i32
      %dma_start3A_170 = arith.constant 2 : i32
      %dma_start3A_171 = tpu.memref_slice %arg4[%multiple_of3A_169] : memref<209715200xf32, #tpu.memory_space<hbm>> -> memref<16384xf32, #tpu.memory_space<hbm>>
      %dma_start3A_172 = tpu.memref_slice %arg15[%dma_start3A_170] : memref<4x!tpu.dma_semaphore, #tpu.memory_space<semaphore_mem>> -> memref<1x!tpu.dma_semaphore, #tpu.memory_space<semaphore_mem>>
      %dma_start3A_173 = tpu.memref_squeeze %dma_start3A_172 : memref<1x!tpu.dma_semaphore, #tpu.memory_space<semaphore_mem>> -> memref<!tpu.dma_semaphore, #tpu.memory_space<semaphore_mem>>
      %dma_start3A_174 = tpu.memref_slice %arg4[%multiple_of3A_169] : memref<209715200xf32, #tpu.memory_space<hbm>> -> memref<16384xf32, #tpu.memory_space<hbm>>
      tpu.enqueue_dma source(%arg12 : memref<16384xf32, #tpu.memory_space<vmem>>) target(%dma_start3A_174 : memref<16384xf32, #tpu.memory_space<hbm>>) target_semaphore(%dma_start3A_173 : memref<!tpu.dma_semaphore, #tpu.memory_space<semaphore_mem>>)
      %mul3A_175 = arith.constant 4 : i32
      %mul3A_176 = arith.muli %scan3A_68, %mul3A_175 : i32
      %add3A_177 = arith.constant 3 : i32
      %add3A_178 = arith.addi %mul3A_176, %add3A_177 : i32
      %dma_wait3A_179 = arith.constant 3 : i32
      %dma_wait3A_180 = arith.constant 0 : i32
      %dma_wait3A_181 = tpu.memref_slice %arg2[%dma_wait3A_180] : memref<3276800xi32, #tpu.memory_space<hbm>> -> memref<256xi32, #tpu.memory_space<hbm>>
      %dma_wait3A_182 = tpu.memref_slice %arg14[%dma_wait3A_179] : memref<4x!tpu.dma_semaphore, #tpu.memory_space<semaphore_mem>> -> memref<1x!tpu.dma_semaphore, #tpu.memory_space<semaphore_mem>>
      %dma_wait3A_183 = tpu.memref_squeeze %dma_wait3A_182 : memref<1x!tpu.dma_semaphore, #tpu.memory_space<semaphore_mem>> -> memref<!tpu.dma_semaphore, #tpu.memory_space<semaphore_mem>>
      %dma_wait3A_184 = arith.constant 0 : i32
      %dma_wait3A_185 = tpu.memref_slice %arg2[%dma_wait3A_184] : memref<3276800xi32, #tpu.memory_space<hbm>> -> memref<256xi32, #tpu.memory_space<hbm>>
      tpu.wait_dma2 semaphore(%dma_wait3A_183 : memref<!tpu.dma_semaphore, #tpu.memory_space<semaphore_mem>>) src(%dma_wait3A_185 : memref<256xi32, #tpu.memory_space<hbm>>) dst(%arg9 : memref<256xi32, #tpu.memory_space<vmem>>)
      %gt3A_186 = arith.constant 0 : i32
      %gt3A_187 = arith.cmpi sgt, %scan3A_68, %gt3A_186 : i32
      %convert_element_type3A_188 = arith.extui %gt3A_187 : i1 to i32
      %cond3A_189 = arith.constant 0 : i32
      %cond3A_190 = arith.cmpi ne, %convert_element_type3A_188, %cond3A_189 : i32
      scf.if %cond3A_190 {
        %dma_wait3A_212 = arith.constant 3 : i32
        %dma_wait3A_213 = arith.constant 0 : i32
        %dma_wait3A_214 = tpu.memref_slice %arg4[%dma_wait3A_213] : memref<209715200xf32, #tpu.memory_space<hbm>> -> memref<16384xf32, #tpu.memory_space<hbm>>
        %dma_wait3A_215 = tpu.memref_slice %arg15[%dma_wait3A_212] : memref<4x!tpu.dma_semaphore, #tpu.memory_space<semaphore_mem>> -> memref<1x!tpu.dma_semaphore, #tpu.memory_space<semaphore_mem>>
        %dma_wait3A_216 = tpu.memref_squeeze %dma_wait3A_215 : memref<1x!tpu.dma_semaphore, #tpu.memory_space<semaphore_mem>> -> memref<!tpu.dma_semaphore, #tpu.memory_space<semaphore_mem>>
        %dma_wait3A_217 = arith.constant 0 : i32
        %dma_wait3A_218 = tpu.memref_slice %arg4[%dma_wait3A_217] : memref<209715200xf32, #tpu.memory_space<hbm>> -> memref<16384xf32, #tpu.memory_space<hbm>>
        tpu.wait_dma2 semaphore(%dma_wait3A_216 : memref<!tpu.dma_semaphore, #tpu.memory_space<semaphore_mem>>) src(%arg13 : memref<16384xf32, #tpu.memory_space<vmem>>) dst(%dma_wait3A_218 : memref<16384xf32, #tpu.memory_space<hbm>>)
      } else {
      }
      %parallel_loop3A_191 = arith.constant 0 : i32
      %parallel_loop3A_192 = arith.constant 256 : i32
      %parallel_loop3A_193 = arith.constant 1 : i32
      scf.for %parallel_loop3A_212 = %parallel_loop3A_191 to %parallel_loop3A_192 step %parallel_loop3A_193  : i32 {
        %parallel_loop3A_213 = vector.broadcast %parallel_loop3A_212 : i32 to vector<16xi32>
        %parallel_loop3A_214 = arith.addi %mul3A_5, %parallel_loop3A_213 : vector<16xi32>
        %parallel_loop3A_215 = tpu.vector_load_idx %arg9[%parallel_loop3A_214] : memref<256xi32, #tpu.memory_space<vmem>>[vector<16xi32>], vector<16xi32>,
        %parallel_loop3A_216 = arith.constant 64 : i32
        %parallel_loop3A_217 = vector.broadcast %parallel_loop3A_216 : i32 to vector<16xi32>
        %parallel_loop3A_218 = arith.muli %parallel_loop3A_215, %parallel_loop3A_217 : vector<16xi32>
        %parallel_loop3A_219 = arith.addi %parallel_loop3A_218, %iota3A : vector<16xi32>
        %parallel_loop3A_220 = arith.constant 0 : i32
        %parallel_loop3A_221 = vector.broadcast %parallel_loop3A_220 : i32 to vector<16xi32>
        %parallel_loop3A_222 = arith.addi %parallel_loop3A_219, %parallel_loop3A_221 : vector<16xi32>
        %parallel_loop3A_223 = tpu.vector_load_idx %arg5[%parallel_loop3A_222] : memref<12800xf32, #tpu.memory_space<vmem>>[vector<16xi32>], vector<16xf32>,
        %parallel_loop3A_224 = arith.constant 64 : i32
        %parallel_loop3A_225 = arith.muli %parallel_loop3A_212, %parallel_loop3A_224 : i32
        %parallel_loop3A_226 = arith.constant 0 : i32
        %parallel_loop3A_227 = arith.addi %parallel_loop3A_225, %parallel_loop3A_226 : i32
        %parallel_loop3A_228 = arith.index_cast %parallel_loop3A_227 : i32 to index
        %parallel_loop3A_229 = tpu.vector_load %arg13[%parallel_loop3A_228] {strides = array<i32>} : memref<16384xf32, #tpu.memory_space<vmem>>, vector<16xf32>,
        tpu.vector_store %arg13[%parallel_loop3A_228], %parallel_loop3A_223 {strides = array<i32>} : memref<16384xf32, #tpu.memory_space<vmem>>, vector<16xf32>,
        %parallel_loop3A_230 = arith.constant 16 : i32
        %parallel_loop3A_231 = vector.broadcast %parallel_loop3A_230 : i32 to vector<16xi32>
        %parallel_loop3A_232 = arith.addi %parallel_loop3A_219, %parallel_loop3A_231 : vector<16xi32>
        %parallel_loop3A_233 = tpu.vector_load_idx %arg5[%parallel_loop3A_232] : memref<12800xf32, #tpu.memory_space<vmem>>[vector<16xi32>], vector<16xf32>,
        %parallel_loop3A_234 = arith.constant 64 : i32
        %parallel_loop3A_235 = arith.muli %parallel_loop3A_212, %parallel_loop3A_234 : i32
        %parallel_loop3A_236 = arith.constant 16 : i32
        %parallel_loop3A_237 = arith.addi %parallel_loop3A_235, %parallel_loop3A_236 : i32
        %parallel_loop3A_238 = arith.index_cast %parallel_loop3A_237 : i32 to index
        %parallel_loop3A_239 = tpu.vector_load %arg13[%parallel_loop3A_238] {strides = array<i32>} : memref<16384xf32, #tpu.memory_space<vmem>>, vector<16xf32>,
        tpu.vector_store %arg13[%parallel_loop3A_238], %parallel_loop3A_233 {strides = array<i32>} : memref<16384xf32, #tpu.memory_space<vmem>>, vector<16xf32>,
        %parallel_loop3A_240 = arith.constant 32 : i32
        %parallel_loop3A_241 = vector.broadcast %parallel_loop3A_240 : i32 to vector<16xi32>
        %parallel_loop3A_242 = arith.addi %parallel_loop3A_219, %parallel_loop3A_241 : vector<16xi32>
        %parallel_loop3A_243 = tpu.vector_load_idx %arg5[%parallel_loop3A_242] : memref<12800xf32, #tpu.memory_space<vmem>>[vector<16xi32>], vector<16xf32>,
        %parallel_loop3A_244 = arith.constant 64 : i32
        %parallel_loop3A_245 = arith.muli %parallel_loop3A_212, %parallel_loop3A_244 : i32
        %parallel_loop3A_246 = arith.constant 32 : i32
        %parallel_loop3A_247 = arith.addi %parallel_loop3A_245, %parallel_loop3A_246 : i32
        %parallel_loop3A_248 = arith.index_cast %parallel_loop3A_247 : i32 to index
        %parallel_loop3A_249 = tpu.vector_load %arg13[%parallel_loop3A_248] {strides = array<i32>} : memref<16384xf32, #tpu.memory_space<vmem>>, vector<16xf32>,
        tpu.vector_store %arg13[%parallel_loop3A_248], %parallel_loop3A_243 {strides = array<i32>} : memref<16384xf32, #tpu.memory_space<vmem>>, vector<16xf32>,
        %parallel_loop3A_250 = arith.constant 48 : i32
        %parallel_loop3A_251 = vector.broadcast %parallel_loop3A_250 : i32 to vector<16xi32>
        %parallel_loop3A_252 = arith.addi %parallel_loop3A_219, %parallel_loop3A_251 : vector<16xi32>
        %parallel_loop3A_253 = tpu.vector_load_idx %arg5[%parallel_loop3A_252] : memref<12800xf32, #tpu.memory_space<vmem>>[vector<16xi32>], vector<16xf32>,
        %parallel_loop3A_254 = arith.constant 64 : i32
        %parallel_loop3A_255 = arith.muli %parallel_loop3A_212, %parallel_loop3A_254 : i32
        %parallel_loop3A_256 = arith.constant 48 : i32
        %parallel_loop3A_257 = arith.addi %parallel_loop3A_255, %parallel_loop3A_256 : i32
        %parallel_loop3A_258 = arith.index_cast %parallel_loop3A_257 : i32 to index
        %parallel_loop3A_259 = tpu.vector_load %arg13[%parallel_loop3A_258] {strides = array<i32>} : memref<16384xf32, #tpu.memory_space<vmem>>, vector<16xf32>,
        tpu.vector_store %arg13[%parallel_loop3A_258], %parallel_loop3A_253 {strides = array<i32>} : memref<16384xf32, #tpu.memory_space<vmem>>, vector<16xf32>,
      } {sc.loop_unroll_factor = 16 : i64, sc.parallel_access}
      %add3A_194 = arith.constant 4 : i32
      %add3A_195 = arith.addi %add3A_178, %add3A_194 : i32
      %lt3A_196 = arith.constant 400 : i32
      %lt3A_197 = arith.cmpi slt, %add3A_195, %lt3A_196 : i32
      %convert_element_type3A_198 = arith.extui %lt3A_197 : i1 to i32
      %cond3A_199 = arith.constant 0 : i32
      %cond3A_200 = arith.cmpi ne, %convert_element_type3A_198, %cond3A_199 : i32
      scf.if %cond3A_200 {
        %add3A_212 = arith.constant 4 : i32
        %add3A_213 = arith.addi %add3A_178, %add3A_212 : i32
        %mul3A_214 = arith.constant 256 : i32
        %mul3A_215 = arith.muli %add3A_213, %mul3A_214 : i32
        %add3A_216 = arith.addi %mul3A_2, %mul3A_215 : i32
        %multiple_of3A_217 = tpu.assume_multiple %add3A_216, 256 : i32
        %dma_start3A_218 = arith.constant 3 : i32
        %dma_start3A_219 = tpu.memref_slice %arg2[%multiple_of3A_217] : memref<3276800xi32, #tpu.memory_space<hbm>> -> memref<256xi32, #tpu.memory_space<hbm>>
        %dma_start3A_220 = tpu.memref_slice %arg14[%dma_start3A_218] : memref<4x!tpu.dma_semaphore, #tpu.memory_space<semaphore_mem>> -> memref<1x!tpu.dma_semaphore, #tpu.memory_space<semaphore_mem>>
        %dma_start3A_221 = tpu.memref_squeeze %dma_start3A_220 : memref<1x!tpu.dma_semaphore, #tpu.memory_space<semaphore_mem>> -> memref<!tpu.dma_semaphore, #tpu.memory_space<semaphore_mem>>
        %dma_start3A_222 = tpu.memref_slice %arg2[%multiple_of3A_217] : memref<3276800xi32, #tpu.memory_space<hbm>> -> memref<256xi32, #tpu.memory_space<hbm>>
        tpu.enqueue_dma source(%dma_start3A_222 : memref<256xi32, #tpu.memory_space<hbm>>) target(%arg9 : memref<256xi32, #tpu.memory_space<vmem>>) target_semaphore(%dma_start3A_221 : memref<!tpu.dma_semaphore, #tpu.memory_space<semaphore_mem>>)
      } else {
      }
      %mul3A_201 = arith.constant 256 : i32
      %mul3A_202 = arith.muli %add3A_178, %mul3A_201 : i32
      %add3A_203 = arith.addi %mul3A_2, %mul3A_202 : i32
      %mul3A_204 = arith.constant 64 : i32
      %mul3A_205 = arith.muli %add3A_203, %mul3A_204 : i32
      %multiple_of3A_206 = tpu.assume_multiple %mul3A_205, 16384 : i32
      %dma_start3A_207 = arith.constant 3 : i32
      %dma_start3A_208 = tpu.memref_slice %arg4[%multiple_of3A_206] : memref<209715200xf32, #tpu.memory_space<hbm>> -> memref<16384xf32, #tpu.memory_space<hbm>>
      %dma_start3A_209 = tpu.memref_slice %arg15[%dma_start3A_207] : memref<4x!tpu.dma_semaphore, #tpu.memory_space<semaphore_mem>> -> memref<1x!tpu.dma_semaphore, #tpu.memory_space<semaphore_mem>>
      %dma_start3A_210 = tpu.memref_squeeze %dma_start3A_209 : memref<1x!tpu.dma_semaphore, #tpu.memory_space<semaphore_mem>> -> memref<!tpu.dma_semaphore, #tpu.memory_space<semaphore_mem>>
      %dma_start3A_211 = tpu.memref_slice %arg4[%multiple_of3A_206] : memref<209715200xf32, #tpu.memory_space<hbm>> -> memref<16384xf32, #tpu.memory_space<hbm>>
      tpu.enqueue_dma source(%arg13 : memref<16384xf32, #tpu.memory_space<vmem>>) target(%dma_start3A_211 : memref<16384xf32, #tpu.memory_space<hbm>>) target_semaphore(%dma_start3A_210 : memref<!tpu.dma_semaphore, #tpu.memory_space<semaphore_mem>>)
    }
    %scan3A_40 = arith.constant 100 : i32
    %dma_wait3A = arith.constant 0 : i32
    %dma_wait3A_41 = arith.constant 0 : i32
    %dma_wait3A_42 = tpu.memref_slice %arg4[%dma_wait3A_41] : memref<209715200xf32, #tpu.memory_space<hbm>> -> memref<16384xf32, #tpu.memory_space<hbm>>
    %dma_wait3A_43 = tpu.memref_slice %arg15[%dma_wait3A] : memref<4x!tpu.dma_semaphore, #tpu.memory_space<semaphore_mem>> -> memref<1x!tpu.dma_semaphore, #tpu.memory_space<semaphore_mem>>
    %dma_wait3A_44 = tpu.memref_squeeze %dma_wait3A_43 : memref<1x!tpu.dma_semaphore, #tpu.memory_space<semaphore_mem>> -> memref<!tpu.dma_semaphore, #tpu.memory_space<semaphore_mem>>
    %dma_wait3A_45 = arith.constant 0 : i32
    %dma_wait3A_46 = tpu.memref_slice %arg4[%dma_wait3A_45] : memref<209715200xf32, #tpu.memory_space<hbm>> -> memref<16384xf32, #tpu.memory_space<hbm>>
    tpu.wait_dma2 semaphore(%dma_wait3A_44 : memref<!tpu.dma_semaphore, #tpu.memory_space<semaphore_mem>>) src(%arg10 : memref<16384xf32, #tpu.memory_space<vmem>>) dst(%dma_wait3A_46 : memref<16384xf32, #tpu.memory_space<hbm>>)
    %dma_wait3A_47 = arith.constant 1 : i32
    %dma_wait3A_48 = arith.constant 0 : i32
    %dma_wait3A_49 = tpu.memref_slice %arg4[%dma_wait3A_48] : memref<209715200xf32, #tpu.memory_space<hbm>> -> memref<16384xf32, #tpu.memory_space<hbm>>
    %dma_wait3A_50 = tpu.memref_slice %arg15[%dma_wait3A_47] : memref<4x!tpu.dma_semaphore, #tpu.memory_space<semaphore_mem>> -> memref<1x!tpu.dma_semaphore, #tpu.memory_space<semaphore_mem>>
    %dma_wait3A_51 = tpu.memref_squeeze %dma_wait3A_50 : memref<1x!tpu.dma_semaphore, #tpu.memory_space<semaphore_mem>> -> memref<!tpu.dma_semaphore, #tpu.memory_space<semaphore_mem>>
    %dma_wait3A_52 = arith.constant 0 : i32
    %dma_wait3A_53 = tpu.memref_slice %arg4[%dma_wait3A_52] : memref<209715200xf32, #tpu.memory_space<hbm>> -> memref<16384xf32, #tpu.memory_space<hbm>>
    tpu.wait_dma2 semaphore(%dma_wait3A_51 : memref<!tpu.dma_semaphore, #tpu.memory_space<semaphore_mem>>) src(%arg11 : memref<16384xf32, #tpu.memory_space<vmem>>) dst(%dma_wait3A_53 : memref<16384xf32, #tpu.memory_space<hbm>>)
    %dma_wait3A_54 = arith.constant 2 : i32
    %dma_wait3A_55 = arith.constant 0 : i32
    %dma_wait3A_56 = tpu.memref_slice %arg4[%dma_wait3A_55] : memref<209715200xf32, #tpu.memory_space<hbm>> -> memref<16384xf32, #tpu.memory_space<hbm>>
    %dma_wait3A_57 = tpu.memref_slice %arg15[%dma_wait3A_54] : memref<4x!tpu.dma_semaphore, #tpu.memory_space<semaphore_mem>> -> memref<1x!tpu.dma_semaphore, #tpu.memory_space<semaphore_mem>>
    %dma_wait3A_58 = tpu.memref_squeeze %dma_wait3A_57 : memref<1x!tpu.dma_semaphore, #tpu.memory_space<semaphore_mem>> -> memref<!tpu.dma_semaphore, #tpu.memory_space<semaphore_mem>>
    %dma_wait3A_59 = arith.constant 0 : i32
    %dma_wait3A_60 = tpu.memref_slice %arg4[%dma_wait3A_59] : memref<209715200xf32, #tpu.memory_space<hbm>> -> memref<16384xf32, #tpu.memory_space<hbm>>
    tpu.wait_dma2 semaphore(%dma_wait3A_58 : memref<!tpu.dma_semaphore, #tpu.memory_space<semaphore_mem>>) src(%arg12 : memref<16384xf32, #tpu.memory_space<vmem>>) dst(%dma_wait3A_60 : memref<16384xf32, #tpu.memory_space<hbm>>)
    %dma_wait3A_61 = arith.constant 3 : i32
    %dma_wait3A_62 = arith.constant 0 : i32
    %dma_wait3A_63 = tpu.memref_slice %arg4[%dma_wait3A_62] : memref<209715200xf32, #tpu.memory_space<hbm>> -> memref<16384xf32, #tpu.memory_space<hbm>>
    %dma_wait3A_64 = tpu.memref_slice %arg15[%dma_wait3A_61] : memref<4x!tpu.dma_semaphore, #tpu.memory_space<semaphore_mem>> -> memref<1x!tpu.dma_semaphore, #tpu.memory_space<semaphore_mem>>
    %dma_wait3A_65 = tpu.memref_squeeze %dma_wait3A_64 : memref<1x!tpu.dma_semaphore, #tpu.memory_space<semaphore_mem>> -> memref<!tpu.dma_semaphore, #tpu.memory_space<semaphore_mem>>
    %dma_wait3A_66 = arith.constant 0 : i32
    %dma_wait3A_67 = tpu.memref_slice %arg4[%dma_wait3A_66] : memref<209715200xf32, #tpu.memory_space<hbm>> -> memref<16384xf32, #tpu.memory_space<hbm>>
    tpu.wait_dma2 semaphore(%dma_wait3A_65 : memref<!tpu.dma_semaphore, #tpu.memory_space<semaphore_mem>>) src(%arg13 : memref<16384xf32, #tpu.memory_space<vmem>>) dst(%dma_wait3A_67 : memref<16384xf32, #tpu.memory_space<hbm>>)
    return
  }
}

</mosaic_0001>

<sc_bundles>
// kernel: kernel.3.cloned.1.call-start
scs
__scs_entry_jumppad:
0x0: {  	(pc) =	sbr.rel $0x88, $3  }
0x1: {  	(tag) =	ssettag $0x0;
	lr =	simm.s32 $0x1  }
0x2: {  	[smem:$0x3F9F] =	sst lr;
	_ =	strace $0xD0000000  }
0x3: {  	_ = 	snop  }
0x4: {  	_ = 	snop  }
0x5: {  	_ = 	snop  }
0x6: {  	_ = 	snop  }
0x7: {  	_ = 	snop  }
__scs_overlays_trampoline_lowered:
0x8: {  	[smem:$0x3FAE] =	sst s0  }
0x9: {  	[smem:$0x3FAF] =	sst s1  }
0xa: {  	[smem:$0x3FB0] =	sst s2  }
0xb: {  	[smem:$0x3FB1] =	sst s3  }
0xc: {  	[smem:$0x3FB2] =	sst s4  }
0xd: {  	[smem:$0x3FB3] =	sst s5  }
0xe: {  	[smem:$0x3FB4] =	sst s6  }
0xf: {  	[smem:$0x3FB5] =	sst s7  }
0x10: {  	[smem:$0x3FB6] =	sst s8  }
0x11: {  	[smem:$0x3FB7] =	sst s9;
	s0 =	simm.s32 @!p0 $0x0  }
0x12: {  	s1 =	sld [smem:$0x3F9D];
	s0 =	simm.s32 @p0 $0x1  }
0x13: {  	[smem:$0x3FB8] =	sst s0;
	s0 =	simm.s32 @!p1 $0x0  }
0x14: {  	s2 =	sld [smem:$0x3F9C];
	s0 =	simm.s32 @p1 $0x1  }
0x15: {  	[smem:$0x3FB9] =	sst s0;
	s0 =	simm.s32 @!p2 $0x0  }
0x16: {  	s3 =	sld [smem:$0x3FDB];
	s0 =	simm.s32 @p2 $0x1  }
0x17: {  	s4 =	simm.s32 $0x1BF5;
	[smem:$0x3FBB] =	sst s0  }
0x18: {  	s0 =	sld [smem:$0x3F9E];
	_ =	swait.ge [sflag:s4], $0x0  }
0x19: {  	s7 =	sld [smem:$0x3F9F]  }
0x1a: {  	s8 =	sadd.s32 $0xFFFFE003, lr  }
0x1b: {  	s9 =	sadd.s32 $0xFFFFFEF7, lr;
	s5 =	simm.s32 $0xFFFFFFFF;
	p2 =	slt.u32 s8, $0xFFFFF086  }
0x1c: {  	p1 =	slt.u32 s9, $0xF7A;
	s5 =	simm.s32 @!p2 $0x0  }
0x1d: {  	s5 =	simm.s32 @p1 $0x1;
	p0 =	seq.s32 s7, s2  }
0x1e: {  	s7 =	smul.u32 @!p0 $0xF7A, s2;
	p2 =	seq.s32 @!p0 s5, $0x0  }
0x1f: {  	s9 =	smul.u32 $0xF7A, s1;
	s8 =	simm.s32 @!p0 $0x1BF5;
	p2 =	por !p2, p0  }
0x20: {  	[sflag:s8] =	ssyncset.s32 @!p0 $0xFFFFF086;
	s6 =	sadd.s32 @!p0 s3, s7;
	s7 =	simm.s32 @!p0 $0x108  }
0x21: {  	s3 =	sadd.s32 s3, s9;
	s6 =	sadd.s32 @!p0 $0x88, s6;
	s7 =	simm.s32 @p2 $0x1082  }
0x22: {  	[simem:s7], [sflag:s8] =	dma.local @!p0 [hbm:s6], $0xF7A  }
0x23: {  	s9 =	sor.u32 $0xD0000000, s2;
	s6 =	simm.s32 $0x108;
	_ =	swait.ge @!p0 [sflag:s8], $0x0  }
0x24: {  	s3 =	sadd.s32 $0x88, s3;
	s6 =	simm.s32 @!p1 $0x1082;
	[sflag:s4] =	ssyncset.s32 $0xFFFFF086  }
0x25: {  	[simem:s6], [sflag:s4] =	dma.local [hbm:s3], $0xF7A  }
0x26: {  	[smem:$0x3F9F] =	sst s1;
	(tag) =	ssettag s2;
	_ =	strace s9  }
0x27: {  	s1 =	sld [smem:$0x3FAF]  }
0x28: {  	s2 =	sld [smem:$0x3FB0]  }
0x29: {  	s4 =	sld [smem:$0x3FB2]  }
0x2a: {  	p0 =	seq.s32 s5, $0x0;
	s5 =	sld [smem:$0x3FB3]  }
0x2b: {  	s6 =	sld [smem:$0x3FB4]  }
0x2c: {  	s7 =	sld [smem:$0x3FB5]  }
0x2d: {  	s3 =	simm.s32 $0x108;
	s8 =	sld [smem:$0x3FB6]  }
0x2e: {  	s3 =	simm.s32 @!p0 $0x1082;
	s9 =	sld [smem:$0x3FB7]  }
0x2f: {  	lr =	sadd.s32 s0, s3;
	s0 =	sld [smem:$0x3FAE]  }
0x30: {  	s3 =	sld [smem:$0x3FB1]  }
0x31: {  	[smem:$0x3FBA] =	sst s10  }
0x32: {  	s10 =	sld [smem:$0x3FB8];
	_ =	sdelay $0x3  }
0x33: {  	p0 =	seq.s32 s10, $0x1;
	s10 =	sld [smem:$0x3FBA];
	_ =	sdelay $0x3  }
0x34: {  	[smem:$0x3FBA] =	sst s10  }
0x35: {  	s10 =	sld [smem:$0x3FB9];
	_ =	sdelay $0x3  }
0x36: {  	p1 =	seq.s32 s10, $0x1;
	s10 =	sld [smem:$0x3FBA];
	_ =	sdelay $0x3  }
0x37: {  	[smem:$0x3FBA] =	sst s10  }
0x38: {  	s10 =	sld [smem:$0x3FBB]  }
0x39: {  	_ = 	snop;
	(pc) =	sbr.ind lr, $3  }
0x3a: {  	_ = 	snop  }
0x3b: {  	_ = 	snop  }
0x3c: {  	p2 =	seq.s32 s10, $0x1;
	s10 =	sld [smem:$0x3FBA]  }
0x3d: {  	_ =	shalt  }
0x3e: {  	_ =	shalt  }
0x3f: {  	_ =	shalt  }
0x40: {  	_ =	shalt  }
0x41: {  	_ =	shalt  }
0x42: {  	_ =	shalt  }
0x43: {  	_ =	shalt  }
0x44: {  	_ =	shalt  }
0x45: {  	_ =	shalt  }
0x46: {  	_ =	shalt  }
0x47: {  	_ =	shalt  }
0x48: {  	_ =	shalt  }
0x49: {  	_ =	shalt  }
0x4a: {  	_ =	shalt  }
0x4b: {  	_ =	shalt  }
0x4c: {  	_ =	shalt  }
0x4d: {  	_ =	shalt  }
0x4e: {  	_ =	shalt  }
0x4f: {  	_ =	shalt  }
0x50: {  	_ =	shalt  }
0x51: {  	_ =	shalt  }
0x52: {  	_ =	shalt  }
0x53: {  	_ =	shalt  }
0x54: {  	_ =	shalt  }
0x55: {  	_ =	shalt  }
0x56: {  	_ =	shalt  }
0x57: {  	_ =	shalt  }
0x58: {  	_ =	shalt  }
0x59: {  	_ =	shalt  }
0x5a: {  	_ =	shalt  }
0x5b: {  	_ =	shalt  }
0x5c: {  	_ =	shalt  }
0x5d: {  	_ =	shalt  }
0x5e: {  	_ =	shalt  }
0x5f: {  	_ =	shalt  }
0x60: {  	_ =	shalt  }
0x61: {  	_ =	shalt  }
0x62: {  	_ =	shalt  }
0x63: {  	_ =	shalt  }
0x64: {  	_ =	shalt  }
0x65: {  	_ =	shalt  }
0x66: {  	_ =	shalt  }
0x67: {  	_ =	shalt  }
0x68: {  	_ =	shalt  }
0x69: {  	_ =	shalt  }
0x6a: {  	_ =	shalt  }
0x6b: {  	_ =	shalt  }
0x6c: {  	_ =	shalt  }
0x6d: {  	_ =	shalt  }
0x6e: {  	_ =	shalt  }
0x6f: {  	_ =	shalt  }
0x70: {  	_ =	shalt  }
0x71: {  	_ =	shalt  }
0x72: {  	_ =	shalt  }
0x73: {  	_ =	shalt  }
0x74: {  	_ =	shalt  }
0x75: {  	_ =	shalt  }
0x76: {  	_ =	shalt  }
0x77: {  	_ =	shalt  }
0x78: {  	_ =	shalt  }
0x79: {  	_ =	shalt  }
0x7a: {  	_ =	shalt  }
0x7b: {  	_ =	shalt  }
0x7c: {  	_ =	shalt  }
0x7d: {  	_ =	shalt  }
0x7e: {  	_ =	shalt  }
0x7f: {  	_ =	shalt  }
0x80: {  	_ =	shalt  }
0x81: {  	_ =	shalt  }
0x82: {  	_ =	shalt  }
0x83: {  	_ =	shalt  }
0x84: {  	_ =	shalt  }
0x85: {  	_ =	shalt  }
0x86: {  	_ =	shalt  }
0x87: {  	_ =	shalt  }
.Lfunc_end0:
.L_simem_size_0:
called_computation.1_lowered:
.L_overlay_start_0:
0x88: {  	s2 =	sld [smem:$0x3FD9]  }
0x89: {  	s3 =	sld [smem:$0x3FFE];
	_ =	sdelay $0x1  }
0x8a: {  	s1 =	srdreg.scid  }
0x8b: {  	s0 =	sand.u32 $0x1, s1  }
0x8c: {  	s17 =	sshll.u32 s0, $0xA;
	s2 =	sadd.s32 s3, s2  }
0x8d: {  	s2 =	sadd.s32 s2, s17  }
0x8e: {  	[smem:$0x3FC6] =	sst s2  }
0x8f: {  	_ = 	snop  }
0x90: {  	s2 =	sld [smem:$0x3FD0];
	(tm) =	ssettm $0x1  }
0x91: {  	s18 =	sld [smem:$0x3FFB];
	_ =	sdelay $0x3  }
0x92: {  	_ =	strace s18  }
0x93: {  	s3 =	sld [smem:$0x3FFC];
	_ =	sdelay $0x3  }
0x94: {  	_ =	strace s3  }
0x95: {  	s3 =	sld [smem:$0x3FFD];
	_ =	sdelay $0x3  }
0x96: {  	_ =	strace s3  }
0x97: {  	_ =	strace $0x8FFFFFFF  }
0x98: {  	s19 =	sld [smem:$0x3FDB];
	_ =	sdelay $0x1  }
0x99: {  	s4 =	simm.s32 $_scs_section_size  }
0x9a: {  	s5 =	simm.s32 $_size__tile_overlayer_lowered;
	s6 =	simm.s32 $_tile_overlayer_lowered  }
0x9b: {  	s22 =	simm.s32 $0x1BFF;
	s21 =	sshll.u32 s6, $0x1;
	s3 =	sadd.s32 s4, s19  }
0x9c: {  	s7 =	simm.s32 $0x0;
	s20 =	sshll.u32 s5, $0x1;
	s5 =	sadd.s32 s21, s3  }
0x9d: {  	[timem:s7], [sflag:s22] =	dma.local [hbm:s5], s20  }
0x9e: {  	_ =	swait.ge [sflag:s22], s20  }
0x9f: {  	s4 =	ssub.s32 $0x0, s20;
	[sflag:s22] =	ssyncset.done $0x0  }
0xa0: {  	[sflag:s22] =	ssyncadd.s32 s4;
	_ =	sdelay $0x1  }
0xa1: {  	s23 =	simm.s32 $0x1B8B  }
0xa2: {  	_ =	swait.ge [sflag:s23], $0x1  }
0xa3: {  	[sflag:s23] =	ssyncset.done $0x0  }
0xa4: {  	s25 =	simm.s32 $0x1B8E;
	s24 =	sld [smem:$0x3FFE];
	[sflag:s23] =	ssyncadd.s32 $0xFFFFFFFF  }
0xa5: {  	s26 =	simm.s32 $execute0_lowered;
	[smem:$0x3FD2] =	sst s25  }
0xa6: {  	s5 =	sshll.u32 s26, $0x1;
	_ =	strace $0x80000046;
	[dreg:$0x1] =	wrdreg $0xFFFFFFFF  }
0xa7: {  	s28 =	simm.s32 $_size_execute0_lowered;
	s3 =	sadd.s32 s3, s5;
	[dreg:$0x0] =	wrdreg $0x0  }
0xa8: {  	s5 =	sshll.u32 s28, $0x1;
	[dreg:$0x2] =	wrdreg s3  }
0xa9: {  	[dreg:$0x3] =	wrdreg s5  }
0xaa: {  	[dreg:$0x4] =	wrdreg $0xC0  }
0xab: {  	_ =	task [dreg:s7], $0x5FFFF  }
0xac: {  	[dreg:$0x1] =	wrdreg $0xFFFFFFFF  }
0xad: {  	[dreg:$0x0] =	wrdreg $0x60  }
0xae: {  	[dreg:$0x2] =	wrdreg s24  }
0xaf: {  	[dreg:$0x3] =	wrdreg s2  }
0xb0: {  	[dreg:$0x4] =	wrdreg $0x9  }
0xb1: {  	_ =	task.clear_ibuf [dreg:s7], $0x5FFFF;
	_ =	strace $0x90000046  }
0xb2: {  	s29 =	simm.s32 $0x9;
	_ =	strace $0x80000048  }
0xb3: {  	_ =	swait.ge [sflag:s29], $0x1  }
0xb4: {  	[sflag:s29] =	ssyncadd.s32 $0xFFFFFFFF  }
0xb5: {  	_ =	strace $0x90000048  }
0xb6: {  	_ =	sfence  }
0xb7: {  	s30 =	sld [smem:$0x0];
	_ =	sdelay $0x2  }
0xb8: {  	s31 =	sshll.u32 s1, $0xD;
	s1 =	sshrl.u32 s1, $0x2  }
0xb9: {  	s3 =	sand.u32 $0x4000, s31;
	s1 =	sadd.s32 s1, s30  }
0xba: {  	s0 =	sor.u32 s3, s0;
	s1 =	sshll.u32 s1, $0x11  }
0xbb: {  	s0 =	sor.u32 s1, s0  }
0xbc: {  	s0 =	sadd.s32 $0x8F2B, s0  }
0xbd: {  	[sflag:s0] =	ssyncadd.remote.s32 $0x1  }
0xbe: {  	_ =	sfence.sel $0xFFFF  }
0xbf: {  	[dreg:$0x0] =	wrdreg $0xFFFFFFFF;
	(pc) =	sbr.abs _section_cstart, $3  }
0xc0: {  	[dreg:$0x1] =	wrdreg $0xFFFFFFFF  }
0xc1: {  	_ =	task.clear_ibuf [dreg:s7], $0x2FFFF;
	_ =	strace $0x9FFFFFFF  }
0xc2: {  	(tm) =	ssettm $0x7FFFFFFF  }
0xc3: {  	_ =	shalt  }
tec
execute0_lowered:
.L_overlay_start_1:
0x0: {  	(tag) =	ssettag $0x1  }
0x1: {  	s0 =	rddreg [dreg:$0x0];
	s1 =	srdreg.scid  }
0x2: {  	s3 =	stileid.u32;
	s2 =	rddreg [dreg:$0x1]  }
0x3: {  	s20 =	simm.s32 $0x3200;
	s29 =	simm.s32 $0x3;
	s31 =	simm.s32 $0x4  }
0x4: {  	s1 =	sand.u32 $0x1, s1;
	s4 =	sshll.u32 s3, $0x1;
	s3 =	simm.s32 $0x0  }
0x5: {  	s5 =	sor.u32 s1, s4;
	[smem:$0x7FF] =	sst s3;
	s1 =	ssub.s32 $0x2, s1  }
0x6: {  	s4 =	sadd.s32 $0x1000, s0;
	s0 =	sadd.s32 $0x800, s0;
	s6 =	smul.u32 $0x19000, s5  }
0x7: {  	_ =	strace $0x80000047;
	s7 =	sshrl.u32 s1, $0x1;
	s26 =	smul.u32 $0x640000, s5  }
0x8: {  	[dreg:$0x3] =	wrdreg s0;
	s5 =	simm.s32 $0x0;
	s21 =	ssub.s32 s1, s7  }
0x9: {  	s8 =	sshrl.u32 s6, $0x3;
	s25 =	sor.u32 $0x400, s6;
	[dreg:$0x9] =	wrdreg s26  }
0xa: {  	s28 =	sor.u32 $0x500, s6;
	s30 =	sor.u32 $0x100, s6;
	[dreg:$0x8] =	wrdreg s25  }
0xb: {  	s14 =	sor.u32 $0x600, s6;
	s15 =	sor.u32 $0x200, s6;
	[dreg:$0xa] =	wrdreg s28  }
0xc: {  	s16 =	sor.u32 $0x700, s6;
	s0 =	smax.u32 s21, $0x1;
	[dreg:$0xb] =	wrdreg s30  }
0xd: {  	s17 =	sor.u32 $0x300, s6;
	s22 =	sadd.s32 s4, s8;
	[dreg:$0xc] =	wrdreg s0  }
0xe: {  	s21 =	simm.s32 $0x3300;
	s23 =	sadd.s32 $0x20, s22;
	[dreg:$0x4] =	wrdreg s22  }
0xf: {  	s26 =	simm.s32 $0x2;
	s24 =	sadd.s32 $0x40, s22;
	[dreg:$0x5] =	wrdreg s23  }
0x10: {  	v0 =	vlaneseq.u32;
	s1 =	sadd.s32 $0x60, s22;
	s22 =	simm.s32 $0x3400;
	[dreg:$0x6] =	wrdreg s24  }
0x11: {  	v1 =	vor.u32 $0x10, v0;
	v2 =	vor.u32 $0x20, v0;
	v3 =	vor.u32 $0x30, v0;
	[dreg:$0x7] =	wrdreg s1;
	s23 =	simm.s32 $0x3500;
	s24 =	simm.s32 $0x1  }
.LBB2_1:
0x12: {  	[dreg:$0xd] =	wrdreg s5  }
0x13: {  	s0 =	rddreg [dreg:$0x3];
	s18 =	simm.s32 $0x9  }
0x14: {  	[tilespmem:s3], [sflag:$0x9] =	stream.linear.gather [hbm4b:s0+s3], $0x3200, $0x38;
	[tilespmem:$0x13600] =	vst v63  }
0x15: {  	_ =	swait.ge [sflag:s18], $0x3200  }
0x16: {  	[sflag:s18] =	ssyncset.done $0x0  }
0x17: {  	s19 =	rddreg [dreg:$0x4];
	[sflag:s18] =	ssyncadd.s32 $0xFFFFCE00  }
0x18: {  	[tilespmem:s20], [sflag:$0x1] =	stream.linear.gather [hbm4b:s19+s3], $0x100, $0x38;
	[tilespmem:$0x13600] =	vst v63  }
0x19: {  	s25 =	rddreg [dreg:$0x5]  }
0x1a: {  	[tilespmem:s21], [sflag:$0x2] =	stream.linear.gather [hbm4b:s25+s3], $0x100, $0x38;
	[tilespmem:$0x13600] =	vst v63  }
0x1b: {  	s28 =	rddreg [dreg:$0x6]  }
0x1c: {  	[tilespmem:s22], [sflag:$0x3] =	stream.linear.gather [hbm4b:s28+s3], $0x100, $0x38;
	[tilespmem:$0x13600] =	vst v63  }
0x1d: {  	s30 =	rddreg [dreg:$0x7];
	s18 =	simm.s32 $0x0  }
0x1e: {  	[tilespmem:s23], [sflag:$0x4] =	stream.linear.gather [hbm4b:s30+s3], $0x100, $0x38;
	[tilespmem:$0x13600] =	vst v63  }
.LBB2_2:
0x1f: {  	s0 =	simm.s32 $0x0  }
0x20: {  	s1 =	simm.s32 $0xF;
	s30 =	simm.s32 $0x1;
	v4 =	vmov s0  }
0x21: {  	_ =	swait.ge [sflag:s24], $0x100;
	s5 =	simm.s32 $0x2;
	v5 =	vmov s1;
	v6 =	vmov s30;
	v4 =	vand.u32 $0xFFFFFFF0, v4  }
0x22: {  	p0 =	seq.s32 s18, $0x0;
	s6 =	simm.s32 $0x3;
	[sflag:s24] =	ssyncset.done $0x0;
	v7 =	vmov s5;
	v6 =	vand.u32 $0xFFFFFFF1, v6;
	v4 =	vbroadcast v4, $0x0  }
0x23: {  	s7 =	simm.s32 $0x4;
	s1 =	simm.s32 @!p0 $0x5;
	v8 =	vmov s6;
	[sflag:s24] =	ssyncadd.s32 $0xFFFFFF00;
	v7 =	vand.u32 $0xFFFFFFF2, v7;
	v6 =	vbroadcast v6, $0x0  }
0x24: {  	s8 =	simm.s32 $0x5;
	v9 =	vmov s7;
	v8 =	vand.u32 $0xFFFFFFF3, v8;
	_ =	swait.ge @!p0 [sflag:s1], $0x4000;
	v7 =	vbroadcast v7, $0x0  }
0x25: {  	s9 =	simm.s32 $0x6;
	v10 =	vmov s8;
	v9 =	vand.u32 $0xFFFFFFF4, v9;
	v8 =	vbroadcast v8, $0x0;
	[sflag:s1] =	ssyncset.done @!p0 $0x0  }
0x26: {  	s19 =	simm.s32 $0xB;
	v11 =	vmov s9;
	v10 =	vand.u32 $0xFFFFFFF5, v10;
	v9 =	vbroadcast v9, $0x0;
	[sflag:s1] =	ssyncadd.s32 @!p0 $0xFFFFC000  }
0x27: {  	s25 =	simm.s32 $0xE;
	v16 =	vmov s19;
	v11 =	vand.u32 $0xFFFFFFF6, v11;
	v10 =	vbroadcast v10, $0x0;
	v5 =	vld.idx.msk [tilespmem:v5+s20+$0x0], $0xffff  }
0x28: {  	s10 =	simm.s32 $0x7;
	v17 =	vmov s25;
	v16 =	vand.u32 $0xFFFFFFFB, v16;
	v11 =	vbroadcast v11, $0x0;
	v4 =	vld.idx.msk [tilespmem:v4+s20+$0x0], $0xffff  }
0x29: {  	v12 =	vmov s10;
	s30 =	simm.s32 $0xC;
	v17 =	vand.u32 $0xFFFFFFFE, v17;
	v16 =	vbroadcast v16, $0x0;
	v14 =	vld.idx.msk [tilespmem:v6+s20+$0x0], $0xffff  }
0x2a: {  	s13 =	simm.s32 $0xA;
	v12 =	vand.u32 $0xFFFFFFF7, v12;
	v18 =	vmov s30;
	v17 =	vbroadcast v17, $0x0;
	v7 =	vld.idx.msk [tilespmem:v7+s20+$0x0], $0xffff  }
0x2b: {  	s11 =	simm.s32 $0x8;
	v15 =	vmov s13;
	v18 =	vand.u32 $0xFFFFFFFC, v18;
	v6 =	vbroadcast v12, $0x0;
	v8 =	vld.idx.msk [tilespmem:v8+s20+$0x0], $0xffff  }
0x2c: {  	s12 =	simm.s32 $0x9;
	v13 =	vmov s11;
	v15 =	vand.u32 $0xFFFFFFFA, v15;
	v21 =	vbroadcast v18, $0x0;
	v9 =	vld.idx.msk [tilespmem:v9+s20+$0x0], $0xffff  }
0x2d: {  	v15 =	vbroadcast v15, $0x0;
	v12 =	vand.u32 $0xFFFFFFF8, v13;
	v13 =	vmov s12;
	v10 =	vld.idx.msk [tilespmem:v10+s20+$0x0], $0xffff  }
0x2e: {  	v11 =	vld.idx.msk [tilespmem:v11+s20+$0x0], $0xffff;
	v12 =	vbroadcast v12, $0x0;
	v13 =	vand.u32 $0xFFFFFFF9, v13  }
0x2f: {  	s1 =	simm.s32 $0xD;
	v26 =	vld.idx.msk [tilespmem:v16+s20+$0x0], $0xffff;
	v13 =	vbroadcast v13, $0x0  }
0x30: {  	v19 =	vmov s1;
	v16 =	vld.idx.msk [tilespmem:v17+s20+$0x0], $0xffff;
	v18 =	vshll.u32 v7, $0x6  }
0x31: {  	v5 =	vshll.u32 v5, $0x6;
	v17 =	vshll.u32 v8, $0x6;
	v20 =	vld.idx.msk [tilespmem:v6+s20+$0x0], $0xffff;
	v27 =	vor.u32 v0, v18  }
0x32: {  	v21 =	vld.idx.msk [tilespmem:v21+s20+$0x0], $0xffff;
	v6 =	vand.u32 $0xFFFFFFFD, v19;
	v19 =	vshll.u32 v14, $0x6;
	v28 =	vor.u32 v0, v17  }
0x33: {  	v23 =	vbroadcast v6, $0x0;
	v6 =	vshll.u32 v4, $0x6;
	v4 =	vld.idx.msk [tilespmem:v15+s20+$0x0], $0xffff;
	v15 =	vor.u32 v0, v5  }
0x34: {  	v7 =	vshll.u32 v11, $0x6;
	v22 =	vld.idx.msk [tilespmem:v12+s20+$0x0], $0xffff;
	v14 =	vor.u32 v0, v19  }
0x35: {  	v11 =	vor.u32 v0, v7;
	v24 =	vld.idx.msk [tilespmem:v13+s20+$0x0], $0xffff  }
0x36: {  	v8 =	vshll.u32 v20, $0x6;
	v20 =	vld.idx.msk [tilespmem:v27+s3+$0x0], $0xffff  }
0x37: {  	v12 =	vshll.u32 v9, $0x6;
	v25 =	vor.u32 v0, v6;
	v28 =	vld.idx.msk [tilespmem:v28+s3+$0x0], $0xffff  }
0x38: {  	v9 =	vor.u32 v0, v12;
	v13 =	vshll.u32 v10, $0x6;
	v29 =	vld.idx.msk [tilespmem:v15+s3+$0x0], $0xffff  }
0x39: {  	v10 =	vor.u32 v0, v13;
	v30 =	vld.idx.msk [tilespmem:v14+s3+$0x0], $0xffff  }
0x3a: {  	v31 =	vshll.u32 v16, $0x6;
	v27 =	vor.u32 v0, v8;
	v15 =	vshll.u32 v4, $0x6;
	v4 =	vld.idx.msk [tilespmem:v11+s3+$0x0], $0xffff  }
0x3b: {  	v14 =	vshll.u32 v22, $0x6;
	v22 =	vor.u32 v0, v31;
	v23 =	vld.idx.msk [tilespmem:v23+s20+$0x0], $0xffff  }
0x3c: {  	v38 =	vor.u32 v1, v18;
	v25 =	vld.idx.msk [tilespmem:v25+s3+$0x0], $0xffff  }
0x3d: {  	v39 =	vor.u32 v1, v17;
	v32 =	vld.idx.msk [tilespmem:v9+s3+$0x0], $0xffff  }
0x3e: {  	v33 =	vor.u32 v0, v14;
	v16 =	vshll.u32 v24, $0x6;
	v24 =	vld.idx.msk [tilespmem:v10+s3+$0x0], $0xffff  }
0x3f: {  	s19 =	simm.s32 $0x3800;
	v11 =	vshll.u32 v26, $0x6;
	v35 =	vor.u32 v0, v15;
	v26 =	vld.idx.msk [tilespmem:v27+s3+$0x0], $0xffff  }
0x40: {  	v37 =	vor.u32 v1, v19;
	[tilespmem:s19+$0xFFFFFE80] =	vst v20;
	v22 =	vld.idx.msk [tilespmem:v22+s3+$0x0], $0xffff  }
0x41: {  	v9 =	vshll.u32 v21, $0x6;
	v34 =	vor.u32 v0, v16;
	[tilespmem:s19+$0xFFFFFEC0] =	vst v28;
	v63 =	vld.idx.msk [tilespmem:v38+s3+$0x0], $0xffff  }
0x42: {  	v21 =	vor.u32 v0, v9;
	v45 =	vld.idx.msk [tilespmem:v39+s3+$0x0], $0xffff  }
0x43: {  	v40 =	vor.u32 v1, v12;
	v10 =	vshll.u32 v23, $0x6;
	v23 =	vld.idx.msk [tilespmem:v33+s3+$0x0], $0xffff  }
0x44: {  	v20 =	vor.u32 v1, v7;
	[tilespmem:s19+$0xFFFFFE40] =	vst v30;
	v35 =	vld.idx.msk [tilespmem:v35+s3+$0x0], $0xffff  }
0x45: {  	v27 =	vor.u32 v0, v11;
	v62 =	vld.idx.msk [tilespmem:v37+s3+$0x0], $0xffff  }
0x46: {  	v36 =	vor.u32 v1, v31;
	[tilespmem:s19+$0xFFFFFF80] =	vst v4;
	v34 =	vld.idx.msk [tilespmem:v34+s3+$0x0], $0xffff  }
0x47: {  	v46 =	vor.u32 v1, v8;
	[tilespmem:s19+$0xFFFFFF00] =	vst v32;
	v21 =	vld.idx.msk [tilespmem:v21+s3+$0x0], $0xffff  }
0x48: {  	[tilespmem:s19+$0x1C0] =	vst v29;
	v60 =	vor.u32 v0, v10;
	v47 =	vld.idx.msk [tilespmem:v40+s3+$0x0], $0xffff  }
0x49: {  	[tilespmem:s19+$0xFFFFFF40] =	vst v24;
	v24 =	vor.u32 v1, v14;
	v20 =	vld.idx.msk [tilespmem:v20+s3+$0x0], $0xffff  }
0x4a: {  	v48 =	vor.u32 v1, v15;
	v27 =	vld.idx.msk [tilespmem:v27+s3+$0x0], $0xffff;
	[tilespmem:s19+$0x180] =	vst v22  }
0x4b: {  	v51 =	vor.u32 v1, v6;
	[tilespmem:s19+$0xFFFFFFC0] =	vst v26;
	v61 =	vld.idx.msk [tilespmem:v36+s3+$0x0], $0xffff  }
0x4c: {  	v4 =	vor.u32 v1, v16;
	[tilespmem:s19+$0xFFFFFE00] =	vst v25;
	v49 =	vld.idx.msk [tilespmem:v46+s3+$0x0], $0xffff  }
0x4d: {  	s7 =	simm.s32 $0x40;
	v53 =	vor.u32 v2, v12;
	[tilespmem:s19+$0x0] =	vst v23;
	v33 =	vld.idx.msk [tilespmem:v60+s3+$0x0], $0xffff  }
0x4e: {  	s6 =	sor.u32 $0x50, s7;
	v25 =	vor.u32 v2, v17;
	[tilespmem:s19+$0x80] =	vst v35;
	v24 =	vld.idx.msk [tilespmem:v24+s3+$0x0], $0xffff  }
0x4f: {  	v22 =	vor.u32 v1, v13;
	[tilespmem:s6+$0x3600] =	vst v62;
	v35 =	vld.idx.msk [tilespmem:v48+s3+$0x0], $0xffff  }
0x50: {  	v55 =	vor.u32 v2, v7;
	s6 =	simm.s32 $0xC0;
	[tilespmem:s19+$0x40] =	vst v34;
	v34 =	vld.idx.msk [tilespmem:v51+s3+$0x0], $0xffff  }
0x51: {  	v26 =	vor.u32 v1, v11;
	s8 =	sor.u32 $0x50, s6;
	[tilespmem:s19+$0xFFFFFF10] =	vst v47;
	v50 =	vld.idx.msk [tilespmem:v4+s3+$0x0], $0xffff  }
0x52: {  	v23 =	vor.u32 v1, v9;
	[tilespmem:s8+$0x3600] =	vst v45;
	v29 =	vld.idx.msk [tilespmem:v53+s3+$0x0], $0xffff  }
0x53: {  	v44 =	vor.u32 v2, v31;
	[tilespmem:s19+$0x100] =	vst v21;
	v25 =	vld.idx.msk [tilespmem:v25+s3+$0x0], $0xffff  }
0x54: {  	v21 =	vor.u32 v1, v5;
	[tilespmem:s19+$0xFFFFFF90] =	vst v20;
	v22 =	vld.idx.msk [tilespmem:v22+s3+$0x0], $0xffff  }
0x55: {  	v56 =	vor.u32 v2, v8;
	[tilespmem:s19+$0xC0] =	vst v27;
	v37 =	vld.idx.msk [tilespmem:v55+s3+$0x0], $0xffff  }
0x56: {  	s28 =	simm.s32 $0x1C0;
	[tilespmem:s19+$0xFFFFFE90] =	vst v63;
	v4 =	vor.u32 v1, v10;
	v26 =	vld.idx.msk [tilespmem:v26+s3+$0x0], $0xffff  }
0x57: {  	s10 =	sor.u32 $0x50, s28;
	v60 =	vor.u32 v2, v6;
	[tilespmem:s19+$0x190] =	vst v61;
	v23 =	vld.idx.msk [tilespmem:v23+s3+$0x0], $0xffff  }
0x58: {  	v20 =	vor.u32 v2, v15;
	[tilespmem:s10+$0x3600] =	vst v49;
	v28 =	vld.idx.msk [tilespmem:v44+s3+$0x0], $0xffff  }
0x59: {  	v27 =	vor.u32 v2, v19;
	[tilespmem:s19+$0x140] =	vst v33;
	v21 =	vld.idx.msk [tilespmem:v21+s3+$0x0], $0xffff  }
0x5a: {  	v54 =	vor.u32 v2, v13;
	v38 =	vld.idx.msk [tilespmem:v56+s3+$0x0], $0xffff;
	[tilespmem:s19+$0x10] =	vst v24  }
0x5b: {  	v7 =	vor.u32 v3, v7;
	[tilespmem:s19+$0xFFFFFE10] =	vst v34;
	v33 =	vld.idx.msk [tilespmem:v4+s3+$0x0], $0xffff  }
0x5c: {  	s1 =	simm.s32 $0x140;
	v52 =	vor.u32 v2, v18;
	s30 =	sor.u32 $0x60, s6;
	[tilespmem:s19+$0x90] =	vst v35;
	v61 =	vld.idx.msk [tilespmem:v60+s3+$0x0], $0xffff  }
0x5d: {  	s9 =	sor.u32 $0x50, s1;
	v24 =	vor.u32 v2, v9;
	v20 =	vld.idx.msk [tilespmem:v20+s3+$0x0], $0xffff;
	[tilespmem:s30+$0x3600] =	vst v25  }
0x5e: {  	s5 =	simm.s32 $0x1F;
	v31 =	vor.u32 v3, v31;
	v27 =	vld.idx.msk [tilespmem:v27+s3+$0x0], $0xffff;
	[tilespmem:s9+$0x3600] =	vst v22  }
0x5f: {  	v4 =	vmov s5;
	[tilespmem:s19+$0xFFFFFFA0] =	vst v37;
	v36 =	vld.idx.msk [tilespmem:v54+s3+$0x0], $0xffff  }
0x60: {  	v58 =	vor.u32 v2, v11;
	v25 =	vor.u32 v3, v8;
	[tilespmem:s19+$0x110] =	vst v23;
	v8 =	vld.idx.msk [tilespmem:v7+s3+$0x0], $0xffff  }
0x61: {  	s25 =	simm.s32 $0x240;
	v59 =	vor.u32 v2, v10;
	[tilespmem:s19+$0x1A0] =	vst v28;
	v28 =	vld.idx.msk [tilespmem:v52+s3+$0x0], $0xffff  }
0x62: {  	s11 =	sor.u32 $0x50, s25;
	s9 =	simm.s32 $0x2C0;
	v23 =	vld.idx.msk [tilespmem:v24+s3+$0x0], $0xffff  }
0x63: {  	s8 =	simm.s32 $0x340;
	[tilespmem:s11+$0x3600] =	vst v50;
	v22 =	vor.u32 v2, v16;
	s12 =	sor.u32 $0x50, s9;
	v31 =	vld.idx.msk [tilespmem:v31+s3+$0x0], $0xffff  }
0x64: {  	v12 =	vor.u32 v3, v12;
	s5 =	sor.u32 $0x50, s8;
	[tilespmem:s12+$0x3600] =	vst v26;
	v4 =	vld.idx.msk [tilespmem:v4+s20+$0x0], $0xffff  }
0x65: {  	v19 =	vor.u32 v3, v19;
	s11 =	sor.u32 $0x60, s28;
	v30 =	vld.idx.msk [tilespmem:v58+s3+$0x0], $0xffff;
	[tilespmem:s5+$0x3600] =	vst v33  }
0x66: {  	v57 =	vor.u32 v2, v14;
	[tilespmem:s11+$0x3600] =	vst v38;
	v24 =	vld.idx.msk [tilespmem:v59+s3+$0x0], $0xffff  }
0x67: {  	v13 =	vor.u32 v3, v13;
	v7 =	vld.idx.msk [tilespmem:v25+s3+$0x0], $0xffff  }
0x68: {  	s10 =	sor.u32 $0x60, s7;
	[tilespmem:s19+$0xFFFFFF20] =	vst v29;
	v26 =	vor.u32 v2, v5;
	v22 =	vld.idx.msk [tilespmem:v22+s3+$0x0], $0xffff  }
0x69: {  	v17 =	vor.u32 v3, v17;
	[tilespmem:s10+$0x3600] =	vst v27;
	s10 =	sor.u32 $0x60, s1;
	v27 =	vld.idx.msk [tilespmem:v12+s3+$0x0], $0xffff  }
0x6a: {  	s0 =	simm.s32 $0x3C0;
	v18 =	vor.u32 v3, v18;
	v19 =	vld.idx.msk [tilespmem:v19+s3+$0x0], $0xffff;
	[tilespmem:s10+$0x3600] =	vst v36  }
0x6b: {  	s13 =	sor.u32 $0x50, s0;
	v11 =	vor.u32 v3, v11;
	s5 =	simm.s32 $0x10;
	[tilespmem:s19+$0x1B0] =	vst v31;
	v31 =	vld.idx.msk [tilespmem:v57+s3+$0x0], $0xffff  }
0x6c: {  	v14 =	vor.u32 v3, v14;
	[tilespmem:s13+$0x3600] =	vst v21;
	v62 =	vld.idx.msk [tilespmem:v13+s3+$0x0], $0xffff;
	v13 =	vor.u32 v3, v15;
	v15 =	vmov s5  }
0x6d: {  	v12 =	vor.u32 v3, v16;
	v21 =	vld.idx.msk [tilespmem:v26+s3+$0x0], $0xffff;
	v15 =	vand.u32 $0xFFFFFFF0, v15  }
0x6e: {  	s13 =	sor.u32 $0x60, s9;
	[tilespmem:s19+$0xFFFFFEA0] =	vst v28;
	v26 =	vld.idx.msk [tilespmem:v17+s3+$0x0], $0xffff;
	v15 =	vbroadcast v15, $0x0  }
0x6f: {  	v18 =	vld.idx.msk [tilespmem:v18+s3+$0x0], $0xffff;
	[tilespmem:s13+$0x3600] =	vst v30  }
0x70: {  	s30 =	simm.s32 $0x11;
	s12 =	sor.u32 $0x60, s25;
	s11 =	simm.s32 $0x12;
	v25 =	vor.u32 v3, v5;
	v16 =	vor.u32 v3, v9;
	v11 =	vld.idx.msk [tilespmem:v11+s3+$0x0], $0xffff;
	[tilespmem:s19+$0x20] =	vst v31  }
0x71: {  	v17 =	vmov s11;
	[tilespmem:s12+$0x3600] =	vst v22;
	v9 =	vld.idx.msk [tilespmem:v14+s3+$0x0], $0xffff;
	v14 =	vor.u32 v3, v10;
	v10 =	vmov s30  }
0x72: {  	[tilespmem:s19+$0xA0] =	vst v20;
	v5 =	vand.u32 $0xFFFFFFF2, v17;
	v22 =	vor.u32 v3, v6;
	v6 =	vld.idx.msk [tilespmem:v12+s3+$0x0], $0xffff;
	s30 =	simm.s32 $0x13;
	v12 =	vand.u32 $0xFFFFFFF1, v10  }
0x73: {  	[tilespmem:s19+$0x120] =	vst v23;
	v23 =	vbroadcast v5, $0x0;
	s12 =	simm.s32 $0x14;
	v10 =	vld.idx.msk [tilespmem:v13+s3+$0x0], $0xffff;
	v63 =	vbroadcast v12, $0x0;
	v12 =	vmov s30  }
0x74: {  	[tilespmem:s19+$0xFFFFFE20] =	vst v61;
	s13 =	sor.u32 $0x60, s8;
	v13 =	vmov s12;
	v15 =	vld.idx.msk [tilespmem:v15+s20+$0x0], $0xffff;
	s30 =	simm.s32 $0x15;
	v5 =	vand.u32 $0xFFFFFFF3, v12  }
0x75: {  	s11 =	simm.s32 $0x16;
	[tilespmem:s13+$0x3600] =	vst v24;
	v12 =	vld.idx.msk [tilespmem:v16+s3+$0x0], $0xffff;
	v16 =	vmov s30;
	v24 =	vbroadcast v5, $0x0;
	v5 =	vand.u32 $0xFFFFFFF4, v13  }
0x76: {  	v17 =	vmov s11;
	s13 =	simm.s32 $0x17;
	[tilespmem:s19+$0xFFFFFF30] =	vst v27;
	s12 =	sor.u32 $0x60, s0;
	v16 =	vand.u32 $0xFFFFFFF5, v16;
	v13 =	vld.idx.msk [tilespmem:v14+s3+$0x0], $0xffff;
	v5 =	vbroadcast v5, $0x0  }
0x77: {  	s7 =	sor.u32 $0x70, s7;
	v17 =	vand.u32 $0xFFFFFFF6, v17;
	[tilespmem:s12+$0x3600] =	vst v21;
	s30 =	simm.s32 $0x18;
	v14 =	vld.idx.msk [tilespmem:v22+s3+$0x0], $0xffff;
	v20 =	vbroadcast v16, $0x0;
	v22 =	vmov s13  }
0x78: {  	s11 =	simm.s32 $0x19;
	[tilespmem:s7+$0x3600] =	vst v19;
	v21 =	vbroadcast v17, $0x0;
	v16 =	vld.idx.msk [tilespmem:v25+s3+$0x0], $0xffff;
	v25 =	vmov s30;
	v19 =	vand.u32 $0xFFFFFFF7, v22  }
0x79: {  	s6 =	sor.u32 $0x70, s6;
	[tilespmem:s19+$0xFFFFFEB0] =	vst v18;
	v18 =	vld.idx.msk [tilespmem:v23+s20+$0x0], $0xffff;
	s12 =	simm.s32 $0x1A;
	v22 =	vbroadcast v19, $0x0;
	v19 =	vand.u32 $0xFFFFFFF8, v25;
	v25 =	vmov s11  }
0x7a: {  	[tilespmem:s6+$0x3600] =	vst v26;
	v26 =	vmov s12;
	s13 =	simm.s32 $0x1B;
	s30 =	sor.u32 $0x70, s1;
	v17 =	vld.idx.msk [tilespmem:v63+s20+$0x0], $0xffff;
	v23 =	vbroadcast v19, $0x0;
	v25 =	vand.u32 $0xFFFFFFF9, v25  }
0x7b: {  	s7 =	simm.s32 $0x20;
	s6 =	sshll.u32 s18, $0xA;
	s1 =	simm.s32 $0x1E;
	[tilespmem:s30+$0x3600] =	vst v62;
	v19 =	vld.idx.msk [tilespmem:v24+s20+$0x0], $0xffff;
	v24 =	vbroadcast v25, $0x0;
	v25 =	vand.u32 $0xFFFFFFFA, v26;
	v26 =	vmov s13  }
.LBB2_3:
0x7c: {  	p1 =	slt.u32 s7, $0xF0;
	v27 =	vld.idx.msk [tilespmem:v5+s20+$0x0], $0xffff;
	v25 =	vbroadcast v25, $0x0;
	v5 =	vand.u32 $0xFFFFFFFB, v26;
	s10 =	sadd.s32 $0xC, s5;
	v26 =	vmov s1;
	[tilespmem:s19+$0xFFFFFFB0] =	vst v8;
	s1 =	sor.u32 $0x70, s28  }
0x7d: {  	v8 =	vld.idx.msk [tilespmem:v20+s20+$0x0], $0xffff;
	v20 =	vbroadcast v5, $0x0;
	v5 =	vmov s10;
	s10 =	sadd.s32 $0xD, s5;
	v26 =	vand.u32 $0xFFFFFFFE, v26;
	[tilespmem:s1+$0x3600] =	vst v7;
	s5 =	smov.u32 s7  }
0x7e: {  	s1 =	sor.u32 $0x70, s25;
	v7 =	vld.idx.msk [tilespmem:v21+s20+$0x0], $0xffff;
	v5 =	vand.u32 $0xFFFFFFFC, v5;
	v21 =	vmov s10;
	v26 =	vbroadcast v26, $0x0;
	[tilespmem:s19+$0x30] =	vst v9  }
0x7f: {  	v9 =	vld.idx.msk [tilespmem:v22+s20+$0x0], $0xffff;
	v22 =	vbroadcast v5, $0x0;
	v5 =	vand.u32 $0xFFFFFFFD, v21;
	[tilespmem:s1+$0x3600] =	vst v6  }
0x80: {  	s1 =	sor.u32 $0x70, s9;
	v21 =	vld.idx.msk [tilespmem:v23+s20+$0x0], $0xffff;
	v23 =	vbroadcast v5, $0x0;
	[tilespmem:s19+$0xB0] =	vst v10  }
0x81: {  	v5 =	vshll.u32 v4, $0x6;
	v10 =	vld.idx.msk [tilespmem:v24+s20+$0x0], $0xffff;
	[tilespmem:s1+$0x3600] =	vst v11  }
0x82: {  	v6 =	vshll.u32 v15, $0x6;
	v24 =	vor.u32 v0, v5;
	s1 =	sor.u32 $0x70, s8;
	v4 =	vld.idx.msk [tilespmem:v25+s20+$0x0], $0xffff;
	[tilespmem:s19+$0x130] =	vst v12  }
0x83: {  	v11 =	vshll.u32 v17, $0x6;
	v25 =	vor.u32 v0, v6;
	v20 =	vld.idx.msk [tilespmem:v20+s20+$0x0], $0xffff;
	[tilespmem:s1+$0x3600] =	vst v13  }
0x84: {  	v17 =	vor.u32 v0, v11;
	v12 =	vshll.u32 v18, $0x6;
	s1 =	sor.u32 $0x70, s0;
	v18 =	vld.idx.msk [tilespmem:v26+s20+$0x0], $0xffff;
	[tilespmem:s19+$0xFFFFFE30] =	vst v14  }
0x85: {  	v15 =	vshll.u32 v19, $0x6;
	v26 =	vor.u32 v0, v12;
	v22 =	vld.idx.msk [tilespmem:v22+s20+$0x0], $0xffff;
	[tilespmem:s1+$0x3600] =	vst v16  }
0x86: {  	v13 =	vshll.u32 v27, $0x6;
	v16 =	vor.u32 v0, v15;
	v23 =	vld.idx.msk [tilespmem:v23+s20+$0x0], $0xffff  }
0x87: {  	v19 =	vor.u32 v0, v13;
	v14 =	vshll.u32 v8, $0x6;
	v24 =	vld.idx.msk [tilespmem:v24+s3+$0x0], $0xffff  }
0x88: {  	v7 =	vshll.u32 v7, $0x6;
	v27 =	vor.u32 v0, v14;
	v25 =	vld.idx.msk [tilespmem:v25+s3+$0x0], $0xffff  }
0x89: {  	v29 =	vor.u32 v0, v7;
	v8 =	vshll.u32 v9, $0x6;
	v28 =	vld.idx.msk [tilespmem:v17+s3+$0x0], $0xffff  }
0x8a: {  	v9 =	vor.u32 v0, v8;
	v30 =	vshll.u32 v18, $0x6;
	v26 =	vld.idx.msk [tilespmem:v26+s3+$0x0], $0xffff  }
0x8b: {  	v31 =	vld.idx.msk [tilespmem:v16+s3+$0x0], $0xffff;
	v16 =	vshll.u32 v21, $0x6;
	v21 =	vor.u32 v0, v30  }
0x8c: {  	v32 =	vld.idx.msk [tilespmem:v19+s3+$0x0], $0xffff;
	v33 =	vor.u32 v0, v16;
	v19 =	vshll.u32 v10, $0x6  }
0x8d: {  	v17 =	vshll.u32 v4, $0x6;
	v27 =	vld.idx.msk [tilespmem:v27+s3+$0x0], $0xffff;
	v34 =	vor.u32 v0, v19  }
0x8e: {  	v18 =	vshll.u32 v20, $0x6;
	v4 =	vld.idx.msk [tilespmem:v29+s3+$0x0], $0xffff;
	v29 =	vor.u32 v0, v17  }
0x8f: {  	v35 =	vor.u32 v0, v18;
	v20 =	vld.idx.msk [tilespmem:v9+s3+$0x0], $0xffff;
	v9 =	vshll.u32 v22, $0x6  }
0x90: {  	v10 =	vshll.u32 v23, $0x6;
	v22 =	vor.u32 v0, v9;
	v21 =	vld.idx.msk [tilespmem:v21+s3+$0x0], $0xffff  }
0x91: {  	v23 =	vld.idx.msk [tilespmem:v33+s3+$0x0], $0xffff;
	v33 =	vor.u32 v0, v10  }
0x92: {  	v36 =	vor.u32 v1, v30;
	v34 =	vld.idx.msk [tilespmem:v34+s3+$0x0], $0xffff  }
0x93: {  	v37 =	vor.u32 v1, v11;
	v29 =	vld.idx.msk [tilespmem:v29+s3+$0x0], $0xffff  }
0x94: {  	v38 =	vor.u32 v1, v12;
	v35 =	vld.idx.msk [tilespmem:v35+s3+$0x0], $0xffff  }
0x95: {  	v39 =	vor.u32 v1, v15;
	s19 =	sadd.s32 $0x400, s19;
	v22 =	vld.idx.msk [tilespmem:v22+s3+$0x0], $0xffff  }
0x96: {  	v40 =	vor.u32 v1, v13;
	v33 =	vld.idx.msk [tilespmem:v33+s3+$0x0], $0xffff;
	[tilespmem:s19+$0x180] =	vst v21  }
0x97: {  	v21 =	vor.u32 v1, v14;
	[tilespmem:s19+$0xFFFFFE40] =	vst v28;
	v28 =	vld.idx.msk [tilespmem:v36+s3+$0x0], $0xffff  }
0x98: {  	v36 =	vld.idx.msk [tilespmem:v37+s3+$0x0], $0xffff;
	[tilespmem:s19+$0xFFFFFE80] =	vst v26;
	v26 =	vor.u32 v1, v7  }
0x99: {  	v37 =	vld.idx.msk [tilespmem:v38+s3+$0x0], $0xffff;
	[tilespmem:s19+$0xFFFFFEC0] =	vst v31;
	v31 =	vor.u32 v2, v30  }
0x9a: {  	v38 =	vld.idx.msk [tilespmem:v39+s3+$0x0], $0xffff;
	[tilespmem:s19+$0xFFFFFF00] =	vst v32;
	v32 =	vor.u32 v1, v8  }
0x9b: {  	v39 =	vld.idx.msk [tilespmem:v40+s3+$0x0], $0xffff;
	[tilespmem:s19+$0xFFFFFF40] =	vst v27;
	v27 =	vor.u32 v1, v16  }
0x9c: {  	v21 =	vld.idx.msk [tilespmem:v21+s3+$0x0], $0xffff;
	[tilespmem:s19+$0xFFFFFF80] =	vst v4;
	v4 =	vor.u32 v1, v19  }
0x9d: {  	v40 =	vor.u32 v1, v17;
	v26 =	vld.idx.msk [tilespmem:v26+s3+$0x0], $0xffff;
	[tilespmem:s19+$0x190] =	vst v28  }
0x9e: {  	[tilespmem:s19+$0xFFFFFFC0] =	vst v20;
	v20 =	vor.u32 v1, v18;
	v28 =	vld.idx.msk [tilespmem:v31+s3+$0x0], $0xffff  }
0x9f: {  	v31 =	vld.idx.msk [tilespmem:v32+s3+$0x0], $0xffff;
	[tilespmem:s19+$0x0] =	vst v23;
	v23 =	vor.u32 v1, v9  }
0xa0: {  	v30 =	vor.u32 v3, v30;
	v27 =	vld.idx.msk [tilespmem:v27+s3+$0x0], $0xffff;
	[tilespmem:s19+$0x40] =	vst v34  }
0xa1: {  	v32 =	vld.idx.msk [tilespmem:v4+s3+$0x0], $0xffff;
	[tilespmem:s19+$0x80] =	vst v29;
	v4 =	vor.u32 v1, v10  }
0xa2: {  	v29 =	vor.u32 v1, v6;
	v34 =	vld.idx.msk [tilespmem:v40+s3+$0x0], $0xffff;
	[tilespmem:s19+$0xC0] =	vst v35  }
0xa3: {  	v20 =	vld.idx.msk [tilespmem:v20+s3+$0x0], $0xffff;
	[tilespmem:s19+$0x100] =	vst v22;
	v22 =	vor.u32 v1, v5  }
0xa4: {  	v35 =	vor.u32 v2, v11;
	v23 =	vld.idx.msk [tilespmem:v23+s3+$0x0], $0xffff;
	[tilespmem:s19+$0x1A0] =	vst v28  }
0xa5: {  	s0 =	sadd.s32 $0x400, s0;
	v28 =	vor.u32 v2, v12;
	[tilespmem:s19+$0x140] =	vst v33;
	v30 =	vld.idx.msk [tilespmem:v30+s3+$0x0], $0xffff  }
0xa6: {  	s10 =	sadd.s32 $0xFFFFFC80, s0;
	s1 =	sadd.s32 $0xF, s7;
	[tilespmem:s19+$0xFFFFFE00] =	vst v25;
	v25 =	vor.u32 v2, v15;
	v33 =	vld.idx.msk [tilespmem:v4+s3+$0x0], $0xffff  }
0xa7: {  	v4 =	vmov s1;
	s1 =	sor.u32 $0x50, s10;
	v29 =	vld.idx.msk [tilespmem:v29+s3+$0x0], $0xffff;
	[tilespmem:s19+$0x1C0] =	vst v24  }
0xa8: {  	v24 =	vor.u32 v2, v13;
	[tilespmem:s1+$0x3600] =	vst v36;
	s1 =	sadd.s32 $0xFFFFFD00, s0;
	v22 =	vld.idx.msk [tilespmem:v22+s3+$0x0], $0xffff  }
0xa9: {  	v36 =	vor.u32 v2, v14;
	v35 =	vld.idx.msk [tilespmem:v35+s3+$0x0], $0xffff;
	[tilespmem:s19+$0xFFFFFE90] =	vst v37;
	s8 =	sor.u32 $0x50, s1  }
0xaa: {  	v37 =	vor.u32 v2, v7;
	v28 =	vld.idx.msk [tilespmem:v28+s3+$0x0], $0xffff;
	[tilespmem:s8+$0x3600] =	vst v38  }
0xab: {  	s30 =	sadd.s32 $0xFFFFFD80, s0;
	v38 =	vor.u32 v2, v8;
	v25 =	vld.idx.msk [tilespmem:v25+s3+$0x0], $0xffff;
	[tilespmem:s19+$0x1B0] =	vst v30  }
0xac: {  	s8 =	sor.u32 $0x50, s30;
	v30 =	vor.u32 v2, v16;
	v4 =	vld.idx.msk [tilespmem:v4+s20+$0x0], $0xffff;
	[tilespmem:s19+$0xFFFFFF10] =	vst v39  }
0xad: {  	s28 =	sadd.s32 $0xFFFFFE00, s0;
	v24 =	vld.idx.msk [tilespmem:v24+s3+$0x0], $0xffff;
	[tilespmem:s8+$0x3600] =	vst v21;
	v21 =	vor.u32 v2, v19  }
0xae: {  	s8 =	sor.u32 $0x50, s28;
	v36 =	vld.idx.msk [tilespmem:v36+s3+$0x0], $0xffff;
	[tilespmem:s19+$0xFFFFFF90] =	vst v26;
	v26 =	vor.u32 v2, v17  }
0xaf: {  	s25 =	sadd.s32 $0xFFFFFE80, s0;
	v37 =	vld.idx.msk [tilespmem:v37+s3+$0x0], $0xffff;
	[tilespmem:s8+$0x3600] =	vst v31;
	v31 =	vor.u32 v2, v18  }
0xb0: {  	s8 =	sor.u32 $0x50, s25;
	v38 =	vld.idx.msk [tilespmem:v38+s3+$0x0], $0xffff;
	[tilespmem:s19+$0x10] =	vst v27;
	v27 =	vor.u32 v2, v9  }
0xb1: {  	s9 =	sadd.s32 $0xFFFFFF00, s0;
	v30 =	vld.idx.msk [tilespmem:v30+s3+$0x0], $0xffff;
	[tilespmem:s8+$0x3600] =	vst v32;
	v32 =	vor.u32 v2, v10  }
0xb2: {  	v39 =	vor.u32 v2, v6;
	s8 =	sor.u32 $0x50, s9;
	v21 =	vld.idx.msk [tilespmem:v21+s3+$0x0], $0xffff;
	[tilespmem:s19+$0x90] =	vst v34  }
0xb3: {  	v26 =	vld.idx.msk [tilespmem:v26+s3+$0x0], $0xffff;
	[tilespmem:s8+$0x3600] =	vst v20;
	s8 =	sadd.s32 $0xFFFFFF80, s0;
	v20 =	vor.u32 v2, v5  }
0xb4: {  	v11 =	vor.u32 v3, v11;
	v31 =	vld.idx.msk [tilespmem:v31+s3+$0x0], $0xffff;
	[tilespmem:s19+$0x110] =	vst v23;
	s11 =	sor.u32 $0x50, s8  }
0xb5: {  	v12 =	vor.u32 v3, v12;
	v23 =	vld.idx.msk [tilespmem:v27+s3+$0x0], $0xffff;
	[tilespmem:s11+$0x3600] =	vst v33  }
0xb6: {  	v15 =	vor.u32 v3, v15;
	s11 =	sor.u32 $0x50, s0;
	[tilespmem:s19+$0xFFFFFE10] =	vst v29;
	v27 =	vld.idx.msk [tilespmem:v32+s3+$0x0], $0xffff  }
0xb7: {  	s12 =	sor.u32 $0x60, s10;
	v13 =	vor.u32 v3, v13;
	v29 =	vld.idx.msk [tilespmem:v39+s3+$0x0], $0xffff;
	[tilespmem:s11+$0x3600] =	vst v22  }
0xb8: {  	v14 =	vor.u32 v3, v14;
	[tilespmem:s12+$0x3600] =	vst v35;
	v20 =	vld.idx.msk [tilespmem:v20+s3+$0x0], $0xffff  }
0xb9: {  	v7 =	vor.u32 v3, v7;
	s11 =	sor.u32 $0x60, s1;
	v22 =	vld.idx.msk [tilespmem:v11+s3+$0x0], $0xffff;
	[tilespmem:s19+$0xFFFFFEA0] =	vst v28  }
0xba: {  	v11 =	vor.u32 v3, v8;
	v28 =	vld.idx.msk [tilespmem:v12+s3+$0x0], $0xffff;
	[tilespmem:s11+$0x3600] =	vst v25  }
0xbb: {  	s11 =	sor.u32 $0x60, s30;
	v12 =	vor.u32 v3, v16;
	v25 =	vld.idx.msk [tilespmem:v15+s3+$0x0], $0xffff;
	[tilespmem:s19+$0xFFFFFF20] =	vst v24  }
0xbc: {  	v24 =	vld.idx.msk [tilespmem:v13+s3+$0x0], $0xffff;
	[tilespmem:s11+$0x3600] =	vst v36;
	v13 =	vor.u32 v3, v19  }
0xbd: {  	s11 =	sor.u32 $0x60, s28;
	v32 =	vld.idx.msk [tilespmem:v14+s3+$0x0], $0xffff;
	[tilespmem:s19+$0xFFFFFFA0] =	vst v37;
	v14 =	vor.u32 v3, v17  }
0xbe: {  	v15 =	vor.u32 v3, v18;
	v8 =	vld.idx.msk [tilespmem:v7+s3+$0x0], $0xffff;
	[tilespmem:s11+$0x3600] =	vst v38  }
0xbf: {  	v16 =	vmov s7;
	v17 =	vor.u32 v3, v9;
	s11 =	sor.u32 $0x60, s25;
	v7 =	vld.idx.msk [tilespmem:v11+s3+$0x0], $0xffff;
	[tilespmem:s19+$0x20] =	vst v30  }
0xc0: {  	s13 =	sadd.s32 $0x2, s7;
	s12 =	sadd.s32 $0x1, s7;
	v11 =	vand.u32 $0xFFFFFFF0, v16;
	v16 =	vor.u32 v3, v10;
	v9 =	vld.idx.msk [tilespmem:v12+s3+$0x0], $0xffff;
	[tilespmem:s11+$0x3600] =	vst v21  }
0xc1: {  	v18 =	vor.u32 v3, v6;
	v10 =	vmov s12;
	v12 =	vmov s13;
	s11 =	sor.u32 $0x60, s9;
	v6 =	vld.idx.msk [tilespmem:v13+s3+$0x0], $0xffff;
	[tilespmem:s19+$0xA0] =	vst v26  }
0xc2: {  	s12 =	sadd.s32 $0x3, s7;
	v19 =	vbroadcast v11, $0x0;
	v11 =	vand.u32 $0xFFFFFFF1, v10;
	v21 =	vor.u32 v3, v5;
	v10 =	vld.idx.msk [tilespmem:v14+s3+$0x0], $0xffff;
	[tilespmem:s11+$0x3600] =	vst v31  }
0xc3: {  	v26 =	vbroadcast v11, $0x0;
	v5 =	vand.u32 $0xFFFFFFF2, v12;
	v12 =	vmov s12;
	s12 =	sor.u32 $0x60, s8;
	s11 =	sadd.s32 $0x4, s7;
	v11 =	vld.idx.msk [tilespmem:v15+s3+$0x0], $0xffff;
	[tilespmem:s19+$0x120] =	vst v23  }
0xc4: {  	v23 =	vbroadcast v5, $0x0;
	v5 =	vand.u32 $0xFFFFFFF3, v12;
	v13 =	vmov s11;
	s11 =	sadd.s32 $0x5, s7;
	v12 =	vld.idx.msk [tilespmem:v17+s3+$0x0], $0xffff;
	[tilespmem:s12+$0x3600] =	vst v27  }
0xc5: {  	v27 =	vbroadcast v5, $0x0;
	v5 =	vand.u32 $0xFFFFFFF4, v13;
	v14 =	vmov s11;
	s11 =	sadd.s32 $0x6, s7;
	s12 =	sor.u32 $0x60, s0;
	[tilespmem:s19+$0xFFFFFE20] =	vst v29;
	v13 =	vld.idx.msk [tilespmem:v16+s3+$0x0], $0xffff  }
0xc6: {  	s10 =	sor.u32 $0x70, s10;
	v5 =	vbroadcast v5, $0x0;
	v15 =	vand.u32 $0xFFFFFFF5, v14;
	v16 =	vmov s11;
	s11 =	sadd.s32 $0x7, s7;
	v14 =	vld.idx.msk [tilespmem:v18+s3+$0x0], $0xffff;
	[tilespmem:s12+$0x3600] =	vst v20  }
.Ltmp0:
0xc7: {  	v20 =	vbroadcast v15, $0x0;
	v17 =	vand.u32 $0xFFFFFFF6, v16;
	v18 =	vmov s11;
	s11 =	sadd.s32 $0x8, s7;
	[tilespmem:s10+$0x3600] =	vst v22;
	v16 =	vld.idx.msk [tilespmem:v21+s3+$0x0], $0xffff;
	(pc) =	sbr.rel @p1 .LBB2_3-.Ltmp0, $4  }
0xc8: {  	s1 =	sor.u32 $0x70, s1;
	v21 =	vbroadcast v17, $0x0;
	v18 =	vand.u32 $0xFFFFFFF7, v18;
	s10 =	sadd.s32 $0x9, s7;
	v15 =	vld.idx.msk [tilespmem:v19+s20+$0x0], $0xffff;
	v19 =	vmov s11;
	[tilespmem:s19+$0xFFFFFEB0] =	vst v28  }
0xc9: {  	v22 =	vbroadcast v18, $0x0;
	v17 =	vld.idx.msk [tilespmem:v26+s20+$0x0], $0xffff;
	v19 =	vand.u32 $0xFFFFFFF8, v19;
	v26 =	vmov s10;
	s10 =	sadd.s32 $0xA, s7;
	[tilespmem:s1+$0x3600] =	vst v25  }
0xca: {  	s1 =	sadd.s32 $0xB, s7;
	v18 =	vld.idx.msk [tilespmem:v23+s20+$0x0], $0xffff;
	v23 =	vbroadcast v19, $0x0;
	v25 =	vand.u32 $0xFFFFFFF9, v26;
	v26 =	vmov s10;
	[tilespmem:s19+$0xFFFFFF30] =	vst v24;
	s10 =	sor.u32 $0x70, s30  }
0xcb: {  	s7 =	sadd.s32 $0x10, s7;
	v19 =	vld.idx.msk [tilespmem:v27+s20+$0x0], $0xffff;
	v24 =	vbroadcast v25, $0x0;
	v25 =	vand.u32 $0xFFFFFFFA, v26;
	v26 =	vmov s1;
	s1 =	sadd.s32 $0xE, s5;
	[tilespmem:s10+$0x3600] =	vst v32  }
0xcc: {  	_ = 	snop  }
0xcd: {  	v27 =	vmov s1  }
0xce: {  	v27 =	vand.u32 $0xFFFFFFFE, v27  }
0xcf: {  	v27 =	vbroadcast v27, $0x0  }
0xd0: {  	s30 =	sadd.s32 $0xC, s5;
	v28 =	vld.idx.msk [tilespmem:v5+s20+$0x0], $0xffff  }
0xd1: {  	v25 =	vbroadcast v25, $0x0;
	v5 =	vand.u32 $0xFFFFFFFB, v26;
	v20 =	vld.idx.msk [tilespmem:v20+s20+$0x0], $0xffff;
	v26 =	vmov s30  }
0xd2: {  	s5 =	sadd.s32 $0xD, s5;
	v21 =	vld.idx.msk [tilespmem:v21+s20+$0x0], $0xffff;
	v29 =	vbroadcast v5, $0x0;
	v5 =	vand.u32 $0xFFFFFFFC, v26  }
0xd3: {  	v22 =	vld.idx.msk [tilespmem:v22+s20+$0x0], $0xffff;
	s7 =	sor.u32 $0x70, s28;
	v26 =	vmov s5;
	v30 =	vbroadcast v5, $0x0  }
0xd4: {  	v23 =	vld.idx.msk [tilespmem:v23+s20+$0x0], $0xffff;
	[tilespmem:s7+$0x3600] =	vst v7;
	v5 =	vand.u32 $0xFFFFFFFD, v26;
	v7 =	vshll.u32 v18, $0x6  }
0xd5: {  	v26 =	vbroadcast v5, $0x0;
	v5 =	vshll.u32 v17, $0x6;
	v36 =	vor.u32 v0, v7;
	v27 =	vld.idx.msk [tilespmem:v27+s20+$0x0], $0xffff  }
0xd6: {  	[tilespmem:s19+$0xFFFFFFB0] =	vst v8;
	s10 =	sor.u32 $0x70, s25;
	v24 =	vld.idx.msk [tilespmem:v24+s20+$0x0], $0xffff;
	v31 =	vor.u32 v0, v5  }
0xd7: {  	[tilespmem:s10+$0x3600] =	vst v6;
	v6 =	vshll.u32 v28, $0x6;
	v25 =	vld.idx.msk [tilespmem:v25+s20+$0x0], $0xffff  }
0xd8: {  	[tilespmem:s19+$0xB0] =	vst v10;
	v10 =	vshll.u32 v20, $0x6;
	v28 =	vor.u32 v0, v6;
	v18 =	vld.idx.msk [tilespmem:v29+s20+$0x0], $0xffff  }
0xd9: {  	[tilespmem:s19+$0x30] =	vst v9;
	s11 =	sor.u32 $0x70, s9;
	v8 =	vshll.u32 v19, $0x6;
	v9 =	vshll.u32 v21, $0x6;
	v20 =	vor.u32 v0, v10;
	v19 =	vld.idx.msk [tilespmem:v30+s20+$0x0], $0xffff  }
0xda: {  	[tilespmem:s11+$0x3600] =	vst v11;
	v11 =	vshll.u32 v22, $0x6;
	v38 =	vor.u32 v0, v9;
	v22 =	vld.idx.msk [tilespmem:v36+s3+$0x0], $0xffff;
	v27 =	vshll.u32 v27, $0x6  }
0xdb: {  	v21 =	vld.idx.msk [tilespmem:v31+s3+$0x0], $0xffff;
	v17 =	vor.u32 v0, v27  }
0xdc: {  	[tilespmem:s19+$0x130] =	vst v12;
	v12 =	vshll.u32 v23, $0x6;
	v32 =	vor.u32 v0, v11;
	v26 =	vld.idx.msk [tilespmem:v26+s20+$0x0], $0xffff  }
0xdd: {  	s12 =	sor.u32 $0x70, s8;
	[tilespmem:s19+$0xFFFFFE30] =	vst v14;
	v40 =	vor.u32 v0, v12;
	v23 =	vld.idx.msk [tilespmem:v28+s3+$0x0], $0xffff  }
0xde: {  	s13 =	sor.u32 $0x70, s0;
	[tilespmem:s12+$0x3600] =	vst v13;
	v37 =	vor.u32 v0, v8;
	v13 =	vshll.u32 v24, $0x6;
	v20 =	vld.idx.msk [tilespmem:v20+s3+$0x0], $0xffff  }
0xdf: {  	[tilespmem:s13+$0x3600] =	vst v16;
	s5 =	sadd.s32 $0x400, s19;
	v24 =	vor.u32 v0, v13;
	v14 =	vshll.u32 v25, $0x6;
	v25 =	vld.idx.msk [tilespmem:v38+s3+$0x0], $0xffff;
	v16 =	vshll.u32 v18, $0x6  }
0xe0: {  	[tilespmem:s5+$0xFFFFFE40] =	vst v21;
	v21 =	vor.u32 v0, v16;
	v17 =	vld.idx.msk [tilespmem:v17+s3+$0x0], $0xffff  }
0xe1: {  	v39 =	vor.u32 v1, v27;
	[tilespmem:s5+$0xFFFFFE80] =	vst v22;
	v22 =	vld.idx.msk [tilespmem:v32+s3+$0x0], $0xffff  }
0xe2: {  	v41 =	vor.u32 v0, v14;
	v18 =	vshll.u32 v26, $0x6;
	v26 =	vld.idx.msk [tilespmem:v40+s3+$0x0], $0xffff;
	[tilespmem:s5+$0xFFFFFF00] =	vst v23  }
0xe3: {  	v15 =	vshll.u32 v15, $0x6;
	v30 =	vld.idx.msk [tilespmem:v37+s3+$0x0], $0xffff;
	v23 =	vor.u32 v0, v18;
	[tilespmem:s5+$0xFFFFFF40] =	vst v20  }
0xe4: {  	v4 =	vshll.u32 v4, $0x6;
	v24 =	vld.idx.msk [tilespmem:v24+s3+$0x0], $0xffff;
	v20 =	vor.u32 v0, v15;
	[tilespmem:s5+$0xFFFFFF80] =	vst v25  }
0xe5: {  	v25 =	vor.u32 v0, v4;
	v21 =	vld.idx.msk [tilespmem:v21+s3+$0x0], $0xffff;
	[tilespmem:s5+$0x180] =	vst v17  }
0xe6: {  	[tilespmem:s5+$0xFFFFFFC0] =	vst v22;
	v22 =	vor.u32 v1, v7;
	v17 =	vshll.u32 v19, $0x6;
	v19 =	vld.idx.msk [tilespmem:v39+s3+$0x0], $0xffff  }
0xe7: {  	v44 =	vld.idx.msk [tilespmem:v41+s3+$0x0], $0xffff;
	[tilespmem:s5+$0x0] =	vst v26;
	v26 =	vor.u32 v1, v8  }
0xe8: {  	v43 =	vor.u32 v2, v27;
	[tilespmem:s5+$0xFFFFFEC0] =	vst v30;
	v23 =	vld.idx.msk [tilespmem:v23+s3+$0x0], $0xffff  }
0xe9: {  	[tilespmem:s5+$0x40] =	vst v24;
	v24 =	vor.u32 v3, v27;
	v27 =	vor.u32 v1, v6;
	v20 =	vld.idx.msk [tilespmem:v20+s3+$0x0], $0xffff  }
0xea: {  	v25 =	vld.idx.msk [tilespmem:v25+s3+$0x0], $0xffff;
	[tilespmem:s5+$0xC0] =	vst v21;
	v21 =	vor.u32 v1, v10  }
0xeb: {  	v22 =	vld.idx.msk [tilespmem:v22+s3+$0x0], $0xffff;
	[tilespmem:s5+$0x190] =	vst v19;
	v19 =	vor.u32 v1, v5  }
0xec: {  	v46 =	vor.u32 v1, v11;
	v26 =	vld.idx.msk [tilespmem:v26+s3+$0x0], $0xffff  }
0xed: {  	[tilespmem:s5+$0x80] =	vst v44;
	v42 =	vor.u32 v0, v17;
	v28 =	vld.idx.msk [tilespmem:v43+s3+$0x0], $0xffff  }
0xee: {  	[tilespmem:s5+$0xFFFFFE00] =	vst v20;
	v20 =	vld.idx.msk [tilespmem:v27+s3+$0x0], $0xffff  }
0xef: {  	[tilespmem:s5+$0x140] =	vst v23;
	v23 =	vor.u32 v1, v12;
	v21 =	vld.idx.msk [tilespmem:v21+s3+$0x0], $0xffff  }
0xf0: {  	v47 =	vor.u32 v1, v16;
	[tilespmem:s5+$0x1C0] =	vst v25;
	v19 =	vld.idx.msk [tilespmem:v19+s3+$0x0], $0xffff  }
0xf1: {  	s0 =	sadd.s32 $0x400, s0;
	v45 =	vor.u32 v1, v9;
	[tilespmem:s5+$0xFFFFFE90] =	vst v22;
	v22 =	vld.idx.msk [tilespmem:v46+s3+$0x0], $0xffff  }
0xf2: {  	s8 =	sadd.s32 $0xFFFFFD80, s0;
	v25 =	vor.u32 v1, v14;
	v29 =	vld.idx.msk [tilespmem:v42+s3+$0x0], $0xffff;
	[tilespmem:s5+$0x1A0] =	vst v28  }
0xf3: {  	s1 =	sadd.s32 $0xFFFFFC80, s0;
	s25 =	sor.u32 $0x50, s8;
	v27 =	vor.u32 v1, v13;
	[tilespmem:s5+$0xFFFFFF10] =	vst v20;
	v24 =	vld.idx.msk [tilespmem:v24+s3+$0x0], $0xffff  }
0xf4: {  	s9 =	sadd.s32 $0xFFFFFE00, s0;
	s7 =	sor.u32 $0x50, s1;
	v23 =	vld.idx.msk [tilespmem:v23+s3+$0x0], $0xffff;
	[tilespmem:s25+$0x3600] =	vst v21  }
0xf5: {  	s10 =	sor.u32 $0x50, s9;
	v50 =	vor.u32 v2, v7;
	v21 =	vld.idx.msk [tilespmem:v47+s3+$0x0], $0xffff;
	[tilespmem:s7+$0x3600] =	vst v19;
	s7 =	sadd.s32 $0xFFFFFD00, s0  }
0xf6: {  	v48 =	vor.u32 v1, v17;
	[tilespmem:s10+$0x3600] =	vst v22;
	v19 =	vld.idx.msk [tilespmem:v45+s3+$0x0], $0xffff;
	s19 =	sor.u32 $0x50, s7  }
0xf7: {  	v20 =	vld.idx.msk [tilespmem:v25+s3+$0x0], $0xffff;
	[tilespmem:s19+$0x3600] =	vst v26;
	v26 =	vor.u32 v1, v18  }
0xf8: {  	[tilespmem:s5+$0x1B0] =	vst v24;
	v24 =	vld.idx.msk [tilespmem:v27+s3+$0x0], $0xffff;
	v27 =	vor.u32 v1, v15;
	s19 =	sadd.s32 $0xFFFFFF00, s0  }
0xf9: {  	v25 =	vor.u32 v1, v4;
	[tilespmem:s5+$0x100] =	vst v29;
	s30 =	sor.u32 $0x50, s19  }
0xfa: {  	v49 =	vor.u32 v2, v5;
	[tilespmem:s30+$0x3600] =	vst v21;
	v21 =	vld.idx.msk [tilespmem:v50+s3+$0x0], $0xffff  }
0xfb: {  	v22 =	vor.u32 v2, v8;
	[tilespmem:s5+$0xFFFFFF90] =	vst v19;
	v19 =	vld.idx.msk [tilespmem:v48+s3+$0x0], $0xffff  }
0xfc: {  	v7 =	vor.u32 v3, v7;
	s10 =	sadd.s32 $0xFFFFFE80, s0;
	[tilespmem:s5+$0x10] =	vst v23;
	v26 =	vld.idx.msk [tilespmem:v26+s3+$0x0], $0xffff  }
0xfd: {  	s11 =	sor.u32 $0x50, s10;
	[tilespmem:s5+$0x90] =	vst v20;
	v23 =	vld.idx.msk [tilespmem:v27+s3+$0x0], $0xffff;
	v27 =	vor.u32 v2, v6  }
0xfe: {  	[tilespmem:s11+$0x3600] =	vst v24;
	v24 =	vld.idx.msk [tilespmem:v25+s3+$0x0], $0xffff;
	v25 =	vor.u32 v2, v10  }
0xff: {  	v51 =	vor.u32 v2, v9;
	s25 =	sadd.s32 $0xFFFFFF80, s0;
	v20 =	vld.idx.msk [tilespmem:v49+s3+$0x0], $0xffff;
	[tilespmem:s5+$0xFFFFFEA0] =	vst v21  }
0x100: {  	v52 =	vor.u32 v2, v11;
	s12 =	sor.u32 $0x50, s25;
	[tilespmem:s5+$0x110] =	vst v19;
	v19 =	vld.idx.msk [tilespmem:v22+s3+$0x0], $0xffff  }
0x101: {  	v5 =	vor.u32 v3, v5;
	v7 =	vld.idx.msk [tilespmem:v7+s3+$0x0], $0xffff;
	[tilespmem:s12+$0x3600] =	vst v26  }
0x102: {  	s13 =	sor.u32 $0x50, s0;
	v22 =	vor.u32 v2, v12;
	v26 =	vld.idx.msk [tilespmem:v27+s3+$0x0], $0xffff;
	[tilespmem:s5+$0xFFFFFE10] =	vst v23  }
0x103: {  	v8 =	vor.u32 v3, v8;
	v23 =	vld.idx.msk [tilespmem:v25+s3+$0x0], $0xffff;
	s12 =	sor.u32 $0x60, s1;
	[tilespmem:s13+$0x3600] =	vst v24  }
0x104: {  	s30 =	sor.u32 $0x60, s7;
	v27 =	vor.u32 v2, v13;
	v24 =	vld.idx.msk [tilespmem:v51+s3+$0x0], $0xffff;
	[tilespmem:s12+$0x3600] =	vst v20  }
0x105: {  	v25 =	vor.u32 v2, v14;
	v20 =	vld.idx.msk [tilespmem:v52+s3+$0x0], $0xffff;
	[tilespmem:s30+$0x3600] =	vst v19  }
0x106: {  	v53 =	vor.u32 v2, v16;
	v5 =	vld.idx.msk [tilespmem:v5+s3+$0x0], $0xffff;
	[tilespmem:s5+$0xFFFFFEB0] =	vst v7  }
0x107: {  	v54 =	vor.u32 v2, v17;
	s12 =	sor.u32 $0x60, s8;
	v21 =	vld.idx.msk [tilespmem:v22+s3+$0x0], $0xffff;
	[tilespmem:s5+$0xFFFFFF20] =	vst v26  }
0x108: {  	v6 =	vor.u32 v3, v6;
	v8 =	vld.idx.msk [tilespmem:v8+s3+$0x0], $0xffff;
	[tilespmem:s12+$0x3600] =	vst v23  }
0x109: {  	v10 =	vor.u32 v3, v10;
	s13 =	sor.u32 $0x60, s9;
	v27 =	vld.idx.msk [tilespmem:v27+s3+$0x0], $0xffff;
	[tilespmem:s5+$0xFFFFFFA0] =	vst v24  }
0x10a: {  	v9 =	vor.u32 v3, v9;
	s1 =	sor.u32 $0x70, s1;
	v25 =	vld.idx.msk [tilespmem:v25+s3+$0x0], $0xffff;
	[tilespmem:s13+$0x3600] =	vst v20  }
0x10b: {  	v11 =	vor.u32 v3, v11;
	v23 =	vld.idx.msk [tilespmem:v53+s3+$0x0], $0xffff;
	[tilespmem:s1+$0x3600] =	vst v5  }
0x10c: {  	s7 =	sor.u32 $0x70, s7;
	v22 =	vor.u32 v2, v18;
	v24 =	vld.idx.msk [tilespmem:v54+s3+$0x0], $0xffff;
	[tilespmem:s5+$0x20] =	vst v21  }
0x10d: {  	v19 =	vor.u32 v2, v15;
	s30 =	sor.u32 $0x60, s10;
	v6 =	vld.idx.msk [tilespmem:v6+s3+$0x0], $0xffff;
	[tilespmem:s7+$0x3600] =	vst v8  }
0x10e: {  	v12 =	vor.u32 v3, v12;
	v10 =	vld.idx.msk [tilespmem:v10+s3+$0x0], $0xffff;
	[tilespmem:s30+$0x3600] =	vst v27  }
0x10f: {  	v26 =	vor.u32 v2, v4;
	s12 =	sor.u32 $0x60, s19;
	v9 =	vld.idx.msk [tilespmem:v9+s3+$0x0], $0xffff;
	[tilespmem:s5+$0xA0] =	vst v25  }
0x110: {  	v13 =	vor.u32 v3, v13;
	v5 =	vld.idx.msk [tilespmem:v11+s3+$0x0], $0xffff;
	[tilespmem:s12+$0x3600] =	vst v23  }
0x111: {  	v14 =	vor.u32 v3, v14;
	v20 =	vld.idx.msk [tilespmem:v22+s3+$0x0], $0xffff;
	[tilespmem:s5+$0x120] =	vst v24  }
0x112: {  	v16 =	vor.u32 v3, v16;
	s11 =	sor.u32 $0x70, s8;
	v19 =	vld.idx.msk [tilespmem:v19+s3+$0x0], $0xffff;
	[tilespmem:s5+$0xFFFFFF30] =	vst v6  }
0x113: {  	v11 =	vor.u32 v3, v17;
	v7 =	vld.idx.msk [tilespmem:v12+s3+$0x0], $0xffff;
	[tilespmem:s11+$0x3600] =	vst v10  }
0x114: {  	v12 =	vor.u32 v3, v18;
	v21 =	vld.idx.msk [tilespmem:v26+s3+$0x0], $0xffff;
	s12 =	sor.u32 $0x70, s9;
	[tilespmem:s5+$0xFFFFFFB0] =	vst v9  }
0x115: {  	s13 =	sor.u32 $0x60, s25;
	v13 =	vld.idx.msk [tilespmem:v13+s3+$0x0], $0xffff;
	[tilespmem:s12+$0x3600] =	vst v5  }
0x116: {  	v8 =	vor.u32 v3, v15;
	v6 =	vld.idx.msk [tilespmem:v14+s3+$0x0], $0xffff;
	[tilespmem:s13+$0x3600] =	vst v20  }
0x117: {  	v4 =	vor.u32 v3, v4;
	v10 =	vld.idx.msk [tilespmem:v16+s3+$0x0], $0xffff;
	[tilespmem:s5+$0xFFFFFE20] =	vst v19  }
0x118: {  	s30 =	sor.u32 $0x60, s0;
	v9 =	vld.idx.msk [tilespmem:v11+s3+$0x0], $0xffff;
	[tilespmem:s5+$0x30] =	vst v7  }
0x119: {  	s13 =	sor.u32 $0x70, s10;
	v5 =	vld.idx.msk [tilespmem:v12+s3+$0x0], $0xffff;
	[tilespmem:s30+$0x3600] =	vst v21  }
0x11a: {  	[tilespmem:s13+$0x3600] =	vst v13  }
0x11b: {  	s19 =	sor.u32 $0x70, s19;
	v7 =	vld.idx.msk [tilespmem:v8+s3+$0x0], $0xffff;
	[tilespmem:s5+$0xB0] =	vst v6  }
0x11c: {  	v4 =	vld.idx.msk [tilespmem:v4+s3+$0x0], $0xffff;
	[tilespmem:s19+$0x3600] =	vst v10  }
0x11d: {  	s30 =	sor.u32 $0x70, s25;
	[tilespmem:s5+$0x130] =	vst v9  }
0x11e: {  	[tilespmem:s30+$0x3600] =	vst v5  }
0x11f: {  	p1 =	seq.s32 s18, $0x63;
	s1 =	rddreg [dreg:$0x8]  }
0x120: {  	s0 =	sor.u32 $0x70, s0;
	[tilespmem:s5+$0xFFFFFE30] =	vst v7;
	s1 =	sadd.s32 @!p1 s6, s1  }
0x121: {  	s7 =	sshll.u32 s18, $0x10;
	s5 =	simm.s32 @!p1 $0x3200;
	[tilespmem:s0+$0x3600] =	vst v4;
	s1 =	sshrl.u32 @!p1 s1, $0x3  }
0x122: {  	s8 =	rddreg [dreg:$0x9];
	s0 =	sadd.s32 @!p1 s4, s1;
	s1 =	simm.s32 @!p1 $0x0  }
0x123: {  	[tilespmem:s5], [sflag:$0x1] =	stream.linear.gather @!p1 [hbm4b:s0+s1], $0x100, $0x38;
	[tilespmem:$0x13600] =	vst v63  }
0x124: {  	s0 =	sadd.s32 s8, s7  }
0x125: {  	s9 =	simm.s32 $0x3600;
	s0 =	sshrl.u32 s0, $0x3  }
0x126: {  	s12 =	simm.s32 $0x1;
	s10 =	simm.s32 $0x0;
	s0 =	sadd.s32 s2, s0  }
0x127: {  	v6 =	vmov s12;
	v4 =	vmov s10;
	[hbm4b:s0+s3] =	stream.linear.scatter [tilespmem:s9], [sflag:$0x5], $0x4000, $0x38;
	[tilespmem:$0x13600] =	vst v63  }
0x128: {  	s11 =	simm.s32 $0xF;
	s13 =	simm.s32 $0x2;
	v6 =	vand.u32 $0xFFFFFFF1, v6;
	v4 =	vand.u32 $0xFFFFFFF0, v4;
	_ =	swait.ge [sflag:s26], $0x100  }
0x129: {  	s19 =	simm.s32 $0x3;
	v5 =	vmov s11;
	v7 =	vmov s13;
	v4 =	vbroadcast v4, $0x0;
	[sflag:s26] =	ssyncset.done $0x0  }
0x12a: {  	s25 =	simm.s32 $0x4;
	v8 =	vmov s19;
	v6 =	vbroadcast v6, $0x0;
	v7 =	vand.u32 $0xFFFFFFF2, v7;
	s1 =	simm.s32 @!p0 $0x6;
	[sflag:s26] =	ssyncadd.s32 $0xFFFFFF00  }
0x12b: {  	v9 =	vmov s25;
	v8 =	vand.u32 $0xFFFFFFF3, v8;
	s30 =	simm.s32 $0x5;
	v7 =	vbroadcast v7, $0x0;
	_ =	swait.ge @!p0 [sflag:s1], $0x4000  }
0x12c: {  	v9 =	vand.u32 $0xFFFFFFF4, v9;
	v8 =	vbroadcast v8, $0x0;
	v10 =	vmov s30;
	s5 =	simm.s32 $0x6;
	[sflag:s1] =	ssyncset.done @!p0 $0x0  }
0x12d: {  	v9 =	vbroadcast v9, $0x0;
	s11 =	simm.s32 $0xB;
	v10 =	vand.u32 $0xFFFFFFF5, v10;
	v11 =	vmov s5;
	[sflag:s1] =	ssyncadd.s32 @!p0 $0xFFFFC000  }
0x12e: {  	s12 =	simm.s32 $0xE;
	v16 =	vmov s11;
	v10 =	vbroadcast v10, $0x0;
	v11 =	vand.u32 $0xFFFFFFF6, v11;
	v5 =	vld.idx.msk [tilespmem:v5+s21+$0x0], $0xffff  }
0x12f: {  	v17 =	vmov s12;
	v16 =	vand.u32 $0xFFFFFFFB, v16;
	s7 =	simm.s32 $0x7;
	v11 =	vbroadcast v11, $0x0;
	v4 =	vld.idx.msk [tilespmem:v4+s21+$0x0], $0xffff  }
0x130: {  	v17 =	vand.u32 $0xFFFFFFFE, v17;
	s13 =	simm.s32 $0xC;
	v16 =	vbroadcast v16, $0x0;
	v12 =	vmov s7;
	v14 =	vld.idx.msk [tilespmem:v6+s21+$0x0], $0xffff  }
0x131: {  	v17 =	vbroadcast v17, $0x0;
	s10 =	simm.s32 $0xA;
	v18 =	vmov s13;
	v12 =	vand.u32 $0xFFFFFFF7, v12;
	v7 =	vld.idx.msk [tilespmem:v7+s21+$0x0], $0xffff  }
0x132: {  	v15 =	vmov s10;
	v18 =	vand.u32 $0xFFFFFFFC, v18;
	s8 =	simm.s32 $0x8;
	v6 =	vbroadcast v12, $0x0;
	v8 =	vld.idx.msk [tilespmem:v8+s21+$0x0], $0xffff  }
0x133: {  	v15 =	vand.u32 $0xFFFFFFFA, v15;
	v21 =	vbroadcast v18, $0x0;
	v13 =	vmov s8;
	s9 =	simm.s32 $0x9;
	v9 =	vld.idx.msk [tilespmem:v9+s21+$0x0], $0xffff  }
0x134: {  	v15 =	vbroadcast v15, $0x0;
	v12 =	vand.u32 $0xFFFFFFF8, v13;
	v13 =	vmov s9;
	v10 =	vld.idx.msk [tilespmem:v10+s21+$0x0], $0xffff  }
0x135: {  	v11 =	vld.idx.msk [tilespmem:v11+s21+$0x0], $0xffff;
	v12 =	vbroadcast v12, $0x0;
	v13 =	vand.u32 $0xFFFFFFF9, v13  }
0x136: {  	s19 =	simm.s32 $0xD;
	v26 =	vld.idx.msk [tilespmem:v16+s21+$0x0], $0xffff;
	v13 =	vbroadcast v13, $0x0  }
0x137: {  	v19 =	vmov s19;
	v16 =	vld.idx.msk [tilespmem:v17+s21+$0x0], $0xffff;
	v18 =	vshll.u32 v7, $0x6  }
0x138: {  	v5 =	vshll.u32 v5, $0x6;
	v17 =	vshll.u32 v8, $0x6;
	v20 =	vld.idx.msk [tilespmem:v6+s21+$0x0], $0xffff;
	v27 =	vor.u32 v0, v18  }
0x139: {  	v21 =	vld.idx.msk [tilespmem:v21+s21+$0x0], $0xffff;
	v6 =	vand.u32 $0xFFFFFFFD, v19;
	v19 =	vshll.u32 v14, $0x6;
	v55 =	vor.u32 v0, v17  }
0x13a: {  	v23 =	vbroadcast v6, $0x0;
	v6 =	vshll.u32 v4, $0x6;
	v4 =	vld.idx.msk [tilespmem:v15+s21+$0x0], $0xffff;
	v15 =	vor.u32 v0, v5  }
0x13b: {  	v7 =	vshll.u32 v11, $0x6;
	v22 =	vld.idx.msk [tilespmem:v12+s21+$0x0], $0xffff;
	v14 =	vor.u32 v0, v19  }
0x13c: {  	v11 =	vor.u32 v0, v7;
	v24 =	vld.idx.msk [tilespmem:v13+s21+$0x0], $0xffff  }
0x13d: {  	v8 =	vshll.u32 v20, $0x6;
	v20 =	vld.idx.msk [tilespmem:v27+s3+$0x0], $0xffff  }
0x13e: {  	v12 =	vshll.u32 v9, $0x6;
	v25 =	vor.u32 v0, v6;
	v28 =	vld.idx.msk [tilespmem:v55+s3+$0x0], $0xffff  }
0x13f: {  	v9 =	vor.u32 v0, v12;
	v13 =	vshll.u32 v10, $0x6;
	v56 =	vld.idx.msk [tilespmem:v15+s3+$0x0], $0xffff  }
0x140: {  	v10 =	vor.u32 v0, v13;
	v57 =	vld.idx.msk [tilespmem:v14+s3+$0x0], $0xffff  }
0x141: {  	v58 =	vshll.u32 v16, $0x6;
	v27 =	vor.u32 v0, v8;
	v15 =	vshll.u32 v4, $0x6;
	v4 =	vld.idx.msk [tilespmem:v11+s3+$0x0], $0xffff  }
0x142: {  	v14 =	vshll.u32 v22, $0x6;
	v22 =	vor.u32 v0, v58;
	v23 =	vld.idx.msk [tilespmem:v23+s21+$0x0], $0xffff  }
0x143: {  	v38 =	vor.u32 v1, v18;
	v25 =	vld.idx.msk [tilespmem:v25+s3+$0x0], $0xffff  }
0x144: {  	v39 =	vor.u32 v1, v17;
	v59 =	vld.idx.msk [tilespmem:v9+s3+$0x0], $0xffff  }
0x145: {  	v33 =	vor.u32 v0, v14;
	v16 =	vshll.u32 v24, $0x6;
	v24 =	vld.idx.msk [tilespmem:v10+s3+$0x0], $0xffff  }
0x146: {  	s19 =	simm.s32 $0x7800;
	v11 =	vshll.u32 v26, $0x6;
	v35 =	vor.u32 v0, v15;
	v26 =	vld.idx.msk [tilespmem:v27+s3+$0x0], $0xffff  }
0x147: {  	v37 =	vor.u32 v1, v19;
	[tilespmem:s19+$0xFFFFFE80] =	vst v20;
	v22 =	vld.idx.msk [tilespmem:v22+s3+$0x0], $0xffff  }
0x148: {  	v9 =	vshll.u32 v21, $0x6;
	v34 =	vor.u32 v0, v16;
	[tilespmem:s19+$0xFFFFFEC0] =	vst v28;
	v63 =	vld.idx.msk [tilespmem:v38+s3+$0x0], $0xffff  }
0x149: {  	v21 =	vor.u32 v0, v9;
	v45 =	vld.idx.msk [tilespmem:v39+s3+$0x0], $0xffff  }
0x14a: {  	v40 =	vor.u32 v1, v12;
	v10 =	vshll.u32 v23, $0x6;
	v23 =	vld.idx.msk [tilespmem:v33+s3+$0x0], $0xffff  }
0x14b: {  	v20 =	vor.u32 v1, v7;
	[tilespmem:s19+$0xFFFFFE40] =	vst v57;
	v35 =	vld.idx.msk [tilespmem:v35+s3+$0x0], $0xffff  }
0x14c: {  	v27 =	vor.u32 v0, v11;
	v62 =	vld.idx.msk [tilespmem:v37+s3+$0x0], $0xffff  }
0x14d: {  	v36 =	vor.u32 v1, v58;
	[tilespmem:s19+$0xFFFFFF80] =	vst v4;
	v34 =	vld.idx.msk [tilespmem:v34+s3+$0x0], $0xffff  }
0x14e: {  	v46 =	vor.u32 v1, v8;
	[tilespmem:s19+$0xFFFFFF00] =	vst v59;
	v21 =	vld.idx.msk [tilespmem:v21+s3+$0x0], $0xffff  }
0x14f: {  	[tilespmem:s19+$0xFFFFFE00] =	vst v25;
	v25 =	vor.u32 v2, v17;
	v47 =	vld.idx.msk [tilespmem:v40+s3+$0x0], $0xffff  }
0x150: {  	v60 =	vor.u32 v0, v10;
	[tilespmem:s19+$0xFFFFFF40] =	vst v24;
	v20 =	vld.idx.msk [tilespmem:v20+s3+$0x0], $0xffff  }
0x151: {  	s7 =	simm.s32 $0xC0;
	v24 =	vor.u32 v1, v14;
	v27 =	vld.idx.msk [tilespmem:v27+s3+$0x0], $0xffff;
	[tilespmem:s19+$0x180] =	vst v22  }
0x152: {  	s1 =	sor.u32 $0x50, s7;
	v48 =	vor.u32 v1, v15;
	[tilespmem:s19+$0xFFFFFFC0] =	vst v26;
	v61 =	vld.idx.msk [tilespmem:v36+s3+$0x0], $0xffff  }
0x153: {  	v51 =	vor.u32 v1, v6;
	[tilespmem:s1+$0x7600] =	vst v45;
	v49 =	vld.idx.msk [tilespmem:v46+s3+$0x0], $0xffff  }
0x154: {  	v4 =	vor.u32 v1, v16;
	v25 =	vld.idx.msk [tilespmem:v25+s3+$0x0], $0xffff  }
0x155: {  	v53 =	vor.u32 v2, v12;
	[tilespmem:s19+$0x0] =	vst v23;
	v33 =	vld.idx.msk [tilespmem:v60+s3+$0x0], $0xffff  }
0x156: {  	v22 =	vor.u32 v1, v13;
	[tilespmem:s19+$0x80] =	vst v35;
	v24 =	vld.idx.msk [tilespmem:v24+s3+$0x0], $0xffff  }
0x157: {  	v55 =	vor.u32 v2, v7;
	[tilespmem:s19+$0x1C0] =	vst v56;
	v35 =	vld.idx.msk [tilespmem:v48+s3+$0x0], $0xffff  }
0x158: {  	v26 =	vor.u32 v1, v11;
	[tilespmem:s19+$0x40] =	vst v34;
	v34 =	vld.idx.msk [tilespmem:v51+s3+$0x0], $0xffff  }
0x159: {  	v23 =	vor.u32 v1, v9;
	[tilespmem:s19+$0xFFFFFF10] =	vst v47;
	v50 =	vld.idx.msk [tilespmem:v4+s3+$0x0], $0xffff  }
0x15a: {  	v44 =	vor.u32 v2, v58;
	[tilespmem:s19+$0x100] =	vst v21;
	v29 =	vld.idx.msk [tilespmem:v53+s3+$0x0], $0xffff  }
0x15b: {  	v21 =	vor.u32 v1, v5;
	[tilespmem:s19+$0xFFFFFF90] =	vst v20;
	v22 =	vld.idx.msk [tilespmem:v22+s3+$0x0], $0xffff  }
0x15c: {  	v56 =	vor.u32 v2, v8;
	[tilespmem:s19+$0xC0] =	vst v27;
	v37 =	vld.idx.msk [tilespmem:v55+s3+$0x0], $0xffff  }
0x15d: {  	s28 =	simm.s32 $0x1C0;
	[tilespmem:s19+$0xFFFFFE90] =	vst v63;
	v4 =	vor.u32 v1, v10;
	v26 =	vld.idx.msk [tilespmem:v26+s3+$0x0], $0xffff  }
0x15e: {  	s8 =	sor.u32 $0x50, s28;
	v60 =	vor.u32 v2, v6;
	[tilespmem:s19+$0x190] =	vst v61;
	v23 =	vld.idx.msk [tilespmem:v23+s3+$0x0], $0xffff  }
0x15f: {  	v20 =	vor.u32 v2, v15;
	[tilespmem:s8+$0x7600] =	vst v49;
	v28 =	vld.idx.msk [tilespmem:v44+s3+$0x0], $0xffff  }
0x160: {  	v27 =	vor.u32 v2, v19;
	[tilespmem:s19+$0x140] =	vst v33;
	v21 =	vld.idx.msk [tilespmem:v21+s3+$0x0], $0xffff  }
0x161: {  	v54 =	vor.u32 v2, v13;
	v38 =	vld.idx.msk [tilespmem:v56+s3+$0x0], $0xffff;
	[tilespmem:s19+$0x10] =	vst v24  }
0x162: {  	s10 =	simm.s32 $0x40;
	v52 =	vor.u32 v2, v18;
	[tilespmem:s19+$0xFFFFFE10] =	vst v34;
	v33 =	vld.idx.msk [tilespmem:v4+s3+$0x0], $0xffff  }
0x163: {  	s30 =	sor.u32 $0x50, s10;
	s1 =	simm.s32 $0x140;
	v24 =	vor.u32 v2, v9;
	[tilespmem:s19+$0x90] =	vst v35;
	v61 =	vld.idx.msk [tilespmem:v60+s3+$0x0], $0xffff  }
0x164: {  	s25 =	simm.s32 $0x1F;
	v31 =	vor.u32 v3, v58;
	[tilespmem:s30+$0x7600] =	vst v62;
	s5 =	sor.u32 $0x50, s1;
	v20 =	vld.idx.msk [tilespmem:v20+s3+$0x0], $0xffff  }
0x165: {  	v4 =	vmov s25;
	v27 =	vld.idx.msk [tilespmem:v27+s3+$0x0], $0xffff;
	[tilespmem:s5+$0x7600] =	vst v22  }
0x166: {  	v58 =	vor.u32 v2, v11;
	s25 =	simm.s32 $0x240;
	v36 =	vld.idx.msk [tilespmem:v54+s3+$0x0], $0xffff;
	[tilespmem:s19+$0x110] =	vst v23  }
0x167: {  	v59 =	vor.u32 v2, v10;
	s9 =	sor.u32 $0x50, s25;
	[tilespmem:s19+$0x1A0] =	vst v28;
	v28 =	vld.idx.msk [tilespmem:v52+s3+$0x0], $0xffff  }
0x168: {  	v7 =	vor.u32 v3, v7;
	[tilespmem:s9+$0x7600] =	vst v50;
	s9 =	simm.s32 $0x2C0;
	v23 =	vld.idx.msk [tilespmem:v24+s3+$0x0], $0xffff  }
0x169: {  	s8 =	simm.s32 $0x340;
	v22 =	vor.u32 v2, v16;
	s11 =	sor.u32 $0x50, s9;
	v31 =	vld.idx.msk [tilespmem:v31+s3+$0x0], $0xffff  }
0x16a: {  	v12 =	vor.u32 v3, v12;
	s12 =	sor.u32 $0x50, s8;
	[tilespmem:s11+$0x7600] =	vst v26;
	v4 =	vld.idx.msk [tilespmem:v4+s21+$0x0], $0xffff  }
0x16b: {  	v19 =	vor.u32 v3, v19;
	v30 =	vld.idx.msk [tilespmem:v58+s3+$0x0], $0xffff;
	[tilespmem:s12+$0x7600] =	vst v33  }
0x16c: {  	[tilespmem:s19+$0xFFFFFFA0] =	vst v37;
	v26 =	vor.u32 v2, v5;
	s12 =	sor.u32 $0x60, s7;
	v24 =	vld.idx.msk [tilespmem:v59+s3+$0x0], $0xffff  }
0x16d: {  	v57 =	vor.u32 v2, v14;
	[tilespmem:s12+$0x7600] =	vst v25;
	v25 =	vor.u32 v3, v8;
	v8 =	vld.idx.msk [tilespmem:v7+s3+$0x0], $0xffff  }
0x16e: {  	s0 =	simm.s32 $0x3C0;
	v13 =	vor.u32 v3, v13;
	s30 =	sor.u32 $0x60, s10;
	[tilespmem:s19+$0xFFFFFF20] =	vst v29;
	v22 =	vld.idx.msk [tilespmem:v22+s3+$0x0], $0xffff  }
0x16f: {  	s13 =	sor.u32 $0x50, s0;
	v17 =	vor.u32 v3, v17;
	[tilespmem:s30+$0x7600] =	vst v27;
	v27 =	vld.idx.msk [tilespmem:v12+s3+$0x0], $0xffff  }
0x170: {  	v18 =	vor.u32 v3, v18;
	[tilespmem:s13+$0x7600] =	vst v21;
	s13 =	sor.u32 $0x60, s1;
	v19 =	vld.idx.msk [tilespmem:v19+s3+$0x0], $0xffff  }
0x171: {  	[tilespmem:s13+$0x7600] =	vst v36;
	v21 =	vld.idx.msk [tilespmem:v26+s3+$0x0], $0xffff  }
0x172: {  	v11 =	vor.u32 v3, v11;
	s5 =	simm.s32 $0x10;
	[tilespmem:s19+$0x1B0] =	vst v31;
	v31 =	vld.idx.msk [tilespmem:v57+s3+$0x0], $0xffff  }
0x173: {  	v14 =	vor.u32 v3, v14;
	v62 =	vld.idx.msk [tilespmem:v13+s3+$0x0], $0xffff;
	v13 =	vor.u32 v3, v15;
	v15 =	vmov s5  }
0x174: {  	v12 =	vor.u32 v3, v16;
	s30 =	sor.u32 $0x60, s28;
	s13 =	simm.s32 $0x12;
	[tilespmem:s19+$0xFFFFFEA0] =	vst v28;
	v26 =	vld.idx.msk [tilespmem:v17+s3+$0x0], $0xffff;
	v15 =	vand.u32 $0xFFFFFFF0, v15  }
0x175: {  	[tilespmem:s30+$0x7600] =	vst v38;
	v17 =	vmov s13;
	s13 =	sor.u32 $0x60, s9;
	v18 =	vld.idx.msk [tilespmem:v18+s3+$0x0], $0xffff;
	v15 =	vbroadcast v15, $0x0  }
0x176: {  	[tilespmem:s13+$0x7600] =	vst v30;
	v7 =	vld.idx.msk [tilespmem:v25+s3+$0x0], $0xffff  }
0x177: {  	s12 =	sor.u32 $0x60, s25;
	v16 =	vor.u32 v3, v9;
	s30 =	simm.s32 $0x11;
	v11 =	vld.idx.msk [tilespmem:v11+s3+$0x0], $0xffff;
	[tilespmem:s19+$0x20] =	vst v31  }
0x178: {  	v25 =	vor.u32 v3, v5;
	[tilespmem:s12+$0x7600] =	vst v22;
	v9 =	vld.idx.msk [tilespmem:v14+s3+$0x0], $0xffff;
	v14 =	vor.u32 v3, v10;
	v10 =	vmov s30  }
0x179: {  	[tilespmem:s19+$0xA0] =	vst v20;
	v5 =	vand.u32 $0xFFFFFFF2, v17;
	v22 =	vor.u32 v3, v6;
	v6 =	vld.idx.msk [tilespmem:v12+s3+$0x0], $0xffff;
	s30 =	simm.s32 $0x13;
	v12 =	vand.u32 $0xFFFFFFF1, v10  }
0x17a: {  	[tilespmem:s19+$0x120] =	vst v23;
	s12 =	simm.s32 $0x14;
	v23 =	vbroadcast v5, $0x0;
	v10 =	vld.idx.msk [tilespmem:v13+s3+$0x0], $0xffff;
	v63 =	vbroadcast v12, $0x0;
	v12 =	vmov s30  }
0x17b: {  	[tilespmem:s19+$0xFFFFFE20] =	vst v61;
	s13 =	sor.u32 $0x60, s8;
	v13 =	vmov s12;
	v15 =	vld.idx.msk [tilespmem:v15+s21+$0x0], $0xffff;
	s30 =	simm.s32 $0x15;
	v5 =	vand.u32 $0xFFFFFFF3, v12  }
0x17c: {  	[tilespmem:s13+$0x7600] =	vst v24;
	s13 =	simm.s32 $0x16;
	v12 =	vld.idx.msk [tilespmem:v16+s3+$0x0], $0xffff;
	v16 =	vmov s30;
	v24 =	vbroadcast v5, $0x0;
	v5 =	vand.u32 $0xFFFFFFF4, v13  }
0x17d: {  	v17 =	vmov s13;
	s13 =	simm.s32 $0x17;
	[tilespmem:s19+$0xFFFFFF30] =	vst v27;
	s30 =	sor.u32 $0x60, s0;
	v16 =	vand.u32 $0xFFFFFFF5, v16;
	v13 =	vld.idx.msk [tilespmem:v14+s3+$0x0], $0xffff;
	v5 =	vbroadcast v5, $0x0  }
0x17e: {  	s10 =	sor.u32 $0x70, s10;
	v17 =	vand.u32 $0xFFFFFFF6, v17;
	[tilespmem:s30+$0x7600] =	vst v21;
	s30 =	simm.s32 $0x18;
	v14 =	vld.idx.msk [tilespmem:v22+s3+$0x0], $0xffff;
	v20 =	vbroadcast v16, $0x0;
	v22 =	vmov s13  }
0x17f: {  	s11 =	simm.s32 $0x19;
	[tilespmem:s10+$0x7600] =	vst v19;
	v21 =	vbroadcast v17, $0x0;
	v16 =	vld.idx.msk [tilespmem:v25+s3+$0x0], $0xffff;
	v25 =	vmov s30;
	v19 =	vand.u32 $0xFFFFFFF7, v22  }
0x180: {  	s7 =	sor.u32 $0x70, s7;
	[tilespmem:s19+$0xFFFFFEB0] =	vst v18;
	s12 =	simm.s32 $0x1A;
	v18 =	vld.idx.msk [tilespmem:v23+s21+$0x0], $0xffff;
	v22 =	vbroadcast v19, $0x0;
	v19 =	vand.u32 $0xFFFFFFF8, v25;
	v25 =	vmov s11  }
0x181: {  	[tilespmem:s7+$0x7600] =	vst v26;
	v26 =	vmov s12;
	s13 =	simm.s32 $0x1B;
	s30 =	sor.u32 $0x70, s1;
	v17 =	vld.idx.msk [tilespmem:v63+s21+$0x0], $0xffff;
	v23 =	vbroadcast v19, $0x0;
	v25 =	vand.u32 $0xFFFFFFF9, v25  }
0x182: {  	s7 =	simm.s32 $0x20;
	s1 =	simm.s32 $0x1E;
	[tilespmem:s30+$0x7600] =	vst v62;
	v19 =	vld.idx.msk [tilespmem:v24+s21+$0x0], $0xffff;
	v24 =	vbroadcast v25, $0x0;
	v25 =	vand.u32 $0xFFFFFFFA, v26;
	v26 =	vmov s13  }
.LBB2_5:
0x183: {  	p2 =	slt.u32 s7, $0xF0;
	v27 =	vld.idx.msk [tilespmem:v5+s21+$0x0], $0xffff;
	v25 =	vbroadcast v25, $0x0;
	v5 =	vand.u32 $0xFFFFFFFB, v26;
	s10 =	sadd.s32 $0xC, s5;
	v26 =	vmov s1;
	[tilespmem:s19+$0xFFFFFFB0] =	vst v8;
	s1 =	sor.u32 $0x70, s28  }
0x184: {  	v8 =	vld.idx.msk [tilespmem:v20+s21+$0x0], $0xffff;
	v20 =	vbroadcast v5, $0x0;
	v5 =	vmov s10;
	s10 =	sadd.s32 $0xD, s5;
	v26 =	vand.u32 $0xFFFFFFFE, v26;
	[tilespmem:s1+$0x7600] =	vst v7;
	s5 =	smov.u32 s7  }
0x185: {  	s1 =	sor.u32 $0x70, s25;
	v7 =	vld.idx.msk [tilespmem:v21+s21+$0x0], $0xffff;
	v5 =	vand.u32 $0xFFFFFFFC, v5;
	v21 =	vmov s10;
	v26 =	vbroadcast v26, $0x0;
	[tilespmem:s19+$0x30] =	vst v9  }
0x186: {  	v9 =	vld.idx.msk [tilespmem:v22+s21+$0x0], $0xffff;
	v22 =	vbroadcast v5, $0x0;
	v5 =	vand.u32 $0xFFFFFFFD, v21;
	[tilespmem:s1+$0x7600] =	vst v6  }
0x187: {  	s1 =	sor.u32 $0x70, s9;
	v21 =	vld.idx.msk [tilespmem:v23+s21+$0x0], $0xffff;
	v23 =	vbroadcast v5, $0x0;
	[tilespmem:s19+$0xB0] =	vst v10  }
0x188: {  	v5 =	vshll.u32 v4, $0x6;
	v10 =	vld.idx.msk [tilespmem:v24+s21+$0x0], $0xffff;
	[tilespmem:s1+$0x7600] =	vst v11  }
0x189: {  	v6 =	vshll.u32 v15, $0x6;
	v24 =	vor.u32 v0, v5;
	s1 =	sor.u32 $0x70, s8;
	v4 =	vld.idx.msk [tilespmem:v25+s21+$0x0], $0xffff;
	[tilespmem:s19+$0x130] =	vst v12  }
0x18a: {  	v11 =	vshll.u32 v17, $0x6;
	v25 =	vor.u32 v0, v6;
	v20 =	vld.idx.msk [tilespmem:v20+s21+$0x0], $0xffff;
	[tilespmem:s1+$0x7600] =	vst v13  }
0x18b: {  	v17 =	vor.u32 v0, v11;
	v12 =	vshll.u32 v18, $0x6;
	s1 =	sor.u32 $0x70, s0;
	v18 =	vld.idx.msk [tilespmem:v26+s21+$0x0], $0xffff;
	[tilespmem:s19+$0xFFFFFE30] =	vst v14  }
0x18c: {  	v15 =	vshll.u32 v19, $0x6;
	v26 =	vor.u32 v0, v12;
	v22 =	vld.idx.msk [tilespmem:v22+s21+$0x0], $0xffff;
	[tilespmem:s1+$0x7600] =	vst v16  }
0x18d: {  	v13 =	vshll.u32 v27, $0x6;
	v16 =	vor.u32 v0, v15;
	v23 =	vld.idx.msk [tilespmem:v23+s21+$0x0], $0xffff  }
0x18e: {  	v19 =	vor.u32 v0, v13;
	v14 =	vshll.u32 v8, $0x6;
	v24 =	vld.idx.msk [tilespmem:v24+s3+$0x0], $0xffff  }
0x18f: {  	v7 =	vshll.u32 v7, $0x6;
	v27 =	vor.u32 v0, v14;
	v25 =	vld.idx.msk [tilespmem:v25+s3+$0x0], $0xffff  }
0x190: {  	v29 =	vor.u32 v0, v7;
	v8 =	vshll.u32 v9, $0x6;
	v28 =	vld.idx.msk [tilespmem:v17+s3+$0x0], $0xffff  }
0x191: {  	v9 =	vor.u32 v0, v8;
	v30 =	vshll.u32 v18, $0x6;
	v26 =	vld.idx.msk [tilespmem:v26+s3+$0x0], $0xffff  }
0x192: {  	v31 =	vld.idx.msk [tilespmem:v16+s3+$0x0], $0xffff;
	v16 =	vshll.u32 v21, $0x6;
	v21 =	vor.u32 v0, v30  }
0x193: {  	v32 =	vld.idx.msk [tilespmem:v19+s3+$0x0], $0xffff;
	v33 =	vor.u32 v0, v16;
	v19 =	vshll.u32 v10, $0x6  }
0x194: {  	v17 =	vshll.u32 v4, $0x6;
	v27 =	vld.idx.msk [tilespmem:v27+s3+$0x0], $0xffff;
	v34 =	vor.u32 v0, v19  }
0x195: {  	v18 =	vshll.u32 v20, $0x6;
	v4 =	vld.idx.msk [tilespmem:v29+s3+$0x0], $0xffff;
	v29 =	vor.u32 v0, v17  }
0x196: {  	v35 =	vor.u32 v0, v18;
	v20 =	vld.idx.msk [tilespmem:v9+s3+$0x0], $0xffff;
	v9 =	vshll.u32 v22, $0x6  }
0x197: {  	v10 =	vshll.u32 v23, $0x6;
	v22 =	vor.u32 v0, v9;
	v21 =	vld.idx.msk [tilespmem:v21+s3+$0x0], $0xffff  }
0x198: {  	v23 =	vld.idx.msk [tilespmem:v33+s3+$0x0], $0xffff;
	v33 =	vor.u32 v0, v10  }
0x199: {  	v36 =	vor.u32 v1, v30;
	v34 =	vld.idx.msk [tilespmem:v34+s3+$0x0], $0xffff  }
0x19a: {  	v37 =	vor.u32 v1, v11;
	v29 =	vld.idx.msk [tilespmem:v29+s3+$0x0], $0xffff  }
0x19b: {  	v38 =	vor.u32 v1, v12;
	v35 =	vld.idx.msk [tilespmem:v35+s3+$0x0], $0xffff  }
0x19c: {  	v39 =	vor.u32 v1, v15;
	s19 =	sadd.s32 $0x400, s19;
	v22 =	vld.idx.msk [tilespmem:v22+s3+$0x0], $0xffff  }
0x19d: {  	v40 =	vor.u32 v1, v13;
	v33 =	vld.idx.msk [tilespmem:v33+s3+$0x0], $0xffff;
	[tilespmem:s19+$0x180] =	vst v21  }
0x19e: {  	v21 =	vor.u32 v1, v14;
	[tilespmem:s19+$0xFFFFFE40] =	vst v28;
	v28 =	vld.idx.msk [tilespmem:v36+s3+$0x0], $0xffff  }
0x19f: {  	v36 =	vld.idx.msk [tilespmem:v37+s3+$0x0], $0xffff;
	[tilespmem:s19+$0xFFFFFE80] =	vst v26;
	v26 =	vor.u32 v1, v7  }
0x1a0: {  	v37 =	vld.idx.msk [tilespmem:v38+s3+$0x0], $0xffff;
	[tilespmem:s19+$0xFFFFFEC0] =	vst v31;
	v31 =	vor.u32 v2, v30  }
0x1a1: {  	v38 =	vld.idx.msk [tilespmem:v39+s3+$0x0], $0xffff;
	[tilespmem:s19+$0xFFFFFF00] =	vst v32;
	v32 =	vor.u32 v1, v8  }
0x1a2: {  	v39 =	vld.idx.msk [tilespmem:v40+s3+$0x0], $0xffff;
	[tilespmem:s19+$0xFFFFFF40] =	vst v27;
	v27 =	vor.u32 v1, v16  }
0x1a3: {  	v21 =	vld.idx.msk [tilespmem:v21+s3+$0x0], $0xffff;
	[tilespmem:s19+$0xFFFFFF80] =	vst v4;
	v4 =	vor.u32 v1, v19  }
0x1a4: {  	v40 =	vor.u32 v1, v17;
	v26 =	vld.idx.msk [tilespmem:v26+s3+$0x0], $0xffff;
	[tilespmem:s19+$0x190] =	vst v28  }
0x1a5: {  	[tilespmem:s19+$0xFFFFFFC0] =	vst v20;
	v20 =	vor.u32 v1, v18;
	v28 =	vld.idx.msk [tilespmem:v31+s3+$0x0], $0xffff  }
0x1a6: {  	v31 =	vld.idx.msk [tilespmem:v32+s3+$0x0], $0xffff;
	[tilespmem:s19+$0x0] =	vst v23;
	v23 =	vor.u32 v1, v9  }
0x1a7: {  	v30 =	vor.u32 v3, v30;
	v27 =	vld.idx.msk [tilespmem:v27+s3+$0x0], $0xffff;
	[tilespmem:s19+$0x40] =	vst v34  }
0x1a8: {  	v32 =	vld.idx.msk [tilespmem:v4+s3+$0x0], $0xffff;
	[tilespmem:s19+$0x80] =	vst v29;
	v4 =	vor.u32 v1, v10  }
0x1a9: {  	v29 =	vor.u32 v1, v6;
	v34 =	vld.idx.msk [tilespmem:v40+s3+$0x0], $0xffff;
	[tilespmem:s19+$0xC0] =	vst v35  }
0x1aa: {  	v20 =	vld.idx.msk [tilespmem:v20+s3+$0x0], $0xffff;
	[tilespmem:s19+$0x100] =	vst v22;
	v22 =	vor.u32 v1, v5  }
0x1ab: {  	v35 =	vor.u32 v2, v11;
	v23 =	vld.idx.msk [tilespmem:v23+s3+$0x0], $0xffff;
	[tilespmem:s19+$0x1A0] =	vst v28  }
0x1ac: {  	s0 =	sadd.s32 $0x400, s0;
	v28 =	vor.u32 v2, v12;
	[tilespmem:s19+$0x140] =	vst v33;
	v30 =	vld.idx.msk [tilespmem:v30+s3+$0x0], $0xffff  }
0x1ad: {  	s10 =	sadd.s32 $0xFFFFFC80, s0;
	s1 =	sadd.s32 $0xF, s7;
	[tilespmem:s19+$0xFFFFFE00] =	vst v25;
	v25 =	vor.u32 v2, v15;
	v33 =	vld.idx.msk [tilespmem:v4+s3+$0x0], $0xffff  }
0x1ae: {  	v4 =	vmov s1;
	s1 =	sor.u32 $0x50, s10;
	v29 =	vld.idx.msk [tilespmem:v29+s3+$0x0], $0xffff;
	[tilespmem:s19+$0x1C0] =	vst v24  }
0x1af: {  	v24 =	vor.u32 v2, v13;
	[tilespmem:s1+$0x7600] =	vst v36;
	s1 =	sadd.s32 $0xFFFFFD00, s0;
	v22 =	vld.idx.msk [tilespmem:v22+s3+$0x0], $0xffff  }
0x1b0: {  	v36 =	vor.u32 v2, v14;
	v35 =	vld.idx.msk [tilespmem:v35+s3+$0x0], $0xffff;
	[tilespmem:s19+$0xFFFFFE90] =	vst v37;
	s8 =	sor.u32 $0x50, s1  }
0x1b1: {  	v37 =	vor.u32 v2, v7;
	v28 =	vld.idx.msk [tilespmem:v28+s3+$0x0], $0xffff;
	[tilespmem:s8+$0x7600] =	vst v38  }
0x1b2: {  	s30 =	sadd.s32 $0xFFFFFD80, s0;
	v38 =	vor.u32 v2, v8;
	v25 =	vld.idx.msk [tilespmem:v25+s3+$0x0], $0xffff;
	[tilespmem:s19+$0x1B0] =	vst v30  }
0x1b3: {  	s8 =	sor.u32 $0x50, s30;
	v30 =	vor.u32 v2, v16;
	v4 =	vld.idx.msk [tilespmem:v4+s21+$0x0], $0xffff;
	[tilespmem:s19+$0xFFFFFF10] =	vst v39  }
0x1b4: {  	s28 =	sadd.s32 $0xFFFFFE00, s0;
	v24 =	vld.idx.msk [tilespmem:v24+s3+$0x0], $0xffff;
	[tilespmem:s8+$0x7600] =	vst v21;
	v21 =	vor.u32 v2, v19  }
0x1b5: {  	s8 =	sor.u32 $0x50, s28;
	v36 =	vld.idx.msk [tilespmem:v36+s3+$0x0], $0xffff;
	[tilespmem:s19+$0xFFFFFF90] =	vst v26;
	v26 =	vor.u32 v2, v17  }
0x1b6: {  	s25 =	sadd.s32 $0xFFFFFE80, s0;
	v37 =	vld.idx.msk [tilespmem:v37+s3+$0x0], $0xffff;
	[tilespmem:s8+$0x7600] =	vst v31;
	v31 =	vor.u32 v2, v18  }
0x1b7: {  	s8 =	sor.u32 $0x50, s25;
	v38 =	vld.idx.msk [tilespmem:v38+s3+$0x0], $0xffff;
	[tilespmem:s19+$0x10] =	vst v27;
	v27 =	vor.u32 v2, v9  }
0x1b8: {  	s9 =	sadd.s32 $0xFFFFFF00, s0;
	v30 =	vld.idx.msk [tilespmem:v30+s3+$0x0], $0xffff;
	[tilespmem:s8+$0x7600] =	vst v32;
	v32 =	vor.u32 v2, v10  }
0x1b9: {  	v39 =	vor.u32 v2, v6;
	s8 =	sor.u32 $0x50, s9;
	v21 =	vld.idx.msk [tilespmem:v21+s3+$0x0], $0xffff;
	[tilespmem:s19+$0x90] =	vst v34  }
0x1ba: {  	v26 =	vld.idx.msk [tilespmem:v26+s3+$0x0], $0xffff;
	[tilespmem:s8+$0x7600] =	vst v20;
	s8 =	sadd.s32 $0xFFFFFF80, s0;
	v20 =	vor.u32 v2, v5  }
0x1bb: {  	v11 =	vor.u32 v3, v11;
	v31 =	vld.idx.msk [tilespmem:v31+s3+$0x0], $0xffff;
	[tilespmem:s19+$0x110] =	vst v23;
	s11 =	sor.u32 $0x50, s8  }
0x1bc: {  	v12 =	vor.u32 v3, v12;
	v23 =	vld.idx.msk [tilespmem:v27+s3+$0x0], $0xffff;
	[tilespmem:s11+$0x7600] =	vst v33  }
0x1bd: {  	v15 =	vor.u32 v3, v15;
	s11 =	sor.u32 $0x50, s0;
	[tilespmem:s19+$0xFFFFFE10] =	vst v29;
	v27 =	vld.idx.msk [tilespmem:v32+s3+$0x0], $0xffff  }
0x1be: {  	s12 =	sor.u32 $0x60, s10;
	v13 =	vor.u32 v3, v13;
	v29 =	vld.idx.msk [tilespmem:v39+s3+$0x0], $0xffff;
	[tilespmem:s11+$0x7600] =	vst v22  }
0x1bf: {  	v14 =	vor.u32 v3, v14;
	[tilespmem:s12+$0x7600] =	vst v35;
	v20 =	vld.idx.msk [tilespmem:v20+s3+$0x0], $0xffff  }
0x1c0: {  	v7 =	vor.u32 v3, v7;
	s11 =	sor.u32 $0x60, s1;
	v22 =	vld.idx.msk [tilespmem:v11+s3+$0x0], $0xffff;
	[tilespmem:s19+$0xFFFFFEA0] =	vst v28  }
0x1c1: {  	v11 =	vor.u32 v3, v8;
	v28 =	vld.idx.msk [tilespmem:v12+s3+$0x0], $0xffff;
	[tilespmem:s11+$0x7600] =	vst v25  }
0x1c2: {  	s11 =	sor.u32 $0x60, s30;
	v12 =	vor.u32 v3, v16;
	v25 =	vld.idx.msk [tilespmem:v15+s3+$0x0], $0xffff;
	[tilespmem:s19+$0xFFFFFF20] =	vst v24  }
0x1c3: {  	v24 =	vld.idx.msk [tilespmem:v13+s3+$0x0], $0xffff;
	[tilespmem:s11+$0x7600] =	vst v36;
	v13 =	vor.u32 v3, v19  }
0x1c4: {  	s11 =	sor.u32 $0x60, s28;
	v32 =	vld.idx.msk [tilespmem:v14+s3+$0x0], $0xffff;
	[tilespmem:s19+$0xFFFFFFA0] =	vst v37;
	v14 =	vor.u32 v3, v17  }
0x1c5: {  	v15 =	vor.u32 v3, v18;
	v8 =	vld.idx.msk [tilespmem:v7+s3+$0x0], $0xffff;
	[tilespmem:s11+$0x7600] =	vst v38  }
0x1c6: {  	v16 =	vmov s7;
	v17 =	vor.u32 v3, v9;
	s11 =	sor.u32 $0x60, s25;
	v7 =	vld.idx.msk [tilespmem:v11+s3+$0x0], $0xffff;
	[tilespmem:s19+$0x20] =	vst v30  }
0x1c7: {  	s13 =	sadd.s32 $0x2, s7;
	s12 =	sadd.s32 $0x1, s7;
	v11 =	vand.u32 $0xFFFFFFF0, v16;
	v16 =	vor.u32 v3, v10;
	v9 =	vld.idx.msk [tilespmem:v12+s3+$0x0], $0xffff;
	[tilespmem:s11+$0x7600] =	vst v21  }
0x1c8: {  	v18 =	vor.u32 v3, v6;
	v10 =	vmov s12;
	v12 =	vmov s13;
	s11 =	sor.u32 $0x60, s9;
	v6 =	vld.idx.msk [tilespmem:v13+s3+$0x0], $0xffff;
	[tilespmem:s19+$0xA0] =	vst v26  }
0x1c9: {  	s12 =	sadd.s32 $0x3, s7;
	v19 =	vbroadcast v11, $0x0;
	v11 =	vand.u32 $0xFFFFFFF1, v10;
	v21 =	vor.u32 v3, v5;
	v10 =	vld.idx.msk [tilespmem:v14+s3+$0x0], $0xffff;
	[tilespmem:s11+$0x7600] =	vst v31  }
0x1ca: {  	v26 =	vbroadcast v11, $0x0;
	v5 =	vand.u32 $0xFFFFFFF2, v12;
	v12 =	vmov s12;
	s12 =	sor.u32 $0x60, s8;
	s11 =	sadd.s32 $0x4, s7;
	v11 =	vld.idx.msk [tilespmem:v15+s3+$0x0], $0xffff;
	[tilespmem:s19+$0x120] =	vst v23  }
0x1cb: {  	v23 =	vbroadcast v5, $0x0;
	v5 =	vand.u32 $0xFFFFFFF3, v12;
	v13 =	vmov s11;
	s11 =	sadd.s32 $0x5, s7;
	v12 =	vld.idx.msk [tilespmem:v17+s3+$0x0], $0xffff;
	[tilespmem:s12+$0x7600] =	vst v27  }
0x1cc: {  	v27 =	vbroadcast v5, $0x0;
	v5 =	vand.u32 $0xFFFFFFF4, v13;
	v14 =	vmov s11;
	s11 =	sadd.s32 $0x6, s7;
	s12 =	sor.u32 $0x60, s0;
	[tilespmem:s19+$0xFFFFFE20] =	vst v29;
	v13 =	vld.idx.msk [tilespmem:v16+s3+$0x0], $0xffff  }
0x1cd: {  	s10 =	sor.u32 $0x70, s10;
	v5 =	vbroadcast v5, $0x0;
	v15 =	vand.u32 $0xFFFFFFF5, v14;
	v16 =	vmov s11;
	s11 =	sadd.s32 $0x7, s7;
	v14 =	vld.idx.msk [tilespmem:v18+s3+$0x0], $0xffff;
	[tilespmem:s12+$0x7600] =	vst v20  }
.Ltmp1:
0x1ce: {  	v20 =	vbroadcast v15, $0x0;
	v17 =	vand.u32 $0xFFFFFFF6, v16;
	v18 =	vmov s11;
	s11 =	sadd.s32 $0x8, s7;
	[tilespmem:s10+$0x7600] =	vst v22;
	v16 =	vld.idx.msk [tilespmem:v21+s3+$0x0], $0xffff;
	(pc) =	sbr.rel @p2 .LBB2_5-.Ltmp1, $4  }
0x1cf: {  	s1 =	sor.u32 $0x70, s1;
	v21 =	vbroadcast v17, $0x0;
	v18 =	vand.u32 $0xFFFFFFF7, v18;
	s10 =	sadd.s32 $0x9, s7;
	v15 =	vld.idx.msk [tilespmem:v19+s21+$0x0], $0xffff;
	v19 =	vmov s11;
	[tilespmem:s19+$0xFFFFFEB0] =	vst v28  }
0x1d0: {  	v22 =	vbroadcast v18, $0x0;
	v17 =	vld.idx.msk [tilespmem:v26+s21+$0x0], $0xffff;
	v19 =	vand.u32 $0xFFFFFFF8, v19;
	v26 =	vmov s10;
	s10 =	sadd.s32 $0xA, s7;
	[tilespmem:s1+$0x7600] =	vst v25  }
0x1d1: {  	s1 =	sadd.s32 $0xB, s7;
	v18 =	vld.idx.msk [tilespmem:v23+s21+$0x0], $0xffff;
	v23 =	vbroadcast v19, $0x0;
	v25 =	vand.u32 $0xFFFFFFF9, v26;
	v26 =	vmov s10;
	[tilespmem:s19+$0xFFFFFF30] =	vst v24;
	s10 =	sor.u32 $0x70, s30  }
0x1d2: {  	s7 =	sadd.s32 $0x10, s7;
	v19 =	vld.idx.msk [tilespmem:v27+s21+$0x0], $0xffff;
	v24 =	vbroadcast v25, $0x0;
	v25 =	vand.u32 $0xFFFFFFFA, v26;
	v26 =	vmov s1;
	s1 =	sadd.s32 $0xE, s5;
	[tilespmem:s10+$0x7600] =	vst v32  }
0x1d3: {  	_ = 	snop  }
0x1d4: {  	v27 =	vmov s1  }
0x1d5: {  	v27 =	vand.u32 $0xFFFFFFFE, v27  }
0x1d6: {  	v27 =	vbroadcast v27, $0x0  }
0x1d7: {  	s30 =	sadd.s32 $0xC, s5;
	v28 =	vld.idx.msk [tilespmem:v5+s21+$0x0], $0xffff  }
0x1d8: {  	v25 =	vbroadcast v25, $0x0;
	v5 =	vand.u32 $0xFFFFFFFB, v26;
	v20 =	vld.idx.msk [tilespmem:v20+s21+$0x0], $0xffff;
	v26 =	vmov s30  }
0x1d9: {  	s5 =	sadd.s32 $0xD, s5;
	v21 =	vld.idx.msk [tilespmem:v21+s21+$0x0], $0xffff;
	v29 =	vbroadcast v5, $0x0;
	v5 =	vand.u32 $0xFFFFFFFC, v26  }
0x1da: {  	v22 =	vld.idx.msk [tilespmem:v22+s21+$0x0], $0xffff;
	s7 =	sor.u32 $0x70, s28;
	v26 =	vmov s5;
	v30 =	vbroadcast v5, $0x0  }
0x1db: {  	v23 =	vld.idx.msk [tilespmem:v23+s21+$0x0], $0xffff;
	[tilespmem:s7+$0x7600] =	vst v7;
	v5 =	vand.u32 $0xFFFFFFFD, v26;
	v7 =	vshll.u32 v18, $0x6  }
0x1dc: {  	v26 =	vbroadcast v5, $0x0;
	v5 =	vshll.u32 v17, $0x6;
	v36 =	vor.u32 v0, v7;
	v27 =	vld.idx.msk [tilespmem:v27+s21+$0x0], $0xffff  }
0x1dd: {  	[tilespmem:s19+$0xFFFFFFB0] =	vst v8;
	s10 =	sor.u32 $0x70, s25;
	v24 =	vld.idx.msk [tilespmem:v24+s21+$0x0], $0xffff;
	v31 =	vor.u32 v0, v5  }
0x1de: {  	[tilespmem:s10+$0x7600] =	vst v6;
	v6 =	vshll.u32 v28, $0x6;
	v25 =	vld.idx.msk [tilespmem:v25+s21+$0x0], $0xffff  }
0x1df: {  	[tilespmem:s19+$0xB0] =	vst v10;
	v10 =	vshll.u32 v20, $0x6;
	v28 =	vor.u32 v0, v6;
	v18 =	vld.idx.msk [tilespmem:v29+s21+$0x0], $0xffff  }
0x1e0: {  	[tilespmem:s19+$0x30] =	vst v9;
	s11 =	sor.u32 $0x70, s9;
	v8 =	vshll.u32 v19, $0x6;
	v9 =	vshll.u32 v21, $0x6;
	v20 =	vor.u32 v0, v10;
	v19 =	vld.idx.msk [tilespmem:v30+s21+$0x0], $0xffff  }
0x1e1: {  	[tilespmem:s11+$0x7600] =	vst v11;
	v11 =	vshll.u32 v22, $0x6;
	v38 =	vor.u32 v0, v9;
	v22 =	vld.idx.msk [tilespmem:v36+s3+$0x0], $0xffff;
	v27 =	vshll.u32 v27, $0x6  }
0x1e2: {  	v21 =	vld.idx.msk [tilespmem:v31+s3+$0x0], $0xffff;
	v17 =	vor.u32 v0, v27  }
0x1e3: {  	[tilespmem:s19+$0x130] =	vst v12;
	v12 =	vshll.u32 v23, $0x6;
	v32 =	vor.u32 v0, v11;
	v26 =	vld.idx.msk [tilespmem:v26+s21+$0x0], $0xffff  }
0x1e4: {  	s12 =	sor.u32 $0x70, s8;
	[tilespmem:s19+$0xFFFFFE30] =	vst v14;
	v40 =	vor.u32 v0, v12;
	v23 =	vld.idx.msk [tilespmem:v28+s3+$0x0], $0xffff  }
0x1e5: {  	s13 =	sor.u32 $0x70, s0;
	[tilespmem:s12+$0x7600] =	vst v13;
	v37 =	vor.u32 v0, v8;
	v13 =	vshll.u32 v24, $0x6;
	v20 =	vld.idx.msk [tilespmem:v20+s3+$0x0], $0xffff  }
0x1e6: {  	[tilespmem:s13+$0x7600] =	vst v16;
	s5 =	sadd.s32 $0x400, s19;
	v24 =	vor.u32 v0, v13;
	v14 =	vshll.u32 v25, $0x6;
	v25 =	vld.idx.msk [tilespmem:v38+s3+$0x0], $0xffff;
	v16 =	vshll.u32 v18, $0x6  }
0x1e7: {  	[tilespmem:s5+$0xFFFFFE40] =	vst v21;
	v21 =	vor.u32 v0, v16;
	v17 =	vld.idx.msk [tilespmem:v17+s3+$0x0], $0xffff  }
0x1e8: {  	v39 =	vor.u32 v1, v27;
	[tilespmem:s5+$0xFFFFFE80] =	vst v22;
	v22 =	vld.idx.msk [tilespmem:v32+s3+$0x0], $0xffff  }
0x1e9: {  	v41 =	vor.u32 v0, v14;
	v18 =	vshll.u32 v26, $0x6;
	v26 =	vld.idx.msk [tilespmem:v40+s3+$0x0], $0xffff;
	[tilespmem:s5+$0xFFFFFF00] =	vst v23  }
0x1ea: {  	v15 =	vshll.u32 v15, $0x6;
	v30 =	vld.idx.msk [tilespmem:v37+s3+$0x0], $0xffff;
	v23 =	vor.u32 v0, v18;
	[tilespmem:s5+$0xFFFFFF40] =	vst v20  }
0x1eb: {  	v4 =	vshll.u32 v4, $0x6;
	v24 =	vld.idx.msk [tilespmem:v24+s3+$0x0], $0xffff;
	v20 =	vor.u32 v0, v15;
	[tilespmem:s5+$0xFFFFFF80] =	vst v25  }
0x1ec: {  	v25 =	vor.u32 v0, v4;
	v21 =	vld.idx.msk [tilespmem:v21+s3+$0x0], $0xffff;
	[tilespmem:s5+$0x180] =	vst v17  }
0x1ed: {  	[tilespmem:s5+$0xFFFFFFC0] =	vst v22;
	v22 =	vor.u32 v1, v7;
	v17 =	vshll.u32 v19, $0x6;
	v19 =	vld.idx.msk [tilespmem:v39+s3+$0x0], $0xffff  }
0x1ee: {  	v44 =	vld.idx.msk [tilespmem:v41+s3+$0x0], $0xffff;
	[tilespmem:s5+$0x0] =	vst v26;
	v26 =	vor.u32 v1, v8  }
0x1ef: {  	v43 =	vor.u32 v2, v27;
	[tilespmem:s5+$0xFFFFFEC0] =	vst v30;
	v23 =	vld.idx.msk [tilespmem:v23+s3+$0x0], $0xffff  }
0x1f0: {  	[tilespmem:s5+$0x40] =	vst v24;
	v24 =	vor.u32 v3, v27;
	v27 =	vor.u32 v1, v6;
	v20 =	vld.idx.msk [tilespmem:v20+s3+$0x0], $0xffff  }
0x1f1: {  	v25 =	vld.idx.msk [tilespmem:v25+s3+$0x0], $0xffff;
	[tilespmem:s5+$0xC0] =	vst v21;
	v21 =	vor.u32 v1, v10  }
0x1f2: {  	v22 =	vld.idx.msk [tilespmem:v22+s3+$0x0], $0xffff;
	[tilespmem:s5+$0x190] =	vst v19;
	v19 =	vor.u32 v1, v5  }
0x1f3: {  	v46 =	vor.u32 v1, v11;
	v26 =	vld.idx.msk [tilespmem:v26+s3+$0x0], $0xffff  }
0x1f4: {  	[tilespmem:s5+$0x80] =	vst v44;
	v42 =	vor.u32 v0, v17;
	v28 =	vld.idx.msk [tilespmem:v43+s3+$0x0], $0xffff  }
0x1f5: {  	[tilespmem:s5+$0xFFFFFE00] =	vst v20;
	v20 =	vld.idx.msk [tilespmem:v27+s3+$0x0], $0xffff  }
0x1f6: {  	[tilespmem:s5+$0x140] =	vst v23;
	v23 =	vor.u32 v1, v12;
	v21 =	vld.idx.msk [tilespmem:v21+s3+$0x0], $0xffff  }
0x1f7: {  	v47 =	vor.u32 v1, v16;
	[tilespmem:s5+$0x1C0] =	vst v25;
	v19 =	vld.idx.msk [tilespmem:v19+s3+$0x0], $0xffff  }
0x1f8: {  	s0 =	sadd.s32 $0x400, s0;
	v45 =	vor.u32 v1, v9;
	[tilespmem:s5+$0xFFFFFE90] =	vst v22;
	v22 =	vld.idx.msk [tilespmem:v46+s3+$0x0], $0xffff  }
0x1f9: {  	s8 =	sadd.s32 $0xFFFFFD80, s0;
	v25 =	vor.u32 v1, v14;
	v29 =	vld.idx.msk [tilespmem:v42+s3+$0x0], $0xffff;
	[tilespmem:s5+$0x1A0] =	vst v28  }
0x1fa: {  	s1 =	sadd.s32 $0xFFFFFC80, s0;
	s25 =	sor.u32 $0x50, s8;
	v27 =	vor.u32 v1, v13;
	[tilespmem:s5+$0xFFFFFF10] =	vst v20;
	v24 =	vld.idx.msk [tilespmem:v24+s3+$0x0], $0xffff  }
0x1fb: {  	s9 =	sadd.s32 $0xFFFFFE00, s0;
	s7 =	sor.u32 $0x50, s1;
	v23 =	vld.idx.msk [tilespmem:v23+s3+$0x0], $0xffff;
	[tilespmem:s25+$0x7600] =	vst v21  }
0x1fc: {  	s10 =	sor.u32 $0x50, s9;
	v50 =	vor.u32 v2, v7;
	v21 =	vld.idx.msk [tilespmem:v47+s3+$0x0], $0xffff;
	[tilespmem:s7+$0x7600] =	vst v19;
	s7 =	sadd.s32 $0xFFFFFD00, s0  }
0x1fd: {  	v48 =	vor.u32 v1, v17;
	[tilespmem:s10+$0x7600] =	vst v22;
	v19 =	vld.idx.msk [tilespmem:v45+s3+$0x0], $0xffff;
	s19 =	sor.u32 $0x50, s7  }
0x1fe: {  	v20 =	vld.idx.msk [tilespmem:v25+s3+$0x0], $0xffff;
	[tilespmem:s19+$0x7600] =	vst v26;
	v26 =	vor.u32 v1, v18  }
0x1ff: {  	[tilespmem:s5+$0x1B0] =	vst v24;
	v24 =	vld.idx.msk [tilespmem:v27+s3+$0x0], $0xffff;
	v27 =	vor.u32 v1, v15;
	s19 =	sadd.s32 $0xFFFFFF00, s0  }
0x200: {  	v25 =	vor.u32 v1, v4;
	[tilespmem:s5+$0x100] =	vst v29;
	s30 =	sor.u32 $0x50, s19  }
0x201: {  	v49 =	vor.u32 v2, v5;
	[tilespmem:s30+$0x7600] =	vst v21;
	v21 =	vld.idx.msk [tilespmem:v50+s3+$0x0], $0xffff  }
0x202: {  	v22 =	vor.u32 v2, v8;
	[tilespmem:s5+$0xFFFFFF90] =	vst v19;
	v19 =	vld.idx.msk [tilespmem:v48+s3+$0x0], $0xffff  }
0x203: {  	v7 =	vor.u32 v3, v7;
	s10 =	sadd.s32 $0xFFFFFE80, s0;
	[tilespmem:s5+$0x10] =	vst v23;
	v26 =	vld.idx.msk [tilespmem:v26+s3+$0x0], $0xffff  }
0x204: {  	s11 =	sor.u32 $0x50, s10;
	[tilespmem:s5+$0x90] =	vst v20;
	v23 =	vld.idx.msk [tilespmem:v27+s3+$0x0], $0xffff;
	v27 =	vor.u32 v2, v6  }
0x205: {  	[tilespmem:s11+$0x7600] =	vst v24;
	v24 =	vld.idx.msk [tilespmem:v25+s3+$0x0], $0xffff;
	v25 =	vor.u32 v2, v10  }
0x206: {  	v51 =	vor.u32 v2, v9;
	s25 =	sadd.s32 $0xFFFFFF80, s0;
	v20 =	vld.idx.msk [tilespmem:v49+s3+$0x0], $0xffff;
	[tilespmem:s5+$0xFFFFFEA0] =	vst v21  }
0x207: {  	v52 =	vor.u32 v2, v11;
	s12 =	sor.u32 $0x50, s25;
	[tilespmem:s5+$0x110] =	vst v19;
	v19 =	vld.idx.msk [tilespmem:v22+s3+$0x0], $0xffff  }
0x208: {  	v5 =	vor.u32 v3, v5;
	v7 =	vld.idx.msk [tilespmem:v7+s3+$0x0], $0xffff;
	[tilespmem:s12+$0x7600] =	vst v26  }
0x209: {  	s13 =	sor.u32 $0x50, s0;
	v22 =	vor.u32 v2, v12;
	v26 =	vld.idx.msk [tilespmem:v27+s3+$0x0], $0xffff;
	[tilespmem:s5+$0xFFFFFE10] =	vst v23  }
0x20a: {  	v8 =	vor.u32 v3, v8;
	v23 =	vld.idx.msk [tilespmem:v25+s3+$0x0], $0xffff;
	s12 =	sor.u32 $0x60, s1;
	[tilespmem:s13+$0x7600] =	vst v24  }
0x20b: {  	s30 =	sor.u32 $0x60, s7;
	v27 =	vor.u32 v2, v13;
	v24 =	vld.idx.msk [tilespmem:v51+s3+$0x0], $0xffff;
	[tilespmem:s12+$0x7600] =	vst v20  }
0x20c: {  	v25 =	vor.u32 v2, v14;
	v20 =	vld.idx.msk [tilespmem:v52+s3+$0x0], $0xffff;
	[tilespmem:s30+$0x7600] =	vst v19  }
0x20d: {  	v53 =	vor.u32 v2, v16;
	v5 =	vld.idx.msk [tilespmem:v5+s3+$0x0], $0xffff;
	[tilespmem:s5+$0xFFFFFEB0] =	vst v7  }
0x20e: {  	v54 =	vor.u32 v2, v17;
	s12 =	sor.u32 $0x60, s8;
	v21 =	vld.idx.msk [tilespmem:v22+s3+$0x0], $0xffff;
	[tilespmem:s5+$0xFFFFFF20] =	vst v26  }
0x20f: {  	v6 =	vor.u32 v3, v6;
	v8 =	vld.idx.msk [tilespmem:v8+s3+$0x0], $0xffff;
	[tilespmem:s12+$0x7600] =	vst v23  }
0x210: {  	v10 =	vor.u32 v3, v10;
	s13 =	sor.u32 $0x60, s9;
	v27 =	vld.idx.msk [tilespmem:v27+s3+$0x0], $0xffff;
	[tilespmem:s5+$0xFFFFFFA0] =	vst v24  }
0x211: {  	v9 =	vor.u32 v3, v9;
	s1 =	sor.u32 $0x70, s1;
	v25 =	vld.idx.msk [tilespmem:v25+s3+$0x0], $0xffff;
	[tilespmem:s13+$0x7600] =	vst v20  }
0x212: {  	v11 =	vor.u32 v3, v11;
	v23 =	vld.idx.msk [tilespmem:v53+s3+$0x0], $0xffff;
	[tilespmem:s1+$0x7600] =	vst v5  }
0x213: {  	s7 =	sor.u32 $0x70, s7;
	v22 =	vor.u32 v2, v18;
	v24 =	vld.idx.msk [tilespmem:v54+s3+$0x0], $0xffff;
	[tilespmem:s5+$0x20] =	vst v21  }
0x214: {  	v19 =	vor.u32 v2, v15;
	s30 =	sor.u32 $0x60, s10;
	v6 =	vld.idx.msk [tilespmem:v6+s3+$0x0], $0xffff;
	[tilespmem:s7+$0x7600] =	vst v8  }
0x215: {  	v12 =	vor.u32 v3, v12;
	v10 =	vld.idx.msk [tilespmem:v10+s3+$0x0], $0xffff;
	[tilespmem:s30+$0x7600] =	vst v27  }
0x216: {  	v26 =	vor.u32 v2, v4;
	s12 =	sor.u32 $0x60, s19;
	v9 =	vld.idx.msk [tilespmem:v9+s3+$0x0], $0xffff;
	[tilespmem:s5+$0xA0] =	vst v25  }
0x217: {  	v13 =	vor.u32 v3, v13;
	v5 =	vld.idx.msk [tilespmem:v11+s3+$0x0], $0xffff;
	[tilespmem:s12+$0x7600] =	vst v23  }
0x218: {  	v14 =	vor.u32 v3, v14;
	v20 =	vld.idx.msk [tilespmem:v22+s3+$0x0], $0xffff;
	[tilespmem:s5+$0x120] =	vst v24  }
0x219: {  	v16 =	vor.u32 v3, v16;
	s11 =	sor.u32 $0x70, s8;
	v19 =	vld.idx.msk [tilespmem:v19+s3+$0x0], $0xffff;
	[tilespmem:s5+$0xFFFFFF30] =	vst v6  }
0x21a: {  	v11 =	vor.u32 v3, v17;
	v7 =	vld.idx.msk [tilespmem:v12+s3+$0x0], $0xffff;
	[tilespmem:s11+$0x7600] =	vst v10  }
0x21b: {  	v12 =	vor.u32 v3, v18;
	v21 =	vld.idx.msk [tilespmem:v26+s3+$0x0], $0xffff;
	s12 =	sor.u32 $0x70, s9;
	[tilespmem:s5+$0xFFFFFFB0] =	vst v9  }
0x21c: {  	s13 =	sor.u32 $0x60, s25;
	v13 =	vld.idx.msk [tilespmem:v13+s3+$0x0], $0xffff;
	[tilespmem:s12+$0x7600] =	vst v5  }
0x21d: {  	v8 =	vor.u32 v3, v15;
	v6 =	vld.idx.msk [tilespmem:v14+s3+$0x0], $0xffff;
	[tilespmem:s13+$0x7600] =	vst v20  }
0x21e: {  	v4 =	vor.u32 v3, v4;
	v10 =	vld.idx.msk [tilespmem:v16+s3+$0x0], $0xffff;
	[tilespmem:s5+$0xFFFFFE20] =	vst v19  }
0x21f: {  	s30 =	sor.u32 $0x60, s0;
	v9 =	vld.idx.msk [tilespmem:v11+s3+$0x0], $0xffff;
	[tilespmem:s5+$0x30] =	vst v7  }
0x220: {  	s13 =	sor.u32 $0x70, s10;
	v5 =	vld.idx.msk [tilespmem:v12+s3+$0x0], $0xffff;
	[tilespmem:s30+$0x7600] =	vst v21  }
0x221: {  	[tilespmem:s13+$0x7600] =	vst v13  }
0x222: {  	v7 =	vld.idx.msk [tilespmem:v8+s3+$0x0], $0xffff;
	s30 =	sor.u32 $0x70, s19;
	[tilespmem:s5+$0xB0] =	vst v6  }
0x223: {  	v4 =	vld.idx.msk [tilespmem:v4+s3+$0x0], $0xffff;
	[tilespmem:s30+$0x7600] =	vst v10  }
0x224: {  	s7 =	sor.u32 $0x70, s25;
	[tilespmem:s5+$0x130] =	vst v9  }
0x225: {  	[tilespmem:s7+$0x7600] =	vst v5  }
0x226: {  	s1 =	rddreg [dreg:$0xa]  }
0x227: {  	s0 =	sor.u32 $0x70, s0;
	[tilespmem:s5+$0xFFFFFE30] =	vst v7;
	s1 =	sadd.s32 @!p1 s6, s1  }
0x228: {  	s5 =	simm.s32 @!p1 $0x3300;
	[tilespmem:s0+$0x7600] =	vst v4;
	s1 =	sshrl.u32 @!p1 s1, $0x3  }
0x229: {  	s8 =	rddreg [dreg:$0xb];
	s0 =	sadd.s32 @!p1 s4, s1;
	s1 =	simm.s32 @!p1 $0x0  }
0x22a: {  	[tilespmem:s5], [sflag:$0x2] =	stream.linear.gather @!p1 [hbm4b:s0+s1], $0x100, $0x38;
	[tilespmem:$0x13600] =	vst v63  }
0x22b: {  	s0 =	sadd.s32 s6, s8  }
0x22c: {  	s0 =	sshll.u32 s0, $0x3  }
0x22d: {  	s9 =	simm.s32 $0x7600;
	s0 =	sand.u32 $0x1FFFE800, s0  }
0x22e: {  	s12 =	simm.s32 $0x1;
	s10 =	simm.s32 $0x0;
	s0 =	sadd.s32 s2, s0  }
0x22f: {  	v6 =	vmov s12;
	v4 =	vmov s10;
	[hbm4b:s0+s3] =	stream.linear.scatter [tilespmem:s9], [sflag:$0x6], $0x4000, $0x38;
	[tilespmem:$0x13600] =	vst v63  }
0x230: {  	s11 =	simm.s32 $0xF;
	s13 =	simm.s32 $0x2;
	v6 =	vand.u32 $0xFFFFFFF1, v6;
	v4 =	vand.u32 $0xFFFFFFF0, v4;
	_ =	swait.ge [sflag:s29], $0x100  }
0x231: {  	s19 =	simm.s32 $0x3;
	v5 =	vmov s11;
	v7 =	vmov s13;
	v4 =	vbroadcast v4, $0x0;
	[sflag:s29] =	ssyncset.done $0x0  }
0x232: {  	s25 =	simm.s32 $0x4;
	v8 =	vmov s19;
	v6 =	vbroadcast v6, $0x0;
	v7 =	vand.u32 $0xFFFFFFF2, v7;
	s1 =	simm.s32 @!p0 $0x7;
	[sflag:s29] =	ssyncadd.s32 $0xFFFFFF00  }
0x233: {  	s30 =	simm.s32 $0x5;
	v8 =	vand.u32 $0xFFFFFFF3, v8;
	v9 =	vmov s25;
	v7 =	vbroadcast v7, $0x0;
	_ =	swait.ge @!p0 [sflag:s1], $0x4000  }
0x234: {  	v10 =	vmov s30;
	v8 =	vbroadcast v8, $0x0;
	v9 =	vand.u32 $0xFFFFFFF4, v9;
	s5 =	simm.s32 $0x6;
	[sflag:s1] =	ssyncset.done @!p0 $0x0  }
0x235: {  	v10 =	vand.u32 $0xFFFFFFF5, v10;
	v9 =	vbroadcast v9, $0x0;
	s11 =	simm.s32 $0xB;
	v11 =	vmov s5;
	[sflag:s1] =	ssyncadd.s32 @!p0 $0xFFFFC000  }
0x236: {  	s12 =	simm.s32 $0xE;
	v10 =	vbroadcast v10, $0x0;
	v16 =	vmov s11;
	v11 =	vand.u32 $0xFFFFFFF6, v11;
	v5 =	vld.idx.msk [tilespmem:v5+s22+$0x0], $0xffff  }
0x237: {  	v17 =	vmov s12;
	s7 =	simm.s32 $0x7;
	v16 =	vand.u32 $0xFFFFFFFB, v16;
	v11 =	vbroadcast v11, $0x0;
	v4 =	vld.idx.msk [tilespmem:v4+s22+$0x0], $0xffff  }
0x238: {  	v17 =	vand.u32 $0xFFFFFFFE, v17;
	v12 =	vmov s7;
	s13 =	simm.s32 $0xC;
	v16 =	vbroadcast v16, $0x0;
	v14 =	vld.idx.msk [tilespmem:v6+s22+$0x0], $0xffff  }
0x239: {  	v17 =	vbroadcast v17, $0x0;
	v12 =	vand.u32 $0xFFFFFFF7, v12;
	s10 =	simm.s32 $0xA;
	v18 =	vmov s13;
	v7 =	vld.idx.msk [tilespmem:v7+s22+$0x0], $0xffff  }
0x23a: {  	v15 =	vmov s10;
	v18 =	vand.u32 $0xFFFFFFFC, v18;
	s8 =	simm.s32 $0x8;
	v6 =	vbroadcast v12, $0x0;
	v8 =	vld.idx.msk [tilespmem:v8+s22+$0x0], $0xffff  }
0x23b: {  	v15 =	vand.u32 $0xFFFFFFFA, v15;
	v21 =	vbroadcast v18, $0x0;
	v13 =	vmov s8;
	s9 =	simm.s32 $0x9;
	v9 =	vld.idx.msk [tilespmem:v9+s22+$0x0], $0xffff  }
0x23c: {  	v15 =	vbroadcast v15, $0x0;
	v12 =	vand.u32 $0xFFFFFFF8, v13;
	v13 =	vmov s9;
	v10 =	vld.idx.msk [tilespmem:v10+s22+$0x0], $0xffff  }
0x23d: {  	v11 =	vld.idx.msk [tilespmem:v11+s22+$0x0], $0xffff;
	v12 =	vbroadcast v12, $0x0;
	v13 =	vand.u32 $0xFFFFFFF9, v13  }
0x23e: {  	s19 =	simm.s32 $0xD;
	v26 =	vld.idx.msk [tilespmem:v16+s22+$0x0], $0xffff;
	v13 =	vbroadcast v13, $0x0  }
0x23f: {  	v19 =	vmov s19;
	v16 =	vld.idx.msk [tilespmem:v17+s22+$0x0], $0xffff;
	v18 =	vshll.u32 v7, $0x6  }
0x240: {  	v5 =	vshll.u32 v5, $0x6;
	v17 =	vshll.u32 v8, $0x6;
	v20 =	vld.idx.msk [tilespmem:v6+s22+$0x0], $0xffff;
	v27 =	vor.u32 v0, v18  }
0x241: {  	v21 =	vld.idx.msk [tilespmem:v21+s22+$0x0], $0xffff;
	v6 =	vand.u32 $0xFFFFFFFD, v19;
	v19 =	vshll.u32 v14, $0x6;
	v55 =	vor.u32 v0, v17  }
0x242: {  	v23 =	vbroadcast v6, $0x0;
	v6 =	vshll.u32 v4, $0x6;
	v4 =	vld.idx.msk [tilespmem:v15+s22+$0x0], $0xffff;
	v15 =	vor.u32 v0, v5  }
0x243: {  	v7 =	vshll.u32 v11, $0x6;
	v22 =	vld.idx.msk [tilespmem:v12+s22+$0x0], $0xffff;
	v14 =	vor.u32 v0, v19  }
0x244: {  	v11 =	vor.u32 v0, v7;
	v24 =	vld.idx.msk [tilespmem:v13+s22+$0x0], $0xffff  }
0x245: {  	v8 =	vshll.u32 v20, $0x6;
	v20 =	vld.idx.msk [tilespmem:v27+s3+$0x0], $0xffff  }
0x246: {  	v12 =	vshll.u32 v9, $0x6;
	v25 =	vor.u32 v0, v6;
	v28 =	vld.idx.msk [tilespmem:v55+s3+$0x0], $0xffff  }
0x247: {  	v9 =	vor.u32 v0, v12;
	v13 =	vshll.u32 v10, $0x6;
	v56 =	vld.idx.msk [tilespmem:v15+s3+$0x0], $0xffff  }
0x248: {  	v10 =	vor.u32 v0, v13;
	v57 =	vld.idx.msk [tilespmem:v14+s3+$0x0], $0xffff  }
0x249: {  	v58 =	vshll.u32 v16, $0x6;
	v27 =	vor.u32 v0, v8;
	v15 =	vshll.u32 v4, $0x6;
	v4 =	vld.idx.msk [tilespmem:v11+s3+$0x0], $0xffff  }
0x24a: {  	v14 =	vshll.u32 v22, $0x6;
	v22 =	vor.u32 v0, v58;
	v23 =	vld.idx.msk [tilespmem:v23+s22+$0x0], $0xffff  }
0x24b: {  	v38 =	vor.u32 v1, v18;
	v25 =	vld.idx.msk [tilespmem:v25+s3+$0x0], $0xffff  }
0x24c: {  	v39 =	vor.u32 v1, v17;
	v59 =	vld.idx.msk [tilespmem:v9+s3+$0x0], $0xffff  }
0x24d: {  	v33 =	vor.u32 v0, v14;
	v16 =	vshll.u32 v24, $0x6;
	v24 =	vld.idx.msk [tilespmem:v10+s3+$0x0], $0xffff  }
0x24e: {  	s19 =	simm.s32 $0xB800;
	v11 =	vshll.u32 v26, $0x6;
	v35 =	vor.u32 v0, v15;
	v26 =	vld.idx.msk [tilespmem:v27+s3+$0x0], $0xffff  }
0x24f: {  	v37 =	vor.u32 v1, v19;
	[tilespmem:s19+$0xFFFFFE80] =	vst v20;
	v22 =	vld.idx.msk [tilespmem:v22+s3+$0x0], $0xffff  }
0x250: {  	v9 =	vshll.u32 v21, $0x6;
	v34 =	vor.u32 v0, v16;
	[tilespmem:s19+$0xFFFFFEC0] =	vst v28;
	v63 =	vld.idx.msk [tilespmem:v38+s3+$0x0], $0xffff  }
0x251: {  	v21 =	vor.u32 v0, v9;
	v45 =	vld.idx.msk [tilespmem:v39+s3+$0x0], $0xffff  }
0x252: {  	v40 =	vor.u32 v1, v12;
	v10 =	vshll.u32 v23, $0x6;
	v23 =	vld.idx.msk [tilespmem:v33+s3+$0x0], $0xffff  }
0x253: {  	v20 =	vor.u32 v1, v7;
	[tilespmem:s19+$0xFFFFFE40] =	vst v57;
	v35 =	vld.idx.msk [tilespmem:v35+s3+$0x0], $0xffff  }
0x254: {  	v27 =	vor.u32 v0, v11;
	v62 =	vld.idx.msk [tilespmem:v37+s3+$0x0], $0xffff  }
0x255: {  	v36 =	vor.u32 v1, v58;
	[tilespmem:s19+$0xFFFFFF80] =	vst v4;
	v34 =	vld.idx.msk [tilespmem:v34+s3+$0x0], $0xffff  }
0x256: {  	v46 =	vor.u32 v1, v8;
	[tilespmem:s19+$0xFFFFFF00] =	vst v59;
	v21 =	vld.idx.msk [tilespmem:v21+s3+$0x0], $0xffff  }
0x257: {  	[tilespmem:s19+$0xFFFFFE00] =	vst v25;
	v25 =	vor.u32 v2, v17;
	v47 =	vld.idx.msk [tilespmem:v40+s3+$0x0], $0xffff  }
0x258: {  	v60 =	vor.u32 v0, v10;
	[tilespmem:s19+$0xFFFFFF40] =	vst v24;
	v20 =	vld.idx.msk [tilespmem:v20+s3+$0x0], $0xffff  }
0x259: {  	s7 =	simm.s32 $0xC0;
	v24 =	vor.u32 v1, v14;
	v27 =	vld.idx.msk [tilespmem:v27+s3+$0x0], $0xffff;
	[tilespmem:s19+$0x180] =	vst v22  }
0x25a: {  	s1 =	sor.u32 $0x50, s7;
	v48 =	vor.u32 v1, v15;
	[tilespmem:s19+$0xFFFFFFC0] =	vst v26;
	v61 =	vld.idx.msk [tilespmem:v36+s3+$0x0], $0xffff  }
0x25b: {  	v51 =	vor.u32 v1, v6;
	[tilespmem:s1+$0xB600] =	vst v45;
	v49 =	vld.idx.msk [tilespmem:v46+s3+$0x0], $0xffff  }
0x25c: {  	v4 =	vor.u32 v1, v16;
	v25 =	vld.idx.msk [tilespmem:v25+s3+$0x0], $0xffff  }
0x25d: {  	v53 =	vor.u32 v2, v12;
	[tilespmem:s19+$0x0] =	vst v23;
	v33 =	vld.idx.msk [tilespmem:v60+s3+$0x0], $0xffff  }
0x25e: {  	v22 =	vor.u32 v1, v13;
	[tilespmem:s19+$0x80] =	vst v35;
	v24 =	vld.idx.msk [tilespmem:v24+s3+$0x0], $0xffff  }
0x25f: {  	v55 =	vor.u32 v2, v7;
	[tilespmem:s19+$0x1C0] =	vst v56;
	v35 =	vld.idx.msk [tilespmem:v48+s3+$0x0], $0xffff  }
0x260: {  	v26 =	vor.u32 v1, v11;
	[tilespmem:s19+$0x40] =	vst v34;
	v34 =	vld.idx.msk [tilespmem:v51+s3+$0x0], $0xffff  }
0x261: {  	v23 =	vor.u32 v1, v9;
	[tilespmem:s19+$0xFFFFFF10] =	vst v47;
	v50 =	vld.idx.msk [tilespmem:v4+s3+$0x0], $0xffff  }
0x262: {  	v44 =	vor.u32 v2, v58;
	[tilespmem:s19+$0x100] =	vst v21;
	v29 =	vld.idx.msk [tilespmem:v53+s3+$0x0], $0xffff  }
0x263: {  	v21 =	vor.u32 v1, v5;
	[tilespmem:s19+$0xFFFFFF90] =	vst v20;
	v22 =	vld.idx.msk [tilespmem:v22+s3+$0x0], $0xffff  }
0x264: {  	v56 =	vor.u32 v2, v8;
	[tilespmem:s19+$0xC0] =	vst v27;
	v37 =	vld.idx.msk [tilespmem:v55+s3+$0x0], $0xffff  }
0x265: {  	s28 =	simm.s32 $0x1C0;
	[tilespmem:s19+$0xFFFFFE90] =	vst v63;
	v4 =	vor.u32 v1, v10;
	v26 =	vld.idx.msk [tilespmem:v26+s3+$0x0], $0xffff  }
0x266: {  	s8 =	sor.u32 $0x50, s28;
	v60 =	vor.u32 v2, v6;
	[tilespmem:s19+$0x190] =	vst v61;
	v23 =	vld.idx.msk [tilespmem:v23+s3+$0x0], $0xffff  }
0x267: {  	v20 =	vor.u32 v2, v15;
	[tilespmem:s8+$0xB600] =	vst v49;
	v28 =	vld.idx.msk [tilespmem:v44+s3+$0x0], $0xffff  }
0x268: {  	v27 =	vor.u32 v2, v19;
	[tilespmem:s19+$0x140] =	vst v33;
	v21 =	vld.idx.msk [tilespmem:v21+s3+$0x0], $0xffff  }
0x269: {  	v54 =	vor.u32 v2, v13;
	v38 =	vld.idx.msk [tilespmem:v56+s3+$0x0], $0xffff;
	[tilespmem:s19+$0x10] =	vst v24  }
0x26a: {  	s10 =	simm.s32 $0x40;
	v52 =	vor.u32 v2, v18;
	[tilespmem:s19+$0xFFFFFE10] =	vst v34;
	v33 =	vld.idx.msk [tilespmem:v4+s3+$0x0], $0xffff  }
0x26b: {  	s30 =	sor.u32 $0x50, s10;
	s1 =	simm.s32 $0x140;
	v24 =	vor.u32 v2, v9;
	[tilespmem:s19+$0x90] =	vst v35;
	v61 =	vld.idx.msk [tilespmem:v60+s3+$0x0], $0xffff  }
0x26c: {  	s25 =	simm.s32 $0x1F;
	v31 =	vor.u32 v3, v58;
	[tilespmem:s30+$0xB600] =	vst v62;
	s5 =	sor.u32 $0x50, s1;
	v20 =	vld.idx.msk [tilespmem:v20+s3+$0x0], $0xffff  }
0x26d: {  	v4 =	vmov s25;
	v27 =	vld.idx.msk [tilespmem:v27+s3+$0x0], $0xffff;
	[tilespmem:s5+$0xB600] =	vst v22  }
0x26e: {  	v58 =	vor.u32 v2, v11;
	s25 =	simm.s32 $0x240;
	v36 =	vld.idx.msk [tilespmem:v54+s3+$0x0], $0xffff;
	[tilespmem:s19+$0x110] =	vst v23  }
0x26f: {  	v59 =	vor.u32 v2, v10;
	s9 =	sor.u32 $0x50, s25;
	[tilespmem:s19+$0x1A0] =	vst v28;
	v28 =	vld.idx.msk [tilespmem:v52+s3+$0x0], $0xffff  }
0x270: {  	v7 =	vor.u32 v3, v7;
	[tilespmem:s9+$0xB600] =	vst v50;
	s9 =	simm.s32 $0x2C0;
	v23 =	vld.idx.msk [tilespmem:v24+s3+$0x0], $0xffff  }
0x271: {  	s8 =	simm.s32 $0x340;
	v22 =	vor.u32 v2, v16;
	s11 =	sor.u32 $0x50, s9;
	v31 =	vld.idx.msk [tilespmem:v31+s3+$0x0], $0xffff  }
0x272: {  	v12 =	vor.u32 v3, v12;
	s12 =	sor.u32 $0x50, s8;
	[tilespmem:s11+$0xB600] =	vst v26;
	v4 =	vld.idx.msk [tilespmem:v4+s22+$0x0], $0xffff  }
0x273: {  	v19 =	vor.u32 v3, v19;
	v30 =	vld.idx.msk [tilespmem:v58+s3+$0x0], $0xffff;
	[tilespmem:s12+$0xB600] =	vst v33  }
0x274: {  	[tilespmem:s19+$0xFFFFFFA0] =	vst v37;
	v26 =	vor.u32 v2, v5;
	s12 =	sor.u32 $0x60, s7;
	v24 =	vld.idx.msk [tilespmem:v59+s3+$0x0], $0xffff  }
0x275: {  	v57 =	vor.u32 v2, v14;
	[tilespmem:s12+$0xB600] =	vst v25;
	v25 =	vor.u32 v3, v8;
	v8 =	vld.idx.msk [tilespmem:v7+s3+$0x0], $0xffff  }
0x276: {  	s0 =	simm.s32 $0x3C0;
	v13 =	vor.u32 v3, v13;
	s30 =	sor.u32 $0x60, s10;
	[tilespmem:s19+$0xFFFFFF20] =	vst v29;
	v22 =	vld.idx.msk [tilespmem:v22+s3+$0x0], $0xffff  }
0x277: {  	s13 =	sor.u32 $0x50, s0;
	v17 =	vor.u32 v3, v17;
	[tilespmem:s30+$0xB600] =	vst v27;
	v27 =	vld.idx.msk [tilespmem:v12+s3+$0x0], $0xffff  }
0x278: {  	v18 =	vor.u32 v3, v18;
	[tilespmem:s13+$0xB600] =	vst v21;
	s13 =	sor.u32 $0x60, s1;
	v19 =	vld.idx.msk [tilespmem:v19+s3+$0x0], $0xffff  }
0x279: {  	[tilespmem:s13+$0xB600] =	vst v36;
	v21 =	vld.idx.msk [tilespmem:v26+s3+$0x0], $0xffff  }
0x27a: {  	v11 =	vor.u32 v3, v11;
	s5 =	simm.s32 $0x10;
	[tilespmem:s19+$0x1B0] =	vst v31;
	v31 =	vld.idx.msk [tilespmem:v57+s3+$0x0], $0xffff  }
0x27b: {  	v14 =	vor.u32 v3, v14;
	v62 =	vld.idx.msk [tilespmem:v13+s3+$0x0], $0xffff;
	v13 =	vor.u32 v3, v15;
	v15 =	vmov s5  }
0x27c: {  	v12 =	vor.u32 v3, v16;
	s30 =	sor.u32 $0x60, s28;
	s13 =	simm.s32 $0x12;
	[tilespmem:s19+$0xFFFFFEA0] =	vst v28;
	v26 =	vld.idx.msk [tilespmem:v17+s3+$0x0], $0xffff;
	v15 =	vand.u32 $0xFFFFFFF0, v15  }
0x27d: {  	[tilespmem:s30+$0xB600] =	vst v38;
	v17 =	vmov s13;
	s13 =	sor.u32 $0x60, s9;
	v18 =	vld.idx.msk [tilespmem:v18+s3+$0x0], $0xffff;
	v15 =	vbroadcast v15, $0x0  }
0x27e: {  	[tilespmem:s13+$0xB600] =	vst v30;
	v7 =	vld.idx.msk [tilespmem:v25+s3+$0x0], $0xffff  }
0x27f: {  	s12 =	sor.u32 $0x60, s25;
	v16 =	vor.u32 v3, v9;
	s30 =	simm.s32 $0x11;
	v11 =	vld.idx.msk [tilespmem:v11+s3+$0x0], $0xffff;
	[tilespmem:s19+$0x20] =	vst v31  }
0x280: {  	v25 =	vor.u32 v3, v5;
	[tilespmem:s12+$0xB600] =	vst v22;
	v9 =	vld.idx.msk [tilespmem:v14+s3+$0x0], $0xffff;
	v14 =	vor.u32 v3, v10;
	v10 =	vmov s30  }
0x281: {  	[tilespmem:s19+$0xA0] =	vst v20;
	v5 =	vand.u32 $0xFFFFFFF2, v17;
	v22 =	vor.u32 v3, v6;
	v6 =	vld.idx.msk [tilespmem:v12+s3+$0x0], $0xffff;
	s30 =	simm.s32 $0x13;
	v12 =	vand.u32 $0xFFFFFFF1, v10  }
0x282: {  	[tilespmem:s19+$0x120] =	vst v23;
	s12 =	simm.s32 $0x14;
	v23 =	vbroadcast v5, $0x0;
	v10 =	vld.idx.msk [tilespmem:v13+s3+$0x0], $0xffff;
	v63 =	vbroadcast v12, $0x0;
	v12 =	vmov s30  }
0x283: {  	[tilespmem:s19+$0xFFFFFE20] =	vst v61;
	s13 =	sor.u32 $0x60, s8;
	v13 =	vmov s12;
	v15 =	vld.idx.msk [tilespmem:v15+s22+$0x0], $0xffff;
	s30 =	simm.s32 $0x15;
	v5 =	vand.u32 $0xFFFFFFF3, v12  }
0x284: {  	[tilespmem:s13+$0xB600] =	vst v24;
	s13 =	simm.s32 $0x16;
	v12 =	vld.idx.msk [tilespmem:v16+s3+$0x0], $0xffff;
	v16 =	vmov s30;
	v24 =	vbroadcast v5, $0x0;
	v5 =	vand.u32 $0xFFFFFFF4, v13  }
0x285: {  	v17 =	vmov s13;
	s13 =	simm.s32 $0x17;
	[tilespmem:s19+$0xFFFFFF30] =	vst v27;
	s30 =	sor.u32 $0x60, s0;
	v16 =	vand.u32 $0xFFFFFFF5, v16;
	v13 =	vld.idx.msk [tilespmem:v14+s3+$0x0], $0xffff;
	v5 =	vbroadcast v5, $0x0  }
0x286: {  	s10 =	sor.u32 $0x70, s10;
	v17 =	vand.u32 $0xFFFFFFF6, v17;
	[tilespmem:s30+$0xB600] =	vst v21;
	s30 =	simm.s32 $0x18;
	v14 =	vld.idx.msk [tilespmem:v22+s3+$0x0], $0xffff;
	v20 =	vbroadcast v16, $0x0;
	v22 =	vmov s13  }
0x287: {  	s11 =	simm.s32 $0x19;
	[tilespmem:s10+$0xB600] =	vst v19;
	v21 =	vbroadcast v17, $0x0;
	v16 =	vld.idx.msk [tilespmem:v25+s3+$0x0], $0xffff;
	v25 =	vmov s30;
	v19 =	vand.u32 $0xFFFFFFF7, v22  }
0x288: {  	s7 =	sor.u32 $0x70, s7;
	[tilespmem:s19+$0xFFFFFEB0] =	vst v18;
	s12 =	simm.s32 $0x1A;
	v18 =	vld.idx.msk [tilespmem:v23+s22+$0x0], $0xffff;
	v22 =	vbroadcast v19, $0x0;
	v19 =	vand.u32 $0xFFFFFFF8, v25;
	v25 =	vmov s11  }
0x289: {  	[tilespmem:s7+$0xB600] =	vst v26;
	v26 =	vmov s12;
	s13 =	simm.s32 $0x1B;
	s30 =	sor.u32 $0x70, s1;
	v17 =	vld.idx.msk [tilespmem:v63+s22+$0x0], $0xffff;
	v23 =	vbroadcast v19, $0x0;
	v25 =	vand.u32 $0xFFFFFFF9, v25  }
0x28a: {  	s7 =	simm.s32 $0x20;
	s1 =	simm.s32 $0x1E;
	[tilespmem:s30+$0xB600] =	vst v62;
	v19 =	vld.idx.msk [tilespmem:v24+s22+$0x0], $0xffff;
	v24 =	vbroadcast v25, $0x0;
	v25 =	vand.u32 $0xFFFFFFFA, v26;
	v26 =	vmov s13  }
.LBB2_7:
0x28b: {  	p2 =	slt.u32 s7, $0xF0;
	v27 =	vld.idx.msk [tilespmem:v5+s22+$0x0], $0xffff;
	v25 =	vbroadcast v25, $0x0;
	v5 =	vand.u32 $0xFFFFFFFB, v26;
	s10 =	sadd.s32 $0xC, s5;
	v26 =	vmov s1;
	[tilespmem:s19+$0xFFFFFFB0] =	vst v8;
	s1 =	sor.u32 $0x70, s28  }
0x28c: {  	v8 =	vld.idx.msk [tilespmem:v20+s22+$0x0], $0xffff;
	v20 =	vbroadcast v5, $0x0;
	v5 =	vmov s10;
	s10 =	sadd.s32 $0xD, s5;
	v26 =	vand.u32 $0xFFFFFFFE, v26;
	[tilespmem:s1+$0xB600] =	vst v7;
	s5 =	smov.u32 s7  }
0x28d: {  	s1 =	sor.u32 $0x70, s25;
	v7 =	vld.idx.msk [tilespmem:v21+s22+$0x0], $0xffff;
	v5 =	vand.u32 $0xFFFFFFFC, v5;
	v21 =	vmov s10;
	v26 =	vbroadcast v26, $0x0;
	[tilespmem:s19+$0x30] =	vst v9  }
0x28e: {  	v9 =	vld.idx.msk [tilespmem:v22+s22+$0x0], $0xffff;
	v22 =	vbroadcast v5, $0x0;
	v5 =	vand.u32 $0xFFFFFFFD, v21;
	[tilespmem:s1+$0xB600] =	vst v6  }
0x28f: {  	s1 =	sor.u32 $0x70, s9;
	v21 =	vld.idx.msk [tilespmem:v23+s22+$0x0], $0xffff;
	v23 =	vbroadcast v5, $0x0;
	[tilespmem:s19+$0xB0] =	vst v10  }
0x290: {  	v5 =	vshll.u32 v4, $0x6;
	v10 =	vld.idx.msk [tilespmem:v24+s22+$0x0], $0xffff;
	[tilespmem:s1+$0xB600] =	vst v11  }
0x291: {  	v6 =	vshll.u32 v15, $0x6;
	v24 =	vor.u32 v0, v5;
	s1 =	sor.u32 $0x70, s8;
	v4 =	vld.idx.msk [tilespmem:v25+s22+$0x0], $0xffff;
	[tilespmem:s19+$0x130] =	vst v12  }
0x292: {  	v11 =	vshll.u32 v17, $0x6;
	v25 =	vor.u32 v0, v6;
	v20 =	vld.idx.msk [tilespmem:v20+s22+$0x0], $0xffff;
	[tilespmem:s1+$0xB600] =	vst v13  }
0x293: {  	v17 =	vor.u32 v0, v11;
	v12 =	vshll.u32 v18, $0x6;
	s1 =	sor.u32 $0x70, s0;
	v18 =	vld.idx.msk [tilespmem:v26+s22+$0x0], $0xffff;
	[tilespmem:s19+$0xFFFFFE30] =	vst v14  }
0x294: {  	v15 =	vshll.u32 v19, $0x6;
	v26 =	vor.u32 v0, v12;
	v22 =	vld.idx.msk [tilespmem:v22+s22+$0x0], $0xffff;
	[tilespmem:s1+$0xB600] =	vst v16  }
0x295: {  	v13 =	vshll.u32 v27, $0x6;
	v16 =	vor.u32 v0, v15;
	v23 =	vld.idx.msk [tilespmem:v23+s22+$0x0], $0xffff  }
0x296: {  	v19 =	vor.u32 v0, v13;
	v14 =	vshll.u32 v8, $0x6;
	v24 =	vld.idx.msk [tilespmem:v24+s3+$0x0], $0xffff  }
0x297: {  	v7 =	vshll.u32 v7, $0x6;
	v27 =	vor.u32 v0, v14;
	v25 =	vld.idx.msk [tilespmem:v25+s3+$0x0], $0xffff  }
0x298: {  	v29 =	vor.u32 v0, v7;
	v8 =	vshll.u32 v9, $0x6;
	v28 =	vld.idx.msk [tilespmem:v17+s3+$0x0], $0xffff  }
0x299: {  	v9 =	vor.u32 v0, v8;
	v30 =	vshll.u32 v18, $0x6;
	v26 =	vld.idx.msk [tilespmem:v26+s3+$0x0], $0xffff  }
0x29a: {  	v31 =	vld.idx.msk [tilespmem:v16+s3+$0x0], $0xffff;
	v16 =	vshll.u32 v21, $0x6;
	v21 =	vor.u32 v0, v30  }
0x29b: {  	v32 =	vld.idx.msk [tilespmem:v19+s3+$0x0], $0xffff;
	v33 =	vor.u32 v0, v16;
	v19 =	vshll.u32 v10, $0x6  }
0x29c: {  	v17 =	vshll.u32 v4, $0x6;
	v27 =	vld.idx.msk [tilespmem:v27+s3+$0x0], $0xffff;
	v34 =	vor.u32 v0, v19  }
0x29d: {  	v18 =	vshll.u32 v20, $0x6;
	v4 =	vld.idx.msk [tilespmem:v29+s3+$0x0], $0xffff;
	v29 =	vor.u32 v0, v17  }
0x29e: {  	v35 =	vor.u32 v0, v18;
	v20 =	vld.idx.msk [tilespmem:v9+s3+$0x0], $0xffff;
	v9 =	vshll.u32 v22, $0x6  }
0x29f: {  	v10 =	vshll.u32 v23, $0x6;
	v22 =	vor.u32 v0, v9;
	v21 =	vld.idx.msk [tilespmem:v21+s3+$0x0], $0xffff  }
0x2a0: {  	v23 =	vld.idx.msk [tilespmem:v33+s3+$0x0], $0xffff;
	v33 =	vor.u32 v0, v10  }
0x2a1: {  	v36 =	vor.u32 v1, v30;
	v34 =	vld.idx.msk [tilespmem:v34+s3+$0x0], $0xffff  }
0x2a2: {  	v37 =	vor.u32 v1, v11;
	v29 =	vld.idx.msk [tilespmem:v29+s3+$0x0], $0xffff  }
0x2a3: {  	v38 =	vor.u32 v1, v12;
	v35 =	vld.idx.msk [tilespmem:v35+s3+$0x0], $0xffff  }
0x2a4: {  	v39 =	vor.u32 v1, v15;
	s19 =	sadd.s32 $0x400, s19;
	v22 =	vld.idx.msk [tilespmem:v22+s3+$0x0], $0xffff  }
0x2a5: {  	v40 =	vor.u32 v1, v13;
	v33 =	vld.idx.msk [tilespmem:v33+s3+$0x0], $0xffff;
	[tilespmem:s19+$0x180] =	vst v21  }
0x2a6: {  	v21 =	vor.u32 v1, v14;
	[tilespmem:s19+$0xFFFFFE40] =	vst v28;
	v28 =	vld.idx.msk [tilespmem:v36+s3+$0x0], $0xffff  }
0x2a7: {  	v36 =	vld.idx.msk [tilespmem:v37+s3+$0x0], $0xffff;
	[tilespmem:s19+$0xFFFFFE80] =	vst v26;
	v26 =	vor.u32 v1, v7  }
0x2a8: {  	v37 =	vld.idx.msk [tilespmem:v38+s3+$0x0], $0xffff;
	[tilespmem:s19+$0xFFFFFEC0] =	vst v31;
	v31 =	vor.u32 v2, v30  }
0x2a9: {  	v38 =	vld.idx.msk [tilespmem:v39+s3+$0x0], $0xffff;
	[tilespmem:s19+$0xFFFFFF00] =	vst v32;
	v32 =	vor.u32 v1, v8  }
0x2aa: {  	v39 =	vld.idx.msk [tilespmem:v40+s3+$0x0], $0xffff;
	[tilespmem:s19+$0xFFFFFF40] =	vst v27;
	v27 =	vor.u32 v1, v16  }
0x2ab: {  	v21 =	vld.idx.msk [tilespmem:v21+s3+$0x0], $0xffff;
	[tilespmem:s19+$0xFFFFFF80] =	vst v4;
	v4 =	vor.u32 v1, v19  }
0x2ac: {  	v40 =	vor.u32 v1, v17;
	v26 =	vld.idx.msk [tilespmem:v26+s3+$0x0], $0xffff;
	[tilespmem:s19+$0x190] =	vst v28  }
0x2ad: {  	[tilespmem:s19+$0xFFFFFFC0] =	vst v20;
	v20 =	vor.u32 v1, v18;
	v28 =	vld.idx.msk [tilespmem:v31+s3+$0x0], $0xffff  }
0x2ae: {  	v31 =	vld.idx.msk [tilespmem:v32+s3+$0x0], $0xffff;
	[tilespmem:s19+$0x0] =	vst v23;
	v23 =	vor.u32 v1, v9  }
0x2af: {  	v30 =	vor.u32 v3, v30;
	v27 =	vld.idx.msk [tilespmem:v27+s3+$0x0], $0xffff;
	[tilespmem:s19+$0x40] =	vst v34  }
0x2b0: {  	v32 =	vld.idx.msk [tilespmem:v4+s3+$0x0], $0xffff;
	[tilespmem:s19+$0x80] =	vst v29;
	v4 =	vor.u32 v1, v10  }
0x2b1: {  	v29 =	vor.u32 v1, v6;
	v34 =	vld.idx.msk [tilespmem:v40+s3+$0x0], $0xffff;
	[tilespmem:s19+$0xC0] =	vst v35  }
0x2b2: {  	v20 =	vld.idx.msk [tilespmem:v20+s3+$0x0], $0xffff;
	[tilespmem:s19+$0x100] =	vst v22;
	v22 =	vor.u32 v1, v5  }
0x2b3: {  	v35 =	vor.u32 v2, v11;
	v23 =	vld.idx.msk [tilespmem:v23+s3+$0x0], $0xffff;
	[tilespmem:s19+$0x1A0] =	vst v28  }
0x2b4: {  	s0 =	sadd.s32 $0x400, s0;
	v28 =	vor.u32 v2, v12;
	[tilespmem:s19+$0x140] =	vst v33;
	v30 =	vld.idx.msk [tilespmem:v30+s3+$0x0], $0xffff  }
0x2b5: {  	s10 =	sadd.s32 $0xFFFFFC80, s0;
	s1 =	sadd.s32 $0xF, s7;
	[tilespmem:s19+$0xFFFFFE00] =	vst v25;
	v25 =	vor.u32 v2, v15;
	v33 =	vld.idx.msk [tilespmem:v4+s3+$0x0], $0xffff  }
0x2b6: {  	v4 =	vmov s1;
	s1 =	sor.u32 $0x50, s10;
	v29 =	vld.idx.msk [tilespmem:v29+s3+$0x0], $0xffff;
	[tilespmem:s19+$0x1C0] =	vst v24  }
0x2b7: {  	v24 =	vor.u32 v2, v13;
	[tilespmem:s1+$0xB600] =	vst v36;
	s1 =	sadd.s32 $0xFFFFFD00, s0;
	v22 =	vld.idx.msk [tilespmem:v22+s3+$0x0], $0xffff  }
0x2b8: {  	v36 =	vor.u32 v2, v14;
	v35 =	vld.idx.msk [tilespmem:v35+s3+$0x0], $0xffff;
	[tilespmem:s19+$0xFFFFFE90] =	vst v37;
	s8 =	sor.u32 $0x50, s1  }
0x2b9: {  	v37 =	vor.u32 v2, v7;
	v28 =	vld.idx.msk [tilespmem:v28+s3+$0x0], $0xffff;
	[tilespmem:s8+$0xB600] =	vst v38  }
0x2ba: {  	s30 =	sadd.s32 $0xFFFFFD80, s0;
	v38 =	vor.u32 v2, v8;
	v25 =	vld.idx.msk [tilespmem:v25+s3+$0x0], $0xffff;
	[tilespmem:s19+$0x1B0] =	vst v30  }
0x2bb: {  	s8 =	sor.u32 $0x50, s30;
	v30 =	vor.u32 v2, v16;
	v4 =	vld.idx.msk [tilespmem:v4+s22+$0x0], $0xffff;
	[tilespmem:s19+$0xFFFFFF10] =	vst v39  }
0x2bc: {  	s28 =	sadd.s32 $0xFFFFFE00, s0;
	v24 =	vld.idx.msk [tilespmem:v24+s3+$0x0], $0xffff;
	[tilespmem:s8+$0xB600] =	vst v21;
	v21 =	vor.u32 v2, v19  }
0x2bd: {  	s8 =	sor.u32 $0x50, s28;
	v36 =	vld.idx.msk [tilespmem:v36+s3+$0x0], $0xffff;
	[tilespmem:s19+$0xFFFFFF90] =	vst v26;
	v26 =	vor.u32 v2, v17  }
0x2be: {  	s25 =	sadd.s32 $0xFFFFFE80, s0;
	v37 =	vld.idx.msk [tilespmem:v37+s3+$0x0], $0xffff;
	[tilespmem:s8+$0xB600] =	vst v31;
	v31 =	vor.u32 v2, v18  }
0x2bf: {  	s8 =	sor.u32 $0x50, s25;
	v38 =	vld.idx.msk [tilespmem:v38+s3+$0x0], $0xffff;
	[tilespmem:s19+$0x10] =	vst v27;
	v27 =	vor.u32 v2, v9  }
0x2c0: {  	s9 =	sadd.s32 $0xFFFFFF00, s0;
	v30 =	vld.idx.msk [tilespmem:v30+s3+$0x0], $0xffff;
	[tilespmem:s8+$0xB600] =	vst v32;
	v32 =	vor.u32 v2, v10  }
0x2c1: {  	v39 =	vor.u32 v2, v6;
	s8 =	sor.u32 $0x50, s9;
	v21 =	vld.idx.msk [tilespmem:v21+s3+$0x0], $0xffff;
	[tilespmem:s19+$0x90] =	vst v34  }
0x2c2: {  	v26 =	vld.idx.msk [tilespmem:v26+s3+$0x0], $0xffff;
	[tilespmem:s8+$0xB600] =	vst v20;
	s8 =	sadd.s32 $0xFFFFFF80, s0;
	v20 =	vor.u32 v2, v5  }
0x2c3: {  	v11 =	vor.u32 v3, v11;
	v31 =	vld.idx.msk [tilespmem:v31+s3+$0x0], $0xffff;
	[tilespmem:s19+$0x110] =	vst v23;
	s11 =	sor.u32 $0x50, s8  }
0x2c4: {  	v12 =	vor.u32 v3, v12;
	v23 =	vld.idx.msk [tilespmem:v27+s3+$0x0], $0xffff;
	[tilespmem:s11+$0xB600] =	vst v33  }
0x2c5: {  	v15 =	vor.u32 v3, v15;
	s11 =	sor.u32 $0x50, s0;
	[tilespmem:s19+$0xFFFFFE10] =	vst v29;
	v27 =	vld.idx.msk [tilespmem:v32+s3+$0x0], $0xffff  }
0x2c6: {  	s12 =	sor.u32 $0x60, s10;
	v13 =	vor.u32 v3, v13;
	v29 =	vld.idx.msk [tilespmem:v39+s3+$0x0], $0xffff;
	[tilespmem:s11+$0xB600] =	vst v22  }
0x2c7: {  	v14 =	vor.u32 v3, v14;
	[tilespmem:s12+$0xB600] =	vst v35;
	v20 =	vld.idx.msk [tilespmem:v20+s3+$0x0], $0xffff  }
0x2c8: {  	v7 =	vor.u32 v3, v7;
	s11 =	sor.u32 $0x60, s1;
	v22 =	vld.idx.msk [tilespmem:v11+s3+$0x0], $0xffff;
	[tilespmem:s19+$0xFFFFFEA0] =	vst v28  }
0x2c9: {  	v11 =	vor.u32 v3, v8;
	v28 =	vld.idx.msk [tilespmem:v12+s3+$0x0], $0xffff;
	[tilespmem:s11+$0xB600] =	vst v25  }
0x2ca: {  	s11 =	sor.u32 $0x60, s30;
	v12 =	vor.u32 v3, v16;
	v25 =	vld.idx.msk [tilespmem:v15+s3+$0x0], $0xffff;
	[tilespmem:s19+$0xFFFFFF20] =	vst v24  }
0x2cb: {  	v24 =	vld.idx.msk [tilespmem:v13+s3+$0x0], $0xffff;
	[tilespmem:s11+$0xB600] =	vst v36;
	v13 =	vor.u32 v3, v19  }
0x2cc: {  	s11 =	sor.u32 $0x60, s28;
	v32 =	vld.idx.msk [tilespmem:v14+s3+$0x0], $0xffff;
	[tilespmem:s19+$0xFFFFFFA0] =	vst v37;
	v14 =	vor.u32 v3, v17  }
0x2cd: {  	v15 =	vor.u32 v3, v18;
	v8 =	vld.idx.msk [tilespmem:v7+s3+$0x0], $0xffff;
	[tilespmem:s11+$0xB600] =	vst v38  }
0x2ce: {  	v16 =	vmov s7;
	v17 =	vor.u32 v3, v9;
	s11 =	sor.u32 $0x60, s25;
	v7 =	vld.idx.msk [tilespmem:v11+s3+$0x0], $0xffff;
	[tilespmem:s19+$0x20] =	vst v30  }
0x2cf: {  	s13 =	sadd.s32 $0x2, s7;
	s12 =	sadd.s32 $0x1, s7;
	v11 =	vand.u32 $0xFFFFFFF0, v16;
	v16 =	vor.u32 v3, v10;
	v9 =	vld.idx.msk [tilespmem:v12+s3+$0x0], $0xffff;
	[tilespmem:s11+$0xB600] =	vst v21  }
0x2d0: {  	v18 =	vor.u32 v3, v6;
	v10 =	vmov s12;
	v12 =	vmov s13;
	s11 =	sor.u32 $0x60, s9;
	v6 =	vld.idx.msk [tilespmem:v13+s3+$0x0], $0xffff;
	[tilespmem:s19+$0xA0] =	vst v26  }
0x2d1: {  	s12 =	sadd.s32 $0x3, s7;
	v19 =	vbroadcast v11, $0x0;
	v11 =	vand.u32 $0xFFFFFFF1, v10;
	v21 =	vor.u32 v3, v5;
	v10 =	vld.idx.msk [tilespmem:v14+s3+$0x0], $0xffff;
	[tilespmem:s11+$0xB600] =	vst v31  }
0x2d2: {  	v26 =	vbroadcast v11, $0x0;
	v5 =	vand.u32 $0xFFFFFFF2, v12;
	v12 =	vmov s12;
	s12 =	sor.u32 $0x60, s8;
	s11 =	sadd.s32 $0x4, s7;
	v11 =	vld.idx.msk [tilespmem:v15+s3+$0x0], $0xffff;
	[tilespmem:s19+$0x120] =	vst v23  }
0x2d3: {  	v23 =	vbroadcast v5, $0x0;
	v5 =	vand.u32 $0xFFFFFFF3, v12;
	v13 =	vmov s11;
	s11 =	sadd.s32 $0x5, s7;
	v12 =	vld.idx.msk [tilespmem:v17+s3+$0x0], $0xffff;
	[tilespmem:s12+$0xB600] =	vst v27  }
0x2d4: {  	v27 =	vbroadcast v5, $0x0;
	v5 =	vand.u32 $0xFFFFFFF4, v13;
	v14 =	vmov s11;
	s11 =	sadd.s32 $0x6, s7;
	s12 =	sor.u32 $0x60, s0;
	[tilespmem:s19+$0xFFFFFE20] =	vst v29;
	v13 =	vld.idx.msk [tilespmem:v16+s3+$0x0], $0xffff  }
0x2d5: {  	s10 =	sor.u32 $0x70, s10;
	v5 =	vbroadcast v5, $0x0;
	v15 =	vand.u32 $0xFFFFFFF5, v14;
	v16 =	vmov s11;
	s11 =	sadd.s32 $0x7, s7;
	v14 =	vld.idx.msk [tilespmem:v18+s3+$0x0], $0xffff;
	[tilespmem:s12+$0xB600] =	vst v20  }
.Ltmp2:
0x2d6: {  	v20 =	vbroadcast v15, $0x0;
	v17 =	vand.u32 $0xFFFFFFF6, v16;
	v18 =	vmov s11;
	s11 =	sadd.s32 $0x8, s7;
	[tilespmem:s10+$0xB600] =	vst v22;
	v16 =	vld.idx.msk [tilespmem:v21+s3+$0x0], $0xffff;
	(pc) =	sbr.rel @p2 .LBB2_7-.Ltmp2, $4  }
0x2d7: {  	s1 =	sor.u32 $0x70, s1;
	v21 =	vbroadcast v17, $0x0;
	v18 =	vand.u32 $0xFFFFFFF7, v18;
	s10 =	sadd.s32 $0x9, s7;
	v15 =	vld.idx.msk [tilespmem:v19+s22+$0x0], $0xffff;
	v19 =	vmov s11;
	[tilespmem:s19+$0xFFFFFEB0] =	vst v28  }
0x2d8: {  	v22 =	vbroadcast v18, $0x0;
	v17 =	vld.idx.msk [tilespmem:v26+s22+$0x0], $0xffff;
	v19 =	vand.u32 $0xFFFFFFF8, v19;
	v26 =	vmov s10;
	s10 =	sadd.s32 $0xA, s7;
	[tilespmem:s1+$0xB600] =	vst v25  }
0x2d9: {  	s1 =	sadd.s32 $0xB, s7;
	v18 =	vld.idx.msk [tilespmem:v23+s22+$0x0], $0xffff;
	v23 =	vbroadcast v19, $0x0;
	v25 =	vand.u32 $0xFFFFFFF9, v26;
	v26 =	vmov s10;
	[tilespmem:s19+$0xFFFFFF30] =	vst v24;
	s10 =	sor.u32 $0x70, s30  }
0x2da: {  	s7 =	sadd.s32 $0x10, s7;
	v19 =	vld.idx.msk [tilespmem:v27+s22+$0x0], $0xffff;
	v24 =	vbroadcast v25, $0x0;
	v25 =	vand.u32 $0xFFFFFFFA, v26;
	v26 =	vmov s1;
	s1 =	sadd.s32 $0xE, s5;
	[tilespmem:s10+$0xB600] =	vst v32  }
0x2db: {  	_ = 	snop  }
0x2dc: {  	v27 =	vmov s1  }
0x2dd: {  	v27 =	vand.u32 $0xFFFFFFFE, v27  }
0x2de: {  	v27 =	vbroadcast v27, $0x0  }
0x2df: {  	s30 =	sadd.s32 $0xC, s5;
	v28 =	vld.idx.msk [tilespmem:v5+s22+$0x0], $0xffff  }
0x2e0: {  	v25 =	vbroadcast v25, $0x0;
	v5 =	vand.u32 $0xFFFFFFFB, v26;
	v20 =	vld.idx.msk [tilespmem:v20+s22+$0x0], $0xffff;
	v26 =	vmov s30  }
0x2e1: {  	s5 =	sadd.s32 $0xD, s5;
	v21 =	vld.idx.msk [tilespmem:v21+s22+$0x0], $0xffff;
	v29 =	vbroadcast v5, $0x0;
	v5 =	vand.u32 $0xFFFFFFFC, v26  }
0x2e2: {  	v22 =	vld.idx.msk [tilespmem:v22+s22+$0x0], $0xffff;
	s7 =	sor.u32 $0x70, s28;
	v26 =	vmov s5;
	v30 =	vbroadcast v5, $0x0  }
0x2e3: {  	v23 =	vld.idx.msk [tilespmem:v23+s22+$0x0], $0xffff;
	[tilespmem:s7+$0xB600] =	vst v7;
	v5 =	vand.u32 $0xFFFFFFFD, v26;
	v7 =	vshll.u32 v18, $0x6  }
0x2e4: {  	v26 =	vbroadcast v5, $0x0;
	v5 =	vshll.u32 v17, $0x6;
	v36 =	vor.u32 v0, v7;
	v27 =	vld.idx.msk [tilespmem:v27+s22+$0x0], $0xffff  }
0x2e5: {  	[tilespmem:s19+$0xFFFFFFB0] =	vst v8;
	s10 =	sor.u32 $0x70, s25;
	v24 =	vld.idx.msk [tilespmem:v24+s22+$0x0], $0xffff;
	v31 =	vor.u32 v0, v5  }
0x2e6: {  	[tilespmem:s10+$0xB600] =	vst v6;
	v6 =	vshll.u32 v28, $0x6;
	v25 =	vld.idx.msk [tilespmem:v25+s22+$0x0], $0xffff  }
0x2e7: {  	[tilespmem:s19+$0xB0] =	vst v10;
	v10 =	vshll.u32 v20, $0x6;
	v28 =	vor.u32 v0, v6;
	v18 =	vld.idx.msk [tilespmem:v29+s22+$0x0], $0xffff  }
0x2e8: {  	[tilespmem:s19+$0x30] =	vst v9;
	s11 =	sor.u32 $0x70, s9;
	v8 =	vshll.u32 v19, $0x6;
	v9 =	vshll.u32 v21, $0x6;
	v20 =	vor.u32 v0, v10;
	v19 =	vld.idx.msk [tilespmem:v30+s22+$0x0], $0xffff  }
0x2e9: {  	[tilespmem:s11+$0xB600] =	vst v11;
	v11 =	vshll.u32 v22, $0x6;
	v38 =	vor.u32 v0, v9;
	v22 =	vld.idx.msk [tilespmem:v36+s3+$0x0], $0xffff;
	v27 =	vshll.u32 v27, $0x6  }
0x2ea: {  	v21 =	vld.idx.msk [tilespmem:v31+s3+$0x0], $0xffff;
	v17 =	vor.u32 v0, v27  }
0x2eb: {  	[tilespmem:s19+$0x130] =	vst v12;
	v12 =	vshll.u32 v23, $0x6;
	v32 =	vor.u32 v0, v11;
	v26 =	vld.idx.msk [tilespmem:v26+s22+$0x0], $0xffff  }
0x2ec: {  	s12 =	sor.u32 $0x70, s8;
	[tilespmem:s19+$0xFFFFFE30] =	vst v14;
	v40 =	vor.u32 v0, v12;
	v23 =	vld.idx.msk [tilespmem:v28+s3+$0x0], $0xffff  }
0x2ed: {  	s13 =	sor.u32 $0x70, s0;
	[tilespmem:s12+$0xB600] =	vst v13;
	v37 =	vor.u32 v0, v8;
	v13 =	vshll.u32 v24, $0x6;
	v20 =	vld.idx.msk [tilespmem:v20+s3+$0x0], $0xffff  }
0x2ee: {  	[tilespmem:s13+$0xB600] =	vst v16;
	s5 =	sadd.s32 $0x400, s19;
	v24 =	vor.u32 v0, v13;
	v14 =	vshll.u32 v25, $0x6;
	v25 =	vld.idx.msk [tilespmem:v38+s3+$0x0], $0xffff;
	v16 =	vshll.u32 v18, $0x6  }
0x2ef: {  	[tilespmem:s5+$0xFFFFFE40] =	vst v21;
	v21 =	vor.u32 v0, v16;
	v17 =	vld.idx.msk [tilespmem:v17+s3+$0x0], $0xffff  }
0x2f0: {  	v39 =	vor.u32 v1, v27;
	[tilespmem:s5+$0xFFFFFE80] =	vst v22;
	v22 =	vld.idx.msk [tilespmem:v32+s3+$0x0], $0xffff  }
0x2f1: {  	v41 =	vor.u32 v0, v14;
	v18 =	vshll.u32 v26, $0x6;
	v26 =	vld.idx.msk [tilespmem:v40+s3+$0x0], $0xffff;
	[tilespmem:s5+$0xFFFFFF00] =	vst v23  }
0x2f2: {  	v15 =	vshll.u32 v15, $0x6;
	v30 =	vld.idx.msk [tilespmem:v37+s3+$0x0], $0xffff;
	v23 =	vor.u32 v0, v18;
	[tilespmem:s5+$0xFFFFFF40] =	vst v20  }
0x2f3: {  	v4 =	vshll.u32 v4, $0x6;
	v24 =	vld.idx.msk [tilespmem:v24+s3+$0x0], $0xffff;
	v20 =	vor.u32 v0, v15;
	[tilespmem:s5+$0xFFFFFF80] =	vst v25  }
0x2f4: {  	v25 =	vor.u32 v0, v4;
	v21 =	vld.idx.msk [tilespmem:v21+s3+$0x0], $0xffff;
	[tilespmem:s5+$0x180] =	vst v17  }
0x2f5: {  	[tilespmem:s5+$0xFFFFFFC0] =	vst v22;
	v22 =	vor.u32 v1, v7;
	v17 =	vshll.u32 v19, $0x6;
	v19 =	vld.idx.msk [tilespmem:v39+s3+$0x0], $0xffff  }
0x2f6: {  	v44 =	vld.idx.msk [tilespmem:v41+s3+$0x0], $0xffff;
	[tilespmem:s5+$0x0] =	vst v26;
	v26 =	vor.u32 v1, v8  }
0x2f7: {  	v43 =	vor.u32 v2, v27;
	[tilespmem:s5+$0xFFFFFEC0] =	vst v30;
	v23 =	vld.idx.msk [tilespmem:v23+s3+$0x0], $0xffff  }
0x2f8: {  	[tilespmem:s5+$0x40] =	vst v24;
	v24 =	vor.u32 v3, v27;
	v27 =	vor.u32 v1, v6;
	v20 =	vld.idx.msk [tilespmem:v20+s3+$0x0], $0xffff  }
0x2f9: {  	v25 =	vld.idx.msk [tilespmem:v25+s3+$0x0], $0xffff;
	[tilespmem:s5+$0xC0] =	vst v21;
	v21 =	vor.u32 v1, v10  }
0x2fa: {  	v22 =	vld.idx.msk [tilespmem:v22+s3+$0x0], $0xffff;
	[tilespmem:s5+$0x190] =	vst v19;
	v19 =	vor.u32 v1, v5  }
0x2fb: {  	v46 =	vor.u32 v1, v11;
	v26 =	vld.idx.msk [tilespmem:v26+s3+$0x0], $0xffff  }
0x2fc: {  	[tilespmem:s5+$0x80] =	vst v44;
	v42 =	vor.u32 v0, v17;
	v28 =	vld.idx.msk [tilespmem:v43+s3+$0x0], $0xffff  }
0x2fd: {  	[tilespmem:s5+$0xFFFFFE00] =	vst v20;
	v20 =	vld.idx.msk [tilespmem:v27+s3+$0x0], $0xffff  }
0x2fe: {  	[tilespmem:s5+$0x140] =	vst v23;
	v23 =	vor.u32 v1, v12;
	v21 =	vld.idx.msk [tilespmem:v21+s3+$0x0], $0xffff  }
0x2ff: {  	v47 =	vor.u32 v1, v16;
	[tilespmem:s5+$0x1C0] =	vst v25;
	v19 =	vld.idx.msk [tilespmem:v19+s3+$0x0], $0xffff  }
0x300: {  	s0 =	sadd.s32 $0x400, s0;
	v45 =	vor.u32 v1, v9;
	[tilespmem:s5+$0xFFFFFE90] =	vst v22;
	v22 =	vld.idx.msk [tilespmem:v46+s3+$0x0], $0xffff  }
0x301: {  	s8 =	sadd.s32 $0xFFFFFD80, s0;
	v25 =	vor.u32 v1, v14;
	v29 =	vld.idx.msk [tilespmem:v42+s3+$0x0], $0xffff;
	[tilespmem:s5+$0x1A0] =	vst v28  }
0x302: {  	s1 =	sadd.s32 $0xFFFFFC80, s0;
	s25 =	sor.u32 $0x50, s8;
	v27 =	vor.u32 v1, v13;
	[tilespmem:s5+$0xFFFFFF10] =	vst v20;
	v24 =	vld.idx.msk [tilespmem:v24+s3+$0x0], $0xffff  }
0x303: {  	s9 =	sadd.s32 $0xFFFFFE00, s0;
	s7 =	sor.u32 $0x50, s1;
	v23 =	vld.idx.msk [tilespmem:v23+s3+$0x0], $0xffff;
	[tilespmem:s25+$0xB600] =	vst v21  }
0x304: {  	s10 =	sor.u32 $0x50, s9;
	v50 =	vor.u32 v2, v7;
	v21 =	vld.idx.msk [tilespmem:v47+s3+$0x0], $0xffff;
	[tilespmem:s7+$0xB600] =	vst v19;
	s7 =	sadd.s32 $0xFFFFFD00, s0  }
0x305: {  	v48 =	vor.u32 v1, v17;
	[tilespmem:s10+$0xB600] =	vst v22;
	v19 =	vld.idx.msk [tilespmem:v45+s3+$0x0], $0xffff;
	s19 =	sor.u32 $0x50, s7  }
0x306: {  	v20 =	vld.idx.msk [tilespmem:v25+s3+$0x0], $0xffff;
	[tilespmem:s19+$0xB600] =	vst v26;
	v26 =	vor.u32 v1, v18  }
0x307: {  	[tilespmem:s5+$0x1B0] =	vst v24;
	v24 =	vld.idx.msk [tilespmem:v27+s3+$0x0], $0xffff;
	v27 =	vor.u32 v1, v15;
	s19 =	sadd.s32 $0xFFFFFF00, s0  }
0x308: {  	v25 =	vor.u32 v1, v4;
	[tilespmem:s5+$0x100] =	vst v29;
	s30 =	sor.u32 $0x50, s19  }
0x309: {  	v49 =	vor.u32 v2, v5;
	[tilespmem:s30+$0xB600] =	vst v21;
	v21 =	vld.idx.msk [tilespmem:v50+s3+$0x0], $0xffff  }
0x30a: {  	v22 =	vor.u32 v2, v8;
	[tilespmem:s5+$0xFFFFFF90] =	vst v19;
	v19 =	vld.idx.msk [tilespmem:v48+s3+$0x0], $0xffff  }
0x30b: {  	v7 =	vor.u32 v3, v7;
	s10 =	sadd.s32 $0xFFFFFE80, s0;
	[tilespmem:s5+$0x10] =	vst v23;
	v26 =	vld.idx.msk [tilespmem:v26+s3+$0x0], $0xffff  }
0x30c: {  	s11 =	sor.u32 $0x50, s10;
	[tilespmem:s5+$0x90] =	vst v20;
	v23 =	vld.idx.msk [tilespmem:v27+s3+$0x0], $0xffff;
	v27 =	vor.u32 v2, v6  }
0x30d: {  	[tilespmem:s11+$0xB600] =	vst v24;
	v24 =	vld.idx.msk [tilespmem:v25+s3+$0x0], $0xffff;
	v25 =	vor.u32 v2, v10  }
0x30e: {  	v51 =	vor.u32 v2, v9;
	s25 =	sadd.s32 $0xFFFFFF80, s0;
	v20 =	vld.idx.msk [tilespmem:v49+s3+$0x0], $0xffff;
	[tilespmem:s5+$0xFFFFFEA0] =	vst v21  }
0x30f: {  	v52 =	vor.u32 v2, v11;
	s12 =	sor.u32 $0x50, s25;
	[tilespmem:s5+$0x110] =	vst v19;
	v19 =	vld.idx.msk [tilespmem:v22+s3+$0x0], $0xffff  }
0x310: {  	v5 =	vor.u32 v3, v5;
	v7 =	vld.idx.msk [tilespmem:v7+s3+$0x0], $0xffff;
	[tilespmem:s12+$0xB600] =	vst v26  }
0x311: {  	s13 =	sor.u32 $0x50, s0;
	v22 =	vor.u32 v2, v12;
	v26 =	vld.idx.msk [tilespmem:v27+s3+$0x0], $0xffff;
	[tilespmem:s5+$0xFFFFFE10] =	vst v23  }
0x312: {  	v8 =	vor.u32 v3, v8;
	v23 =	vld.idx.msk [tilespmem:v25+s3+$0x0], $0xffff;
	s12 =	sor.u32 $0x60, s1;
	[tilespmem:s13+$0xB600] =	vst v24  }
0x313: {  	s30 =	sor.u32 $0x60, s7;
	v27 =	vor.u32 v2, v13;
	v24 =	vld.idx.msk [tilespmem:v51+s3+$0x0], $0xffff;
	[tilespmem:s12+$0xB600] =	vst v20  }
0x314: {  	v25 =	vor.u32 v2, v14;
	v20 =	vld.idx.msk [tilespmem:v52+s3+$0x0], $0xffff;
	[tilespmem:s30+$0xB600] =	vst v19  }
0x315: {  	v53 =	vor.u32 v2, v16;
	v5 =	vld.idx.msk [tilespmem:v5+s3+$0x0], $0xffff;
	[tilespmem:s5+$0xFFFFFEB0] =	vst v7  }
0x316: {  	v54 =	vor.u32 v2, v17;
	s12 =	sor.u32 $0x60, s8;
	v21 =	vld.idx.msk [tilespmem:v22+s3+$0x0], $0xffff;
	[tilespmem:s5+$0xFFFFFF20] =	vst v26  }
0x317: {  	v6 =	vor.u32 v3, v6;
	v8 =	vld.idx.msk [tilespmem:v8+s3+$0x0], $0xffff;
	[tilespmem:s12+$0xB600] =	vst v23  }
0x318: {  	v10 =	vor.u32 v3, v10;
	s13 =	sor.u32 $0x60, s9;
	v27 =	vld.idx.msk [tilespmem:v27+s3+$0x0], $0xffff;
	[tilespmem:s5+$0xFFFFFFA0] =	vst v24  }
0x319: {  	v9 =	vor.u32 v3, v9;
	s1 =	sor.u32 $0x70, s1;
	v25 =	vld.idx.msk [tilespmem:v25+s3+$0x0], $0xffff;
	[tilespmem:s13+$0xB600] =	vst v20  }
0x31a: {  	v11 =	vor.u32 v3, v11;
	v23 =	vld.idx.msk [tilespmem:v53+s3+$0x0], $0xffff;
	[tilespmem:s1+$0xB600] =	vst v5  }
0x31b: {  	s7 =	sor.u32 $0x70, s7;
	v22 =	vor.u32 v2, v18;
	v24 =	vld.idx.msk [tilespmem:v54+s3+$0x0], $0xffff;
	[tilespmem:s5+$0x20] =	vst v21  }
0x31c: {  	v19 =	vor.u32 v2, v15;
	s30 =	sor.u32 $0x60, s10;
	v6 =	vld.idx.msk [tilespmem:v6+s3+$0x0], $0xffff;
	[tilespmem:s7+$0xB600] =	vst v8  }
0x31d: {  	v12 =	vor.u32 v3, v12;
	v10 =	vld.idx.msk [tilespmem:v10+s3+$0x0], $0xffff;
	[tilespmem:s30+$0xB600] =	vst v27  }
0x31e: {  	v26 =	vor.u32 v2, v4;
	s12 =	sor.u32 $0x60, s19;
	v9 =	vld.idx.msk [tilespmem:v9+s3+$0x0], $0xffff;
	[tilespmem:s5+$0xA0] =	vst v25  }
0x31f: {  	v13 =	vor.u32 v3, v13;
	v5 =	vld.idx.msk [tilespmem:v11+s3+$0x0], $0xffff;
	[tilespmem:s12+$0xB600] =	vst v23  }
0x320: {  	v14 =	vor.u32 v3, v14;
	v20 =	vld.idx.msk [tilespmem:v22+s3+$0x0], $0xffff;
	[tilespmem:s5+$0x120] =	vst v24  }
0x321: {  	v16 =	vor.u32 v3, v16;
	s11 =	sor.u32 $0x70, s8;
	v19 =	vld.idx.msk [tilespmem:v19+s3+$0x0], $0xffff;
	[tilespmem:s5+$0xFFFFFF30] =	vst v6  }
0x322: {  	v11 =	vor.u32 v3, v17;
	v7 =	vld.idx.msk [tilespmem:v12+s3+$0x0], $0xffff;
	[tilespmem:s11+$0xB600] =	vst v10  }
0x323: {  	v12 =	vor.u32 v3, v18;
	v21 =	vld.idx.msk [tilespmem:v26+s3+$0x0], $0xffff;
	s12 =	sor.u32 $0x70, s9;
	[tilespmem:s5+$0xFFFFFFB0] =	vst v9  }
0x324: {  	s13 =	sor.u32 $0x60, s25;
	v8 =	vor.u32 v3, v15;
	v13 =	vld.idx.msk [tilespmem:v13+s3+$0x0], $0xffff;
	[tilespmem:s12+$0xB600] =	vst v5  }
0x325: {  	v4 =	vor.u32 v3, v4;
	v6 =	vld.idx.msk [tilespmem:v14+s3+$0x0], $0xffff;
	[tilespmem:s13+$0xB600] =	vst v20  }
0x326: {  	v10 =	vld.idx.msk [tilespmem:v16+s3+$0x0], $0xffff;
	[tilespmem:s5+$0xFFFFFE20] =	vst v19  }
0x327: {  	s30 =	sor.u32 $0x60, s0;
	v9 =	vld.idx.msk [tilespmem:v11+s3+$0x0], $0xffff;
	[tilespmem:s5+$0x30] =	vst v7  }
0x328: {  	s13 =	sor.u32 $0x70, s10;
	v5 =	vld.idx.msk [tilespmem:v12+s3+$0x0], $0xffff;
	[tilespmem:s30+$0xB600] =	vst v21  }
0x329: {  	v7 =	vld.idx.msk [tilespmem:v8+s3+$0x0], $0xffff;
	[tilespmem:s13+$0xB600] =	vst v13  }
0x32a: {  	s30 =	sor.u32 $0x70, s19;
	v4 =	vld.idx.msk [tilespmem:v4+s3+$0x0], $0xffff;
	[tilespmem:s5+$0xB0] =	vst v6  }
0x32b: {  	[tilespmem:s30+$0xB600] =	vst v10  }
0x32c: {  	s7 =	sor.u32 $0x70, s25;
	[tilespmem:s5+$0x130] =	vst v9  }
0x32d: {  	s1 =	sadd.s32 @!p1 s6, s14;
	[tilespmem:s7+$0xB600] =	vst v5  }
0x32e: {  	s8 =	sadd.s32 s6, s15;
	s1 =	sshrl.u32 @!p1 s1, $0x3;
	s0 =	sor.u32 $0x70, s0;
	[tilespmem:s5+$0xFFFFFE30] =	vst v7  }
0x32f: {  	s5 =	simm.s32 @!p1 $0x3400;
	[tilespmem:s0+$0xB600] =	vst v4;
	s0 =	sadd.s32 @!p1 s4, s1;
	s1 =	simm.s32 @!p1 $0x0  }
0x330: {  	[tilespmem:s5], [sflag:$0x3] =	stream.linear.gather @!p1 [hbm4b:s0+s1], $0x100, $0x38;
	[tilespmem:$0x13600] =	vst v63  }
0x331: {  	s0 =	sshll.u32 s8, $0x3  }
0x332: {  	s9 =	simm.s32 $0xB600;
	s0 =	sand.u32 $0x1FFFF000, s0  }
0x333: {  	s12 =	simm.s32 $0x1;
	s10 =	simm.s32 $0x0;
	s0 =	sadd.s32 s2, s0  }
0x334: {  	v6 =	vmov s12;
	v4 =	vmov s10;
	[hbm4b:s0+s3] =	stream.linear.scatter [tilespmem:s9], [sflag:$0x7], $0x4000, $0x38;
	[tilespmem:$0x13600] =	vst v63  }
0x335: {  	s11 =	simm.s32 $0xF;
	s13 =	simm.s32 $0x2;
	v6 =	vand.u32 $0xFFFFFFF1, v6;
	v4 =	vand.u32 $0xFFFFFFF0, v4;
	_ =	swait.ge [sflag:s31], $0x100  }
0x336: {  	s19 =	simm.s32 $0x3;
	v5 =	vmov s11;
	v7 =	vmov s13;
	v4 =	vbroadcast v4, $0x0;
	[sflag:s31] =	ssyncset.done $0x0  }
0x337: {  	s25 =	simm.s32 $0x4;
	v8 =	vmov s19;
	v6 =	vbroadcast v6, $0x0;
	v7 =	vand.u32 $0xFFFFFFF2, v7;
	s1 =	simm.s32 @!p0 $0x8;
	[sflag:s31] =	ssyncadd.s32 $0xFFFFFF00  }
0x338: {  	s30 =	simm.s32 $0x5;
	v8 =	vand.u32 $0xFFFFFFF3, v8;
	v9 =	vmov s25;
	v7 =	vbroadcast v7, $0x0;
	_ =	swait.ge @!p0 [sflag:s1], $0x4000  }
0x339: {  	v10 =	vmov s30;
	v8 =	vbroadcast v8, $0x0;
	v9 =	vand.u32 $0xFFFFFFF4, v9;
	s5 =	simm.s32 $0x6;
	[sflag:s1] =	ssyncset.done @!p0 $0x0  }
0x33a: {  	v10 =	vand.u32 $0xFFFFFFF5, v10;
	v9 =	vbroadcast v9, $0x0;
	s11 =	simm.s32 $0xB;
	v11 =	vmov s5;
	[sflag:s1] =	ssyncadd.s32 @!p0 $0xFFFFC000  }
0x33b: {  	s12 =	simm.s32 $0xE;
	v10 =	vbroadcast v10, $0x0;
	v16 =	vmov s11;
	v11 =	vand.u32 $0xFFFFFFF6, v11;
	v5 =	vld.idx.msk [tilespmem:v5+s23+$0x0], $0xffff  }
0x33c: {  	v17 =	vmov s12;
	s7 =	simm.s32 $0x7;
	v16 =	vand.u32 $0xFFFFFFFB, v16;
	v11 =	vbroadcast v11, $0x0;
	v4 =	vld.idx.msk [tilespmem:v4+s23+$0x0], $0xffff  }
0x33d: {  	v17 =	vand.u32 $0xFFFFFFFE, v17;
	s13 =	simm.s32 $0xC;
	v12 =	vmov s7;
	v16 =	vbroadcast v16, $0x0;
	v14 =	vld.idx.msk [tilespmem:v6+s23+$0x0], $0xffff  }
0x33e: {  	v17 =	vbroadcast v17, $0x0;
	v18 =	vmov s13;
	v12 =	vand.u32 $0xFFFFFFF7, v12;
	s10 =	simm.s32 $0xA;
	v7 =	vld.idx.msk [tilespmem:v7+s23+$0x0], $0xffff  }
0x33f: {  	v18 =	vand.u32 $0xFFFFFFFC, v18;
	s8 =	simm.s32 $0x8;
	v15 =	vmov s10;
	v6 =	vbroadcast v12, $0x0;
	v8 =	vld.idx.msk [tilespmem:v8+s23+$0x0], $0xffff  }
0x340: {  	v21 =	vbroadcast v18, $0x0;
	v13 =	vmov s8;
	v15 =	vand.u32 $0xFFFFFFFA, v15;
	s9 =	simm.s32 $0x9;
	v9 =	vld.idx.msk [tilespmem:v9+s23+$0x0], $0xffff  }
0x341: {  	v15 =	vbroadcast v15, $0x0;
	v12 =	vand.u32 $0xFFFFFFF8, v13;
	v13 =	vmov s9;
	v10 =	vld.idx.msk [tilespmem:v10+s23+$0x0], $0xffff  }
0x342: {  	v11 =	vld.idx.msk [tilespmem:v11+s23+$0x0], $0xffff;
	v12 =	vbroadcast v12, $0x0;
	v13 =	vand.u32 $0xFFFFFFF9, v13  }
0x343: {  	s19 =	simm.s32 $0xD;
	v26 =	vld.idx.msk [tilespmem:v16+s23+$0x0], $0xffff;
	v13 =	vbroadcast v13, $0x0  }
0x344: {  	v19 =	vmov s19;
	v16 =	vld.idx.msk [tilespmem:v17+s23+$0x0], $0xffff;
	v18 =	vshll.u32 v7, $0x6  }
0x345: {  	v5 =	vshll.u32 v5, $0x6;
	v17 =	vshll.u32 v8, $0x6;
	v20 =	vld.idx.msk [tilespmem:v6+s23+$0x0], $0xffff;
	v27 =	vor.u32 v0, v18  }
0x346: {  	v21 =	vld.idx.msk [tilespmem:v21+s23+$0x0], $0xffff;
	v6 =	vand.u32 $0xFFFFFFFD, v19;
	v19 =	vshll.u32 v14, $0x6;
	v55 =	vor.u32 v0, v17  }
0x347: {  	v23 =	vbroadcast v6, $0x0;
	v6 =	vshll.u32 v4, $0x6;
	v4 =	vld.idx.msk [tilespmem:v15+s23+$0x0], $0xffff;
	v15 =	vor.u32 v0, v5  }
0x348: {  	v7 =	vshll.u32 v11, $0x6;
	v22 =	vld.idx.msk [tilespmem:v12+s23+$0x0], $0xffff;
	v14 =	vor.u32 v0, v19  }
0x349: {  	v11 =	vor.u32 v0, v7;
	v24 =	vld.idx.msk [tilespmem:v13+s23+$0x0], $0xffff  }
0x34a: {  	v8 =	vshll.u32 v20, $0x6;
	v20 =	vld.idx.msk [tilespmem:v27+s3+$0x0], $0xffff  }
0x34b: {  	v12 =	vshll.u32 v9, $0x6;
	v25 =	vor.u32 v0, v6;
	v28 =	vld.idx.msk [tilespmem:v55+s3+$0x0], $0xffff  }
0x34c: {  	v9 =	vor.u32 v0, v12;
	v13 =	vshll.u32 v10, $0x6;
	v56 =	vld.idx.msk [tilespmem:v15+s3+$0x0], $0xffff  }
0x34d: {  	v10 =	vor.u32 v0, v13;
	v57 =	vld.idx.msk [tilespmem:v14+s3+$0x0], $0xffff  }
0x34e: {  	v58 =	vshll.u32 v16, $0x6;
	v27 =	vor.u32 v0, v8;
	v15 =	vshll.u32 v4, $0x6;
	v4 =	vld.idx.msk [tilespmem:v11+s3+$0x0], $0xffff  }
0x34f: {  	v14 =	vshll.u32 v22, $0x6;
	v22 =	vor.u32 v0, v58;
	v23 =	vld.idx.msk [tilespmem:v23+s23+$0x0], $0xffff  }
0x350: {  	v38 =	vor.u32 v1, v18;
	v25 =	vld.idx.msk [tilespmem:v25+s3+$0x0], $0xffff  }
0x351: {  	v39 =	vor.u32 v1, v17;
	v59 =	vld.idx.msk [tilespmem:v9+s3+$0x0], $0xffff  }
0x352: {  	v33 =	vor.u32 v0, v14;
	v16 =	vshll.u32 v24, $0x6;
	v24 =	vld.idx.msk [tilespmem:v10+s3+$0x0], $0xffff  }
0x353: {  	s19 =	simm.s32 $0xF800;
	v11 =	vshll.u32 v26, $0x6;
	v35 =	vor.u32 v0, v15;
	v26 =	vld.idx.msk [tilespmem:v27+s3+$0x0], $0xffff  }
0x354: {  	v37 =	vor.u32 v1, v19;
	[tilespmem:s19+$0xFFFFFE80] =	vst v20;
	v22 =	vld.idx.msk [tilespmem:v22+s3+$0x0], $0xffff  }
0x355: {  	v9 =	vshll.u32 v21, $0x6;
	v34 =	vor.u32 v0, v16;
	[tilespmem:s19+$0xFFFFFEC0] =	vst v28;
	v63 =	vld.idx.msk [tilespmem:v38+s3+$0x0], $0xffff  }
0x356: {  	v21 =	vor.u32 v0, v9;
	v45 =	vld.idx.msk [tilespmem:v39+s3+$0x0], $0xffff  }
0x357: {  	v40 =	vor.u32 v1, v12;
	v10 =	vshll.u32 v23, $0x6;
	v23 =	vld.idx.msk [tilespmem:v33+s3+$0x0], $0xffff  }
0x358: {  	v20 =	vor.u32 v1, v7;
	[tilespmem:s19+$0xFFFFFE40] =	vst v57;
	v35 =	vld.idx.msk [tilespmem:v35+s3+$0x0], $0xffff  }
0x359: {  	v27 =	vor.u32 v0, v11;
	v62 =	vld.idx.msk [tilespmem:v37+s3+$0x0], $0xffff  }
0x35a: {  	v36 =	vor.u32 v1, v58;
	[tilespmem:s19+$0xFFFFFF80] =	vst v4;
	v34 =	vld.idx.msk [tilespmem:v34+s3+$0x0], $0xffff  }
0x35b: {  	v46 =	vor.u32 v1, v8;
	[tilespmem:s19+$0xFFFFFF00] =	vst v59;
	v21 =	vld.idx.msk [tilespmem:v21+s3+$0x0], $0xffff  }
0x35c: {  	[tilespmem:s19+$0xFFFFFE00] =	vst v25;
	v25 =	vor.u32 v2, v17;
	v47 =	vld.idx.msk [tilespmem:v40+s3+$0x0], $0xffff  }
0x35d: {  	v60 =	vor.u32 v0, v10;
	[tilespmem:s19+$0xFFFFFF40] =	vst v24;
	v20 =	vld.idx.msk [tilespmem:v20+s3+$0x0], $0xffff  }
0x35e: {  	s7 =	simm.s32 $0xC0;
	v24 =	vor.u32 v1, v14;
	v27 =	vld.idx.msk [tilespmem:v27+s3+$0x0], $0xffff;
	[tilespmem:s19+$0x180] =	vst v22  }
0x35f: {  	s1 =	sor.u32 $0x50, s7;
	v48 =	vor.u32 v1, v15;
	[tilespmem:s19+$0xFFFFFFC0] =	vst v26;
	v61 =	vld.idx.msk [tilespmem:v36+s3+$0x0], $0xffff  }
0x360: {  	v51 =	vor.u32 v1, v6;
	[tilespmem:s1+$0xF600] =	vst v45;
	v49 =	vld.idx.msk [tilespmem:v46+s3+$0x0], $0xffff  }
0x361: {  	v4 =	vor.u32 v1, v16;
	v25 =	vld.idx.msk [tilespmem:v25+s3+$0x0], $0xffff  }
0x362: {  	v53 =	vor.u32 v2, v12;
	[tilespmem:s19+$0x0] =	vst v23;
	v33 =	vld.idx.msk [tilespmem:v60+s3+$0x0], $0xffff  }
0x363: {  	v22 =	vor.u32 v1, v13;
	[tilespmem:s19+$0x80] =	vst v35;
	v24 =	vld.idx.msk [tilespmem:v24+s3+$0x0], $0xffff  }
0x364: {  	v55 =	vor.u32 v2, v7;
	[tilespmem:s19+$0x1C0] =	vst v56;
	v35 =	vld.idx.msk [tilespmem:v48+s3+$0x0], $0xffff  }
0x365: {  	v26 =	vor.u32 v1, v11;
	[tilespmem:s19+$0x40] =	vst v34;
	v34 =	vld.idx.msk [tilespmem:v51+s3+$0x0], $0xffff  }
0x366: {  	v23 =	vor.u32 v1, v9;
	[tilespmem:s19+$0xFFFFFF10] =	vst v47;
	v50 =	vld.idx.msk [tilespmem:v4+s3+$0x0], $0xffff  }
0x367: {  	v44 =	vor.u32 v2, v58;
	[tilespmem:s19+$0x100] =	vst v21;
	v29 =	vld.idx.msk [tilespmem:v53+s3+$0x0], $0xffff  }
0x368: {  	v21 =	vor.u32 v1, v5;
	[tilespmem:s19+$0xFFFFFF90] =	vst v20;
	v22 =	vld.idx.msk [tilespmem:v22+s3+$0x0], $0xffff  }
0x369: {  	v56 =	vor.u32 v2, v8;
	[tilespmem:s19+$0xC0] =	vst v27;
	v37 =	vld.idx.msk [tilespmem:v55+s3+$0x0], $0xffff  }
0x36a: {  	s28 =	simm.s32 $0x1C0;
	[tilespmem:s19+$0xFFFFFE90] =	vst v63;
	v4 =	vor.u32 v1, v10;
	v26 =	vld.idx.msk [tilespmem:v26+s3+$0x0], $0xffff  }
0x36b: {  	s8 =	sor.u32 $0x50, s28;
	v60 =	vor.u32 v2, v6;
	[tilespmem:s19+$0x190] =	vst v61;
	v23 =	vld.idx.msk [tilespmem:v23+s3+$0x0], $0xffff  }
0x36c: {  	v20 =	vor.u32 v2, v15;
	[tilespmem:s8+$0xF600] =	vst v49;
	v28 =	vld.idx.msk [tilespmem:v44+s3+$0x0], $0xffff  }
0x36d: {  	v27 =	vor.u32 v2, v19;
	[tilespmem:s19+$0x140] =	vst v33;
	v21 =	vld.idx.msk [tilespmem:v21+s3+$0x0], $0xffff  }
0x36e: {  	v54 =	vor.u32 v2, v13;
	v38 =	vld.idx.msk [tilespmem:v56+s3+$0x0], $0xffff;
	[tilespmem:s19+$0x10] =	vst v24  }
0x36f: {  	s10 =	simm.s32 $0x40;
	v52 =	vor.u32 v2, v18;
	[tilespmem:s19+$0xFFFFFE10] =	vst v34;
	v33 =	vld.idx.msk [tilespmem:v4+s3+$0x0], $0xffff  }
0x370: {  	s30 =	sor.u32 $0x50, s10;
	s1 =	simm.s32 $0x140;
	v24 =	vor.u32 v2, v9;
	[tilespmem:s19+$0x90] =	vst v35;
	v61 =	vld.idx.msk [tilespmem:v60+s3+$0x0], $0xffff  }
0x371: {  	s25 =	simm.s32 $0x1F;
	v31 =	vor.u32 v3, v58;
	[tilespmem:s30+$0xF600] =	vst v62;
	s5 =	sor.u32 $0x50, s1;
	v20 =	vld.idx.msk [tilespmem:v20+s3+$0x0], $0xffff  }
0x372: {  	v4 =	vmov s25;
	v27 =	vld.idx.msk [tilespmem:v27+s3+$0x0], $0xffff;
	[tilespmem:s5+$0xF600] =	vst v22  }
0x373: {  	v58 =	vor.u32 v2, v11;
	s25 =	simm.s32 $0x240;
	v36 =	vld.idx.msk [tilespmem:v54+s3+$0x0], $0xffff;
	[tilespmem:s19+$0x110] =	vst v23  }
0x374: {  	v59 =	vor.u32 v2, v10;
	s9 =	sor.u32 $0x50, s25;
	[tilespmem:s19+$0x1A0] =	vst v28;
	v28 =	vld.idx.msk [tilespmem:v52+s3+$0x0], $0xffff  }
0x375: {  	v7 =	vor.u32 v3, v7;
	[tilespmem:s9+$0xF600] =	vst v50;
	s9 =	simm.s32 $0x2C0;
	v23 =	vld.idx.msk [tilespmem:v24+s3+$0x0], $0xffff  }
0x376: {  	s8 =	simm.s32 $0x340;
	v22 =	vor.u32 v2, v16;
	s11 =	sor.u32 $0x50, s9;
	v31 =	vld.idx.msk [tilespmem:v31+s3+$0x0], $0xffff  }
0x377: {  	v12 =	vor.u32 v3, v12;
	s12 =	sor.u32 $0x50, s8;
	[tilespmem:s11+$0xF600] =	vst v26;
	v4 =	vld.idx.msk [tilespmem:v4+s23+$0x0], $0xffff  }
0x378: {  	v19 =	vor.u32 v3, v19;
	v30 =	vld.idx.msk [tilespmem:v58+s3+$0x0], $0xffff;
	[tilespmem:s12+$0xF600] =	vst v33  }
0x379: {  	[tilespmem:s19+$0xFFFFFFA0] =	vst v37;
	v26 =	vor.u32 v2, v5;
	s12 =	sor.u32 $0x60, s7;
	v24 =	vld.idx.msk [tilespmem:v59+s3+$0x0], $0xffff  }
0x37a: {  	v57 =	vor.u32 v2, v14;
	[tilespmem:s12+$0xF600] =	vst v25;
	v25 =	vor.u32 v3, v8;
	v8 =	vld.idx.msk [tilespmem:v7+s3+$0x0], $0xffff  }
0x37b: {  	s0 =	simm.s32 $0x3C0;
	v13 =	vor.u32 v3, v13;
	s30 =	sor.u32 $0x60, s10;
	[tilespmem:s19+$0xFFFFFF20] =	vst v29;
	v22 =	vld.idx.msk [tilespmem:v22+s3+$0x0], $0xffff  }
0x37c: {  	s13 =	sor.u32 $0x50, s0;
	v17 =	vor.u32 v3, v17;
	[tilespmem:s30+$0xF600] =	vst v27;
	v27 =	vld.idx.msk [tilespmem:v12+s3+$0x0], $0xffff  }
0x37d: {  	v18 =	vor.u32 v3, v18;
	[tilespmem:s13+$0xF600] =	vst v21;
	s13 =	sor.u32 $0x60, s1;
	v19 =	vld.idx.msk [tilespmem:v19+s3+$0x0], $0xffff  }
0x37e: {  	[tilespmem:s13+$0xF600] =	vst v36;
	v21 =	vld.idx.msk [tilespmem:v26+s3+$0x0], $0xffff  }
0x37f: {  	v11 =	vor.u32 v3, v11;
	s5 =	simm.s32 $0x10;
	[tilespmem:s19+$0x1B0] =	vst v31;
	v31 =	vld.idx.msk [tilespmem:v57+s3+$0x0], $0xffff  }
0x380: {  	v14 =	vor.u32 v3, v14;
	v62 =	vld.idx.msk [tilespmem:v13+s3+$0x0], $0xffff;
	v13 =	vor.u32 v3, v15;
	v15 =	vmov s5  }
0x381: {  	v12 =	vor.u32 v3, v16;
	s30 =	sor.u32 $0x60, s28;
	s13 =	simm.s32 $0x12;
	[tilespmem:s19+$0xFFFFFEA0] =	vst v28;
	v26 =	vld.idx.msk [tilespmem:v17+s3+$0x0], $0xffff;
	v15 =	vand.u32 $0xFFFFFFF0, v15  }
0x382: {  	[tilespmem:s30+$0xF600] =	vst v38;
	v17 =	vmov s13;
	s13 =	sor.u32 $0x60, s9;
	v18 =	vld.idx.msk [tilespmem:v18+s3+$0x0], $0xffff;
	v15 =	vbroadcast v15, $0x0  }
0x383: {  	[tilespmem:s13+$0xF600] =	vst v30;
	v7 =	vld.idx.msk [tilespmem:v25+s3+$0x0], $0xffff  }
0x384: {  	s12 =	sor.u32 $0x60, s25;
	v16 =	vor.u32 v3, v9;
	s30 =	simm.s32 $0x11;
	v11 =	vld.idx.msk [tilespmem:v11+s3+$0x0], $0xffff;
	[tilespmem:s19+$0x20] =	vst v31  }
0x385: {  	v25 =	vor.u32 v3, v5;
	[tilespmem:s12+$0xF600] =	vst v22;
	v9 =	vld.idx.msk [tilespmem:v14+s3+$0x0], $0xffff;
	v14 =	vor.u32 v3, v10;
	v10 =	vmov s30  }
0x386: {  	[tilespmem:s19+$0xA0] =	vst v20;
	v5 =	vand.u32 $0xFFFFFFF2, v17;
	v22 =	vor.u32 v3, v6;
	v6 =	vld.idx.msk [tilespmem:v12+s3+$0x0], $0xffff;
	s30 =	simm.s32 $0x13;
	v12 =	vand.u32 $0xFFFFFFF1, v10  }
0x387: {  	[tilespmem:s19+$0x120] =	vst v23;
	s12 =	simm.s32 $0x14;
	v23 =	vbroadcast v5, $0x0;
	v10 =	vld.idx.msk [tilespmem:v13+s3+$0x0], $0xffff;
	v63 =	vbroadcast v12, $0x0;
	v12 =	vmov s30  }
0x388: {  	[tilespmem:s19+$0xFFFFFE20] =	vst v61;
	s13 =	sor.u32 $0x60, s8;
	v13 =	vmov s12;
	v15 =	vld.idx.msk [tilespmem:v15+s23+$0x0], $0xffff;
	s30 =	simm.s32 $0x15;
	v5 =	vand.u32 $0xFFFFFFF3, v12  }
0x389: {  	[tilespmem:s13+$0xF600] =	vst v24;
	s13 =	simm.s32 $0x16;
	v12 =	vld.idx.msk [tilespmem:v16+s3+$0x0], $0xffff;
	v16 =	vmov s30;
	v24 =	vbroadcast v5, $0x0;
	v5 =	vand.u32 $0xFFFFFFF4, v13  }
0x38a: {  	v17 =	vmov s13;
	s13 =	simm.s32 $0x17;
	[tilespmem:s19+$0xFFFFFF30] =	vst v27;
	s30 =	sor.u32 $0x60, s0;
	v16 =	vand.u32 $0xFFFFFFF5, v16;
	v13 =	vld.idx.msk [tilespmem:v14+s3+$0x0], $0xffff;
	v5 =	vbroadcast v5, $0x0  }
0x38b: {  	s10 =	sor.u32 $0x70, s10;
	v17 =	vand.u32 $0xFFFFFFF6, v17;
	[tilespmem:s30+$0xF600] =	vst v21;
	s30 =	simm.s32 $0x18;
	v14 =	vld.idx.msk [tilespmem:v22+s3+$0x0], $0xffff;
	v20 =	vbroadcast v16, $0x0;
	v22 =	vmov s13  }
0x38c: {  	s11 =	simm.s32 $0x19;
	[tilespmem:s10+$0xF600] =	vst v19;
	v21 =	vbroadcast v17, $0x0;
	v16 =	vld.idx.msk [tilespmem:v25+s3+$0x0], $0xffff;
	v25 =	vmov s30;
	v19 =	vand.u32 $0xFFFFFFF7, v22  }
0x38d: {  	s7 =	sor.u32 $0x70, s7;
	[tilespmem:s19+$0xFFFFFEB0] =	vst v18;
	s12 =	simm.s32 $0x1A;
	v18 =	vld.idx.msk [tilespmem:v23+s23+$0x0], $0xffff;
	v22 =	vbroadcast v19, $0x0;
	v19 =	vand.u32 $0xFFFFFFF8, v25;
	v25 =	vmov s11  }
0x38e: {  	[tilespmem:s7+$0xF600] =	vst v26;
	v26 =	vmov s12;
	s13 =	simm.s32 $0x1B;
	s30 =	sor.u32 $0x70, s1;
	v17 =	vld.idx.msk [tilespmem:v63+s23+$0x0], $0xffff;
	v23 =	vbroadcast v19, $0x0;
	v25 =	vand.u32 $0xFFFFFFF9, v25  }
0x38f: {  	s7 =	simm.s32 $0x20;
	s1 =	simm.s32 $0x1E;
	[tilespmem:s30+$0xF600] =	vst v62;
	v19 =	vld.idx.msk [tilespmem:v24+s23+$0x0], $0xffff;
	v24 =	vbroadcast v25, $0x0;
	v25 =	vand.u32 $0xFFFFFFFA, v26;
	v26 =	vmov s13  }
.LBB2_9:
0x390: {  	p0 =	slt.u32 s7, $0xF0;
	v27 =	vld.idx.msk [tilespmem:v5+s23+$0x0], $0xffff;
	v25 =	vbroadcast v25, $0x0;
	v5 =	vand.u32 $0xFFFFFFFB, v26;
	s10 =	sadd.s32 $0xC, s5;
	v26 =	vmov s1;
	[tilespmem:s19+$0xFFFFFFB0] =	vst v8;
	s1 =	sor.u32 $0x70, s28  }
0x391: {  	v8 =	vld.idx.msk [tilespmem:v20+s23+$0x0], $0xffff;
	v20 =	vbroadcast v5, $0x0;
	v5 =	vmov s10;
	s10 =	sadd.s32 $0xD, s5;
	v26 =	vand.u32 $0xFFFFFFFE, v26;
	[tilespmem:s1+$0xF600] =	vst v7;
	s5 =	smov.u32 s7  }
0x392: {  	s1 =	sor.u32 $0x70, s25;
	v7 =	vld.idx.msk [tilespmem:v21+s23+$0x0], $0xffff;
	v5 =	vand.u32 $0xFFFFFFFC, v5;
	v21 =	vmov s10;
	v26 =	vbroadcast v26, $0x0;
	[tilespmem:s19+$0x30] =	vst v9  }
0x393: {  	v9 =	vld.idx.msk [tilespmem:v22+s23+$0x0], $0xffff;
	v22 =	vbroadcast v5, $0x0;
	v5 =	vand.u32 $0xFFFFFFFD, v21;
	[tilespmem:s1+$0xF600] =	vst v6  }
0x394: {  	s1 =	sor.u32 $0x70, s9;
	v21 =	vld.idx.msk [tilespmem:v23+s23+$0x0], $0xffff;
	v23 =	vbroadcast v5, $0x0;
	[tilespmem:s19+$0xB0] =	vst v10  }
0x395: {  	v5 =	vshll.u32 v4, $0x6;
	v10 =	vld.idx.msk [tilespmem:v24+s23+$0x0], $0xffff;
	[tilespmem:s1+$0xF600] =	vst v11  }
0x396: {  	v6 =	vshll.u32 v15, $0x6;
	v24 =	vor.u32 v0, v5;
	s1 =	sor.u32 $0x70, s8;
	v4 =	vld.idx.msk [tilespmem:v25+s23+$0x0], $0xffff;
	[tilespmem:s19+$0x130] =	vst v12  }
0x397: {  	v11 =	vshll.u32 v17, $0x6;
	v25 =	vor.u32 v0, v6;
	v20 =	vld.idx.msk [tilespmem:v20+s23+$0x0], $0xffff;
	[tilespmem:s1+$0xF600] =	vst v13  }
0x398: {  	v17 =	vor.u32 v0, v11;
	v12 =	vshll.u32 v18, $0x6;
	s1 =	sor.u32 $0x70, s0;
	v18 =	vld.idx.msk [tilespmem:v26+s23+$0x0], $0xffff;
	[tilespmem:s19+$0xFFFFFE30] =	vst v14  }
0x399: {  	v15 =	vshll.u32 v19, $0x6;
	v26 =	vor.u32 v0, v12;
	v22 =	vld.idx.msk [tilespmem:v22+s23+$0x0], $0xffff;
	[tilespmem:s1+$0xF600] =	vst v16  }
0x39a: {  	v13 =	vshll.u32 v27, $0x6;
	v16 =	vor.u32 v0, v15;
	v23 =	vld.idx.msk [tilespmem:v23+s23+$0x0], $0xffff  }
0x39b: {  	v19 =	vor.u32 v0, v13;
	v14 =	vshll.u32 v8, $0x6;
	v24 =	vld.idx.msk [tilespmem:v24+s3+$0x0], $0xffff  }
0x39c: {  	v7 =	vshll.u32 v7, $0x6;
	v27 =	vor.u32 v0, v14;
	v25 =	vld.idx.msk [tilespmem:v25+s3+$0x0], $0xffff  }
0x39d: {  	v29 =	vor.u32 v0, v7;
	v8 =	vshll.u32 v9, $0x6;
	v28 =	vld.idx.msk [tilespmem:v17+s3+$0x0], $0xffff  }
0x39e: {  	v9 =	vor.u32 v0, v8;
	v30 =	vshll.u32 v18, $0x6;
	v26 =	vld.idx.msk [tilespmem:v26+s3+$0x0], $0xffff  }
0x39f: {  	v31 =	vld.idx.msk [tilespmem:v16+s3+$0x0], $0xffff;
	v16 =	vshll.u32 v21, $0x6;
	v21 =	vor.u32 v0, v30  }
0x3a0: {  	v32 =	vld.idx.msk [tilespmem:v19+s3+$0x0], $0xffff;
	v33 =	vor.u32 v0, v16;
	v19 =	vshll.u32 v10, $0x6  }
0x3a1: {  	v17 =	vshll.u32 v4, $0x6;
	v27 =	vld.idx.msk [tilespmem:v27+s3+$0x0], $0xffff;
	v34 =	vor.u32 v0, v19  }
0x3a2: {  	v18 =	vshll.u32 v20, $0x6;
	v4 =	vld.idx.msk [tilespmem:v29+s3+$0x0], $0xffff;
	v29 =	vor.u32 v0, v17  }
0x3a3: {  	v35 =	vor.u32 v0, v18;
	v20 =	vld.idx.msk [tilespmem:v9+s3+$0x0], $0xffff;
	v9 =	vshll.u32 v22, $0x6  }
0x3a4: {  	v10 =	vshll.u32 v23, $0x6;
	v22 =	vor.u32 v0, v9;
	v21 =	vld.idx.msk [tilespmem:v21+s3+$0x0], $0xffff  }
0x3a5: {  	v23 =	vld.idx.msk [tilespmem:v33+s3+$0x0], $0xffff;
	v33 =	vor.u32 v0, v10  }
0x3a6: {  	v36 =	vor.u32 v1, v30;
	v34 =	vld.idx.msk [tilespmem:v34+s3+$0x0], $0xffff  }
0x3a7: {  	v37 =	vor.u32 v1, v11;
	v29 =	vld.idx.msk [tilespmem:v29+s3+$0x0], $0xffff  }
0x3a8: {  	v38 =	vor.u32 v1, v12;
	v35 =	vld.idx.msk [tilespmem:v35+s3+$0x0], $0xffff  }
0x3a9: {  	v39 =	vor.u32 v1, v15;
	s19 =	sadd.s32 $0x400, s19;
	v22 =	vld.idx.msk [tilespmem:v22+s3+$0x0], $0xffff  }
0x3aa: {  	v40 =	vor.u32 v1, v13;
	v33 =	vld.idx.msk [tilespmem:v33+s3+$0x0], $0xffff;
	[tilespmem:s19+$0x180] =	vst v21  }
0x3ab: {  	v21 =	vor.u32 v1, v14;
	[tilespmem:s19+$0xFFFFFE40] =	vst v28;
	v28 =	vld.idx.msk [tilespmem:v36+s3+$0x0], $0xffff  }
0x3ac: {  	v36 =	vld.idx.msk [tilespmem:v37+s3+$0x0], $0xffff;
	[tilespmem:s19+$0xFFFFFE80] =	vst v26;
	v26 =	vor.u32 v1, v7  }
0x3ad: {  	v37 =	vld.idx.msk [tilespmem:v38+s3+$0x0], $0xffff;
	[tilespmem:s19+$0xFFFFFEC0] =	vst v31;
	v31 =	vor.u32 v2, v30  }
0x3ae: {  	v38 =	vld.idx.msk [tilespmem:v39+s3+$0x0], $0xffff;
	[tilespmem:s19+$0xFFFFFF00] =	vst v32;
	v32 =	vor.u32 v1, v8  }
0x3af: {  	v39 =	vld.idx.msk [tilespmem:v40+s3+$0x0], $0xffff;
	[tilespmem:s19+$0xFFFFFF40] =	vst v27;
	v27 =	vor.u32 v1, v16  }
0x3b0: {  	v21 =	vld.idx.msk [tilespmem:v21+s3+$0x0], $0xffff;
	[tilespmem:s19+$0xFFFFFF80] =	vst v4;
	v4 =	vor.u32 v1, v19  }
0x3b1: {  	v40 =	vor.u32 v1, v17;
	v26 =	vld.idx.msk [tilespmem:v26+s3+$0x0], $0xffff;
	[tilespmem:s19+$0x190] =	vst v28  }
0x3b2: {  	[tilespmem:s19+$0xFFFFFFC0] =	vst v20;
	v20 =	vor.u32 v1, v18;
	v28 =	vld.idx.msk [tilespmem:v31+s3+$0x0], $0xffff  }
0x3b3: {  	v31 =	vld.idx.msk [tilespmem:v32+s3+$0x0], $0xffff;
	[tilespmem:s19+$0x0] =	vst v23;
	v23 =	vor.u32 v1, v9  }
0x3b4: {  	v30 =	vor.u32 v3, v30;
	v27 =	vld.idx.msk [tilespmem:v27+s3+$0x0], $0xffff;
	[tilespmem:s19+$0x40] =	vst v34  }
0x3b5: {  	v32 =	vld.idx.msk [tilespmem:v4+s3+$0x0], $0xffff;
	[tilespmem:s19+$0x80] =	vst v29;
	v4 =	vor.u32 v1, v10  }
0x3b6: {  	v29 =	vor.u32 v1, v6;
	v34 =	vld.idx.msk [tilespmem:v40+s3+$0x0], $0xffff;
	[tilespmem:s19+$0xC0] =	vst v35  }
0x3b7: {  	v20 =	vld.idx.msk [tilespmem:v20+s3+$0x0], $0xffff;
	[tilespmem:s19+$0x100] =	vst v22;
	v22 =	vor.u32 v1, v5  }
0x3b8: {  	v35 =	vor.u32 v2, v11;
	v23 =	vld.idx.msk [tilespmem:v23+s3+$0x0], $0xffff;
	[tilespmem:s19+$0x1A0] =	vst v28  }
0x3b9: {  	s0 =	sadd.s32 $0x400, s0;
	v28 =	vor.u32 v2, v12;
	[tilespmem:s19+$0x140] =	vst v33;
	v30 =	vld.idx.msk [tilespmem:v30+s3+$0x0], $0xffff  }
0x3ba: {  	s10 =	sadd.s32 $0xFFFFFC80, s0;
	s1 =	sadd.s32 $0xF, s7;
	[tilespmem:s19+$0xFFFFFE00] =	vst v25;
	v25 =	vor.u32 v2, v15;
	v33 =	vld.idx.msk [tilespmem:v4+s3+$0x0], $0xffff  }
0x3bb: {  	v4 =	vmov s1;
	s1 =	sor.u32 $0x50, s10;
	v29 =	vld.idx.msk [tilespmem:v29+s3+$0x0], $0xffff;
	[tilespmem:s19+$0x1C0] =	vst v24  }
0x3bc: {  	v24 =	vor.u32 v2, v13;
	[tilespmem:s1+$0xF600] =	vst v36;
	s1 =	sadd.s32 $0xFFFFFD00, s0;
	v22 =	vld.idx.msk [tilespmem:v22+s3+$0x0], $0xffff  }
0x3bd: {  	v36 =	vor.u32 v2, v14;
	v35 =	vld.idx.msk [tilespmem:v35+s3+$0x0], $0xffff;
	[tilespmem:s19+$0xFFFFFE90] =	vst v37;
	s8 =	sor.u32 $0x50, s1  }
0x3be: {  	v37 =	vor.u32 v2, v7;
	v28 =	vld.idx.msk [tilespmem:v28+s3+$0x0], $0xffff;
	[tilespmem:s8+$0xF600] =	vst v38  }
0x3bf: {  	s30 =	sadd.s32 $0xFFFFFD80, s0;
	v38 =	vor.u32 v2, v8;
	v25 =	vld.idx.msk [tilespmem:v25+s3+$0x0], $0xffff;
	[tilespmem:s19+$0x1B0] =	vst v30  }
0x3c0: {  	s8 =	sor.u32 $0x50, s30;
	v30 =	vor.u32 v2, v16;
	v4 =	vld.idx.msk [tilespmem:v4+s23+$0x0], $0xffff;
	[tilespmem:s19+$0xFFFFFF10] =	vst v39  }
0x3c1: {  	s28 =	sadd.s32 $0xFFFFFE00, s0;
	v24 =	vld.idx.msk [tilespmem:v24+s3+$0x0], $0xffff;
	[tilespmem:s8+$0xF600] =	vst v21;
	v21 =	vor.u32 v2, v19  }
0x3c2: {  	s8 =	sor.u32 $0x50, s28;
	v36 =	vld.idx.msk [tilespmem:v36+s3+$0x0], $0xffff;
	[tilespmem:s19+$0xFFFFFF90] =	vst v26;
	v26 =	vor.u32 v2, v17  }
0x3c3: {  	s25 =	sadd.s32 $0xFFFFFE80, s0;
	v37 =	vld.idx.msk [tilespmem:v37+s3+$0x0], $0xffff;
	[tilespmem:s8+$0xF600] =	vst v31;
	v31 =	vor.u32 v2, v18  }
0x3c4: {  	s8 =	sor.u32 $0x50, s25;
	v38 =	vld.idx.msk [tilespmem:v38+s3+$0x0], $0xffff;
	[tilespmem:s19+$0x10] =	vst v27;
	v27 =	vor.u32 v2, v9  }
0x3c5: {  	s9 =	sadd.s32 $0xFFFFFF00, s0;
	v30 =	vld.idx.msk [tilespmem:v30+s3+$0x0], $0xffff;
	[tilespmem:s8+$0xF600] =	vst v32;
	v32 =	vor.u32 v2, v10  }
0x3c6: {  	v39 =	vor.u32 v2, v6;
	s8 =	sor.u32 $0x50, s9;
	v21 =	vld.idx.msk [tilespmem:v21+s3+$0x0], $0xffff;
	[tilespmem:s19+$0x90] =	vst v34  }
0x3c7: {  	v26 =	vld.idx.msk [tilespmem:v26+s3+$0x0], $0xffff;
	[tilespmem:s8+$0xF600] =	vst v20;
	s8 =	sadd.s32 $0xFFFFFF80, s0;
	v20 =	vor.u32 v2, v5  }
0x3c8: {  	v11 =	vor.u32 v3, v11;
	v31 =	vld.idx.msk [tilespmem:v31+s3+$0x0], $0xffff;
	[tilespmem:s19+$0x110] =	vst v23;
	s11 =	sor.u32 $0x50, s8  }
0x3c9: {  	v12 =	vor.u32 v3, v12;
	v23 =	vld.idx.msk [tilespmem:v27+s3+$0x0], $0xffff;
	[tilespmem:s11+$0xF600] =	vst v33  }
0x3ca: {  	v15 =	vor.u32 v3, v15;
	s11 =	sor.u32 $0x50, s0;
	[tilespmem:s19+$0xFFFFFE10] =	vst v29;
	v27 =	vld.idx.msk [tilespmem:v32+s3+$0x0], $0xffff  }
0x3cb: {  	s12 =	sor.u32 $0x60, s10;
	v13 =	vor.u32 v3, v13;
	v29 =	vld.idx.msk [tilespmem:v39+s3+$0x0], $0xffff;
	[tilespmem:s11+$0xF600] =	vst v22  }
0x3cc: {  	v14 =	vor.u32 v3, v14;
	[tilespmem:s12+$0xF600] =	vst v35;
	v20 =	vld.idx.msk [tilespmem:v20+s3+$0x0], $0xffff  }
0x3cd: {  	v7 =	vor.u32 v3, v7;
	s11 =	sor.u32 $0x60, s1;
	v22 =	vld.idx.msk [tilespmem:v11+s3+$0x0], $0xffff;
	[tilespmem:s19+$0xFFFFFEA0] =	vst v28  }
0x3ce: {  	v11 =	vor.u32 v3, v8;
	v28 =	vld.idx.msk [tilespmem:v12+s3+$0x0], $0xffff;
	[tilespmem:s11+$0xF600] =	vst v25  }
0x3cf: {  	s11 =	sor.u32 $0x60, s30;
	v12 =	vor.u32 v3, v16;
	v25 =	vld.idx.msk [tilespmem:v15+s3+$0x0], $0xffff;
	[tilespmem:s19+$0xFFFFFF20] =	vst v24  }
0x3d0: {  	v24 =	vld.idx.msk [tilespmem:v13+s3+$0x0], $0xffff;
	[tilespmem:s11+$0xF600] =	vst v36;
	v13 =	vor.u32 v3, v19  }
0x3d1: {  	s11 =	sor.u32 $0x60, s28;
	v32 =	vld.idx.msk [tilespmem:v14+s3+$0x0], $0xffff;
	[tilespmem:s19+$0xFFFFFFA0] =	vst v37;
	v14 =	vor.u32 v3, v17  }
0x3d2: {  	v15 =	vor.u32 v3, v18;
	v8 =	vld.idx.msk [tilespmem:v7+s3+$0x0], $0xffff;
	[tilespmem:s11+$0xF600] =	vst v38  }
0x3d3: {  	v16 =	vmov s7;
	v17 =	vor.u32 v3, v9;
	s11 =	sor.u32 $0x60, s25;
	v7 =	vld.idx.msk [tilespmem:v11+s3+$0x0], $0xffff;
	[tilespmem:s19+$0x20] =	vst v30  }
0x3d4: {  	s13 =	sadd.s32 $0x2, s7;
	s12 =	sadd.s32 $0x1, s7;
	v11 =	vand.u32 $0xFFFFFFF0, v16;
	v16 =	vor.u32 v3, v10;
	v9 =	vld.idx.msk [tilespmem:v12+s3+$0x0], $0xffff;
	[tilespmem:s11+$0xF600] =	vst v21  }
0x3d5: {  	v18 =	vor.u32 v3, v6;
	v10 =	vmov s12;
	v12 =	vmov s13;
	s11 =	sor.u32 $0x60, s9;
	v6 =	vld.idx.msk [tilespmem:v13+s3+$0x0], $0xffff;
	[tilespmem:s19+$0xA0] =	vst v26  }
0x3d6: {  	s12 =	sadd.s32 $0x3, s7;
	v19 =	vbroadcast v11, $0x0;
	v11 =	vand.u32 $0xFFFFFFF1, v10;
	v21 =	vor.u32 v3, v5;
	v10 =	vld.idx.msk [tilespmem:v14+s3+$0x0], $0xffff;
	[tilespmem:s11+$0xF600] =	vst v31  }
0x3d7: {  	v26 =	vbroadcast v11, $0x0;
	v5 =	vand.u32 $0xFFFFFFF2, v12;
	v12 =	vmov s12;
	s12 =	sor.u32 $0x60, s8;
	s11 =	sadd.s32 $0x4, s7;
	v11 =	vld.idx.msk [tilespmem:v15+s3+$0x0], $0xffff;
	[tilespmem:s19+$0x120] =	vst v23  }
0x3d8: {  	v23 =	vbroadcast v5, $0x0;
	v5 =	vand.u32 $0xFFFFFFF3, v12;
	v13 =	vmov s11;
	s11 =	sadd.s32 $0x5, s7;
	v12 =	vld.idx.msk [tilespmem:v17+s3+$0x0], $0xffff;
	[tilespmem:s12+$0xF600] =	vst v27  }
0x3d9: {  	v27 =	vbroadcast v5, $0x0;
	v5 =	vand.u32 $0xFFFFFFF4, v13;
	v14 =	vmov s11;
	s11 =	sadd.s32 $0x6, s7;
	s12 =	sor.u32 $0x60, s0;
	[tilespmem:s19+$0xFFFFFE20] =	vst v29;
	v13 =	vld.idx.msk [tilespmem:v16+s3+$0x0], $0xffff  }
0x3da: {  	s10 =	sor.u32 $0x70, s10;
	v5 =	vbroadcast v5, $0x0;
	v15 =	vand.u32 $0xFFFFFFF5, v14;
	v16 =	vmov s11;
	s11 =	sadd.s32 $0x7, s7;
	v14 =	vld.idx.msk [tilespmem:v18+s3+$0x0], $0xffff;
	[tilespmem:s12+$0xF600] =	vst v20  }
.Ltmp3:
0x3db: {  	v20 =	vbroadcast v15, $0x0;
	v17 =	vand.u32 $0xFFFFFFF6, v16;
	v18 =	vmov s11;
	s11 =	sadd.s32 $0x8, s7;
	[tilespmem:s10+$0xF600] =	vst v22;
	v16 =	vld.idx.msk [tilespmem:v21+s3+$0x0], $0xffff;
	(pc) =	sbr.rel @p0 .LBB2_9-.Ltmp3, $4  }
0x3dc: {  	s1 =	sor.u32 $0x70, s1;
	v21 =	vbroadcast v17, $0x0;
	v18 =	vand.u32 $0xFFFFFFF7, v18;
	s10 =	sadd.s32 $0x9, s7;
	v15 =	vld.idx.msk [tilespmem:v19+s23+$0x0], $0xffff;
	v19 =	vmov s11;
	[tilespmem:s19+$0xFFFFFEB0] =	vst v28  }
0x3dd: {  	v22 =	vbroadcast v18, $0x0;
	v17 =	vld.idx.msk [tilespmem:v26+s23+$0x0], $0xffff;
	v19 =	vand.u32 $0xFFFFFFF8, v19;
	v26 =	vmov s10;
	s10 =	sadd.s32 $0xA, s7;
	[tilespmem:s1+$0xF600] =	vst v25  }
0x3de: {  	s1 =	sadd.s32 $0xB, s7;
	v18 =	vld.idx.msk [tilespmem:v23+s23+$0x0], $0xffff;
	v23 =	vbroadcast v19, $0x0;
	v25 =	vand.u32 $0xFFFFFFF9, v26;
	v26 =	vmov s10;
	[tilespmem:s19+$0xFFFFFF30] =	vst v24;
	s10 =	sor.u32 $0x70, s30  }
0x3df: {  	s7 =	sadd.s32 $0x10, s7;
	v19 =	vld.idx.msk [tilespmem:v27+s23+$0x0], $0xffff;
	v24 =	vbroadcast v25, $0x0;
	v25 =	vand.u32 $0xFFFFFFFA, v26;
	v26 =	vmov s1;
	s1 =	sadd.s32 $0xE, s5;
	[tilespmem:s10+$0xF600] =	vst v32  }
0x3e0: {  	_ =	sdelay $0x3  }
0x3e1: {  	v27 =	vmov s1;
	s13 =	sadd.s32 $0xC, s5;
	v28 =	vld.idx.msk [tilespmem:v5+s23+$0x0], $0xffff;
	v25 =	vbroadcast v25, $0x0;
	v5 =	vand.u32 $0xFFFFFFFB, v26  }
0x3e2: {  	v20 =	vld.idx.msk [tilespmem:v20+s23+$0x0], $0xffff;
	v27 =	vand.u32 $0xFFFFFFFE, v27;
	v42 =	vmov s13;
	v29 =	vbroadcast v5, $0x0  }
0x3e3: {  	s30 =	sadd.s32 $0xD, s5;
	v21 =	vld.idx.msk [tilespmem:v21+s23+$0x0], $0xffff;
	v27 =	vbroadcast v27, $0x0;
	v5 =	vand.u32 $0xFFFFFFFC, v42  }
0x3e4: {  	v22 =	vld.idx.msk [tilespmem:v22+s23+$0x0], $0xffff;
	s5 =	sor.u32 $0x70, s28;
	v43 =	vmov s30;
	v30 =	vbroadcast v5, $0x0  }
0x3e5: {  	v23 =	vld.idx.msk [tilespmem:v23+s23+$0x0], $0xffff;
	[tilespmem:s5+$0xF600] =	vst v7;
	v5 =	vand.u32 $0xFFFFFFFD, v43;
	v7 =	vshll.u32 v18, $0x6  }
0x3e6: {  	v24 =	vld.idx.msk [tilespmem:v24+s23+$0x0], $0xffff;
	v26 =	vbroadcast v5, $0x0;
	v46 =	vor.u32 v0, v7  }
0x3e7: {  	v5 =	vshll.u32 v17, $0x6;
	v25 =	vld.idx.msk [tilespmem:v25+s23+$0x0], $0xffff  }
0x3e8: {  	[tilespmem:s19+$0xFFFFFFB0] =	vst v8;
	s7 =	sor.u32 $0x70, s25;
	v8 =	vshll.u32 v19, $0x6;
	v31 =	vor.u32 v0, v5;
	v45 =	vld.idx.msk [tilespmem:v29+s23+$0x0], $0xffff  }
0x3e9: {  	[tilespmem:s7+$0xF600] =	vst v6;
	v48 =	vor.u32 v0, v8;
	v6 =	vshll.u32 v28, $0x6;
	v27 =	vld.idx.msk [tilespmem:v27+s23+$0x0], $0xffff  }
0x3ea: {  	[tilespmem:s19+$0xB0] =	vst v10;
	v10 =	vshll.u32 v20, $0x6;
	v28 =	vor.u32 v0, v6;
	v47 =	vld.idx.msk [tilespmem:v30+s23+$0x0], $0xffff  }
0x3eb: {  	[tilespmem:s19+$0x30] =	vst v9;
	s10 =	sor.u32 $0x70, s9;
	v9 =	vshll.u32 v21, $0x6;
	v20 =	vor.u32 v0, v10;
	v51 =	vld.idx.msk [tilespmem:v46+s3+$0x0], $0xffff  }
0x3ec: {  	[tilespmem:s10+$0xF600] =	vst v11;
	v11 =	vshll.u32 v22, $0x6;
	v50 =	vor.u32 v0, v9;
	v26 =	vld.idx.msk [tilespmem:v26+s23+$0x0], $0xffff  }
0x3ed: {  	[tilespmem:s19+$0x130] =	vst v12;
	v12 =	vshll.u32 v23, $0x6;
	v32 =	vor.u32 v0, v11;
	v49 =	vld.idx.msk [tilespmem:v31+s3+$0x0], $0xffff  }
0x3ee: {  	s11 =	sor.u32 $0x70, s8;
	[tilespmem:s19+$0xFFFFFE30] =	vst v14;
	v4 =	vshll.u32 v4, $0x6;
	v54 =	vor.u32 v0, v12;
	v30 =	vld.idx.msk [tilespmem:v48+s3+$0x0], $0xffff  }
0x3ef: {  	s12 =	sor.u32 $0x70, s0;
	[tilespmem:s11+$0xF600] =	vst v13;
	v35 =	vor.u32 v0, v4;
	v13 =	vshll.u32 v24, $0x6;
	v53 =	vld.idx.msk [tilespmem:v28+s3+$0x0], $0xffff  }
0x3f0: {  	[tilespmem:s12+$0xF600] =	vst v16;
	s5 =	sadd.s32 $0x400, s19;
	v24 =	vor.u32 v0, v13;
	v20 =	vld.idx.msk [tilespmem:v20+s3+$0x0], $0xffff  }
0x3f1: {  	v15 =	vshll.u32 v15, $0x6;
	v37 =	vor.u32 v1, v7;
	v55 =	vld.idx.msk [tilespmem:v50+s3+$0x0], $0xffff;
	[tilespmem:s5+$0xFFFFFE80] =	vst v51  }
0x3f2: {  	v33 =	vor.u32 v0, v15;
	v59 =	vld.idx.msk [tilespmem:v32+s3+$0x0], $0xffff;
	[tilespmem:s5+$0xFFFFFE40] =	vst v49  }
0x3f3: {  	v36 =	vor.u32 v1, v5;
	v14 =	vshll.u32 v25, $0x6;
	v61 =	vld.idx.msk [tilespmem:v54+s3+$0x0], $0xffff;
	[tilespmem:s5+$0xFFFFFEC0] =	vst v30  }
0x3f4: {  	v25 =	vld.idx.msk [tilespmem:v35+s3+$0x0], $0xffff;
	v56 =	vor.u32 v0, v14;
	[tilespmem:s5+$0xFFFFFF00] =	vst v53  }
0x3f5: {  	v40 =	vor.u32 v1, v6;
	v24 =	vld.idx.msk [tilespmem:v24+s3+$0x0], $0xffff;
	[tilespmem:s5+$0xFFFFFF40] =	vst v20  }
0x3f6: {  	v42 =	vor.u32 v1, v9;
	v22 =	vld.idx.msk [tilespmem:v37+s3+$0x0], $0xffff;
	[tilespmem:s5+$0xFFFFFF80] =	vst v55  }
0x3f7: {  	v43 =	vor.u32 v1, v11;
	v16 =	vshll.u32 v45, $0x6;
	[tilespmem:s5+$0xFFFFFFC0] =	vst v59;
	v20 =	vld.idx.msk [tilespmem:v33+s3+$0x0], $0xffff  }
0x3f8: {  	v57 =	vor.u32 v0, v16;
	[tilespmem:s5+$0x0] =	vst v61;
	v19 =	vld.idx.msk [tilespmem:v36+s3+$0x0], $0xffff  }
0x3f9: {  	v38 =	vor.u32 v1, v8;
	v27 =	vshll.u32 v27, $0x6;
	[tilespmem:s5+$0x1C0] =	vst v25;
	v34 =	vld.idx.msk [tilespmem:v56+s3+$0x0], $0xffff  }
0x3fa: {  	s0 =	sadd.s32 $0x400, s0;
	v44 =	vor.u32 v0, v27;
	[tilespmem:s5+$0x40] =	vst v24;
	v45 =	vld.idx.msk [tilespmem:v40+s3+$0x0], $0xffff  }
0x3fb: {  	s1 =	sadd.s32 $0xFFFFFC80, s0;
	v46 =	vor.u32 v1, v13;
	v18 =	vshll.u32 v26, $0x6;
	v48 =	vld.idx.msk [tilespmem:v42+s3+$0x0], $0xffff;
	[tilespmem:s5+$0xFFFFFE90] =	vst v22  }
0x3fc: {  	s7 =	sor.u32 $0x50, s1;
	v63 =	vor.u32 v0, v18;
	v50 =	vld.idx.msk [tilespmem:v43+s3+$0x0], $0xffff;
	[tilespmem:s5+$0xFFFFFE00] =	vst v20  }
0x3fd: {  	v56 =	vor.u32 v1, v4;
	v21 =	vld.idx.msk [tilespmem:v57+s3+$0x0], $0xffff;
	[tilespmem:s7+$0xF600] =	vst v19  }
0x3fe: {  	v41 =	vor.u32 v1, v10;
	v26 =	vld.idx.msk [tilespmem:v38+s3+$0x0], $0xffff;
	[tilespmem:s5+$0x80] =	vst v34  }
0x3ff: {  	s9 =	sadd.s32 $0xFFFFFE00, s0;
	v37 =	vor.u32 v2, v11;
	v17 =	vld.idx.msk [tilespmem:v44+s3+$0x0], $0xffff;
	[tilespmem:s5+$0xFFFFFF10] =	vst v45  }
0x400: {  	s10 =	sor.u32 $0x50, s9;
	v61 =	vor.u32 v2, v8;
	v53 =	vld.idx.msk [tilespmem:v46+s3+$0x0], $0xffff;
	[tilespmem:s5+$0xFFFFFF90] =	vst v48  }
0x401: {  	v52 =	vor.u32 v1, v27;
	v23 =	vld.idx.msk [tilespmem:v63+s3+$0x0], $0xffff;
	s7 =	sadd.s32 $0xFFFFFD00, s0;
	[tilespmem:s10+$0xF600] =	vst v50  }
0x402: {  	v49 =	vor.u32 v1, v16;
	s13 =	sor.u32 $0x50, s7;
	v32 =	vld.idx.msk [tilespmem:v56+s3+$0x0], $0xffff;
	[tilespmem:s5+$0xC0] =	vst v21  }
0x403: {  	v44 =	vor.u32 v1, v12;
	s10 =	sadd.s32 $0xFFFFFE80, s0;
	v21 =	vld.idx.msk [tilespmem:v41+s3+$0x0], $0xffff;
	[tilespmem:s13+$0xF600] =	vst v26  }
0x404: {  	v63 =	vor.u32 v2, v6;
	s11 =	sor.u32 $0x50, s10;
	v46 =	vld.idx.msk [tilespmem:v37+s3+$0x0], $0xffff;
	[tilespmem:s5+$0x180] =	vst v17  }
0x405: {  	v35 =	vor.u32 v2, v9;
	[tilespmem:s11+$0xF600] =	vst v53;
	v38 =	vld.idx.msk [tilespmem:v61+s3+$0x0], $0xffff  }
0x406: {  	s8 =	sadd.s32 $0xFFFFFD80, s0;
	s30 =	sor.u32 $0x50, s0;
	v17 =	vshll.u32 v47, $0x6;
	v47 =	vor.u32 v1, v14;
	v58 =	vld.idx.msk [tilespmem:v52+s3+$0x0], $0xffff;
	[tilespmem:s5+$0x140] =	vst v23  }
0x407: {  	s19 =	sor.u32 $0x50, s8;
	v57 =	vld.idx.msk [tilespmem:v49+s3+$0x0], $0xffff;
	v60 =	vor.u32 v0, v17;
	[tilespmem:s30+$0xF600] =	vst v32  }
0x408: {  	v52 =	vor.u32 v1, v18;
	v23 =	vld.idx.msk [tilespmem:v44+s3+$0x0], $0xffff;
	s30 =	sor.u32 $0x60, s9;
	[tilespmem:s19+$0xF600] =	vst v21  }
0x409: {  	v8 =	vor.u32 v3, v8;
	s13 =	sor.u32 $0x60, s7;
	v40 =	vld.idx.msk [tilespmem:v63+s3+$0x0], $0xffff;
	[tilespmem:s30+$0xF600] =	vst v46  }
0x40a: {  	v62 =	vor.u32 v2, v27;
	v44 =	vld.idx.msk [tilespmem:v35+s3+$0x0], $0xffff;
	s19 =	sadd.s32 $0xFFFFFF00, s0;
	[tilespmem:s13+$0xF600] =	vst v38  }
0x40b: {  	v54 =	vor.u32 v1, v15;
	v55 =	vld.idx.msk [tilespmem:v47+s3+$0x0], $0xffff;
	s25 =	sor.u32 $0x50, s19;
	[tilespmem:s5+$0x190] =	vst v58  }
0x40c: {  	v33 =	vor.u32 v2, v10;
	v29 =	vld.idx.msk [tilespmem:v60+s3+$0x0], $0xffff;
	[tilespmem:s25+$0xF600] =	vst v57  }
0x40d: {  	v45 =	vor.u32 v2, v16;
	v26 =	vld.idx.msk [tilespmem:v52+s3+$0x0], $0xffff;
	[tilespmem:s5+$0x10] =	vst v23  }
0x40e: {  	v6 =	vor.u32 v3, v6;
	v8 =	vld.idx.msk [tilespmem:v8+s3+$0x0], $0xffff;
	[tilespmem:s5+$0xFFFFFF20] =	vst v40  }
0x40f: {  	v9 =	vor.u32 v3, v9;
	v28 =	vld.idx.msk [tilespmem:v62+s3+$0x0], $0xffff;
	[tilespmem:s5+$0xFFFFFFA0] =	vst v44  }
0x410: {  	v58 =	vor.u32 v2, v5;
	s25 =	sadd.s32 $0xFFFFFF80, s0;
	v62 =	vld.idx.msk [tilespmem:v54+s3+$0x0], $0xffff;
	[tilespmem:s5+$0x90] =	vst v55  }
0x411: {  	v42 =	vld.idx.msk [tilespmem:v33+s3+$0x0], $0xffff;
	v60 =	vor.u32 v2, v7;
	s28 =	sor.u32 $0x50, s25;
	[tilespmem:s5+$0x100] =	vst v29  }
0x412: {  	v43 =	vor.u32 v2, v14;
	s7 =	sor.u32 $0x70, s7;
	v52 =	vld.idx.msk [tilespmem:v45+s3+$0x0], $0xffff;
	[tilespmem:s28+$0xF600] =	vst v26  }
0x413: {  	v51 =	vor.u32 v1, v17;
	v6 =	vld.idx.msk [tilespmem:v6+s3+$0x0], $0xffff;
	[tilespmem:s7+$0xF600] =	vst v8  }
0x414: {  	v41 =	vor.u32 v2, v13;
	v9 =	vld.idx.msk [tilespmem:v9+s3+$0x0], $0xffff;
	[tilespmem:s5+$0x1A0] =	vst v28  }
0x415: {  	v49 =	vor.u32 v2, v18;
	v34 =	vld.idx.msk [tilespmem:v58+s3+$0x0], $0xffff;
	s28 =	sor.u32 $0x60, s8;
	[tilespmem:s5+$0xFFFFFE10] =	vst v62  }
0x416: {  	v39 =	vor.u32 v3, v27;
	s13 =	sor.u32 $0x60, s19;
	v36 =	vld.idx.msk [tilespmem:v60+s3+$0x0], $0xffff;
	[tilespmem:s28+$0xF600] =	vst v42  }
0x417: {  	v50 =	vor.u32 v2, v15;
	v25 =	vld.idx.msk [tilespmem:v43+s3+$0x0], $0xffff;
	[tilespmem:s13+$0xF600] =	vst v52  }
0x418: {  	v10 =	vor.u32 v3, v10;
	v59 =	vld.idx.msk [tilespmem:v51+s3+$0x0], $0xffff;
	[tilespmem:s5+$0xFFFFFF30] =	vst v6  }
0x419: {  	s12 =	sor.u32 $0x60, s1;
	v16 =	vor.u32 v3, v16;
	v27 =	vld.idx.msk [tilespmem:v41+s3+$0x0], $0xffff;
	[tilespmem:s5+$0xFFFFFFB0] =	vst v9  }
0x41a: {  	v51 =	vor.u32 v2, v4;
	v54 =	vld.idx.msk [tilespmem:v49+s3+$0x0], $0xffff;
	[tilespmem:s12+$0xF600] =	vst v34  }
0x41b: {  	v5 =	vor.u32 v3, v5;
	v24 =	vld.idx.msk [tilespmem:v39+s3+$0x0], $0xffff;
	[tilespmem:s5+$0xFFFFFEA0] =	vst v36  }
0x41c: {  	v7 =	vor.u32 v3, v7;
	v19 =	vld.idx.msk [tilespmem:v50+s3+$0x0], $0xffff;
	[tilespmem:s5+$0xA0] =	vst v25  }
0x41d: {  	v14 =	vor.u32 v3, v14;
	v10 =	vld.idx.msk [tilespmem:v10+s3+$0x0], $0xffff;
	s12 =	sor.u32 $0x60, s10;
	[tilespmem:s5+$0x110] =	vst v59  }
0x41e: {  	s28 =	sor.u32 $0x60, s25;
	v39 =	vor.u32 v2, v12;
	v61 =	vld.idx.msk [tilespmem:v16+s3+$0x0], $0xffff;
	[tilespmem:s12+$0xF600] =	vst v27  }
0x41f: {  	v47 =	vor.u32 v2, v17;
	v55 =	vld.idx.msk [tilespmem:v51+s3+$0x0], $0xffff;
	[tilespmem:s28+$0xF600] =	vst v54  }
0x420: {  	v13 =	vor.u32 v3, v13;
	v5 =	vld.idx.msk [tilespmem:v5+s3+$0x0], $0xffff;
	[tilespmem:s5+$0x1B0] =	vst v24  }
0x421: {  	v11 =	vor.u32 v3, v11;
	s11 =	sor.u32 $0x70, s8;
	v7 =	vld.idx.msk [tilespmem:v7+s3+$0x0], $0xffff;
	[tilespmem:s5+$0xFFFFFE20] =	vst v19  }
0x422: {  	s19 =	sor.u32 $0x70, s19;
	v59 =	vor.u32 v3, v15;
	v60 =	vld.idx.msk [tilespmem:v14+s3+$0x0], $0xffff;
	[tilespmem:s11+$0xF600] =	vst v10  }
0x423: {  	s30 =	sor.u32 $0x60, s0;
	v4 =	vor.u32 v3, v4;
	v48 =	vld.idx.msk [tilespmem:v39+s3+$0x0], $0xffff;
	[tilespmem:s19+$0xF600] =	vst v61  }
0x424: {  	s1 =	sor.u32 $0x70, s1;
	v12 =	vor.u32 v3, v12;
	v53 =	vld.idx.msk [tilespmem:v47+s3+$0x0], $0xffff;
	[tilespmem:s30+$0xF600] =	vst v55  }
0x425: {  	v56 =	vor.u32 v3, v17;
	v13 =	vld.idx.msk [tilespmem:v13+s3+$0x0], $0xffff;
	[tilespmem:s1+$0xF600] =	vst v5  }
0x426: {  	v58 =	vor.u32 v3, v18;
	v5 =	vld.idx.msk [tilespmem:v11+s3+$0x0], $0xffff;
	[tilespmem:s5+$0xFFFFFEB0] =	vst v7  }
0x427: {  	v63 =	vld.idx.msk [tilespmem:v59+s3+$0x0], $0xffff;
	[tilespmem:s5+$0xB0] =	vst v60  }
0x428: {  	[tilespmem:s5+$0x20] =	vst v48;
	v4 =	vld.idx.msk [tilespmem:v4+s3+$0x0], $0xffff  }
0x429: {  	s13 =	sor.u32 $0x70, s10;
	[tilespmem:s5+$0x120] =	vst v53;
	v57 =	vld.idx.msk [tilespmem:v12+s3+$0x0], $0xffff  }
0x42a: {  	s12 =	sor.u32 $0x70, s9;
	[tilespmem:s13+$0xF600] =	vst v13;
	v62 =	vld.idx.msk [tilespmem:v56+s3+$0x0], $0xffff  }
0x42b: {  	[tilespmem:s12+$0xF600] =	vst v5;
	v5 =	vld.idx.msk [tilespmem:v58+s3+$0x0], $0xffff  }
0x42c: {  	s0 =	sor.u32 $0x70, s0;
	[tilespmem:s5+$0xFFFFFE30] =	vst v63  }
0x42d: {  	[tilespmem:s0+$0xF600] =	vst v4  }
0x42e: {  	s18 =	sadd.s32 $0x1, s18;
	s1 =	sadd.s32 @!p1 s6, s16;
	[tilespmem:s5+$0x30] =	vst v57  }
0x42f: {  	p0 =	sne.s32 s18, $0x64;
	s25 =	sor.u32 $0x70, s25;
	s1 =	sshrl.u32 @!p1 s1, $0x3;
	[tilespmem:s5+$0x130] =	vst v62  }
0x430: {  	s0 =	sadd.s32 @!p1 s4, s1;
	s1 =	simm.s32 @!p1 $0x0;
	s5 =	simm.s32 @!p1 $0x3500;
	[tilespmem:s25+$0xF600] =	vst v5  }
0x431: {  	[tilespmem:s5], [sflag:$0x4] =	stream.linear.gather @!p1 [hbm4b:s0+s1], $0x100, $0x38;
	[tilespmem:$0x13600] =	vst v63  }
.Ltmp4:
0x432: {  	s28 =	sadd.s32 s6, s17;
	(pc) =	sbr.rel @p0 .LBB2_2-.Ltmp4, $4  }
0x433: {  	s0 =	sshll.u32 s28, $0x3  }
0x434: {  	s0 =	sand.u32 $0x1FFFF800, s0  }
0x435: {  	s30 =	simm.s32 $0xF600;
	s0 =	sadd.s32 s2, s0  }
0x436: {  	[hbm4b:s0+s3] =	stream.linear.scatter [tilespmem:s30], [sflag:$0x8], $0x4000, $0x38;
	[tilespmem:$0x13600] =	vst v63  }
0x437: {  	s0 =	simm.s32 $0x5  }
0x438: {  	_ =	swait.ge [sflag:s0], $0x4000  }
0x439: {  	[sflag:s0] =	ssyncset.done $0x0  }
0x43a: {  	s25 =	simm.s32 $0x6;
	[sflag:s0] =	ssyncadd.s32 $0xFFFFC000  }
0x43b: {  	_ =	swait.ge [sflag:s25], $0x4000  }
0x43c: {  	[sflag:s25] =	ssyncset.done $0x0  }
0x43d: {  	s28 =	simm.s32 $0x7;
	[sflag:s25] =	ssyncadd.s32 $0xFFFFC000  }
0x43e: {  	_ =	swait.ge [sflag:s28], $0x4000  }
0x43f: {  	[sflag:s28] =	ssyncset.done $0x0  }
0x440: {  	s1 =	simm.s32 $0x8;
	[sflag:s28] =	ssyncadd.s32 $0xFFFFC000  }
0x441: {  	_ =	swait.ge [sflag:s1], $0x4000  }
0x442: {  	s5 =	rddreg [dreg:$0xd]  }
0x443: {  	s30 =	rddreg [dreg:$0xc];
	s5 =	sadd.s32 $0x1, s5  }
0x444: {  	p0 =	sne.s32 s5, s30  }
.Ltmp5:
0x445: {  	_ = 	snop;
	(pc) =	sbr.rel @p0 .LBB2_1-.Ltmp5, $3  }
0x446: {  	_ =	sdelay $0x1  }
0x447: {  	[sflag:s1] =	ssyncset.done $0x0  }
0x448: {  	[sflag:s1] =	ssyncadd.s32 $0xFFFFC000  }
0x449: {  	_ =	sfence.sel $0x180000  }
0x44a: {  	[bflag:$0x0] =	sbarrier.arrive $0xFFFF  }
0x44b: {  	_ =	strace $0x90000047  }
0x44c: {  	s0 =	stileid.u32;
	[bflag:$0x2] =	sbarrier.arrive $0xFFFF  }
0x44d: {  	p0 =	sne.s32 s0, $0x0;
	s0 =	rddreg [dreg:$0x2]  }
0x44e: {  	s0 =	sadd.s32 @!p0 $0x100000, s0  }
0x44f: {  	[sflag:s0] =	ssyncadd.tile.s32 @!p0 $0x1;
	_ =	shalt  }
.Lfunc_end2:
_tile_overlayer_lowered:
.L_overlay_start_2:
0x450: {  	(tag) =	ssettag $0x2  }
0x451: {  	s0 =	rddreg [dreg:$0x0];
	s2 =	stileid.u32  }
0x452: {  	s1 =	rddreg [dreg:$0x1];
	p0 =	sne.s32 s2, $0x0  }
0x453: {  	s3 =	rddreg [dreg:$0x2];
	[bflag:$0x3] =	sbarrier.arrive $0xFFFF;
	s2 =	simm.s32 @!p0 $0x1C09  }
0x454: {  	[timem:s3], [sflag:s2] =	dma.local @!p0 [hbm:s0], s1  }
0x455: {  	s0 =	simm.s32 @!p0 $0x9  }
0x456: {  	_ =	swait.ge @!p0 [sflag:s0], s1  }
0x457: {  	s1 =	ssub.s32 @!p0 $0x0, s1;
	[sflag:s0] =	ssyncset.done @!p0 $0x0  }
0x458: {  	[sflag:s0] =	ssyncadd.s32 @!p0 s1  }
0x459: {  	[bflag:$0x3] =	sbarrier.arrive $0xFFFF  }
0x45a: {  	_ =	shalt  }

// kernel: sparse-core-data-format-call.cloned.1.call-start
scs
called_computation_lowered:
.L_overlay_start_0:
0x0: {  	s2 =	sld [smem:$0x3FD9]  }
0x1: {  	s3 =	sld [smem:$0x3FFE];
	_ =	sdelay $0x1  }
0x2: {  	s1 =	srdreg.scid  }
0x3: {  	s0 =	sand.u32 $0x1, s1  }
0x4: {  	s18 =	sshll.u32 s0, $0xA;
	s2 =	sadd.s32 s3, s2  }
0x5: {  	s2 =	sadd.s32 s2, s18  }
0x6: {  	[smem:$0x3FC6] =	sst s2  }
0x7: {  	_ = 	snop  }
0x8: {  	s2 =	sld [smem:$0x3FD0];
	(tm) =	ssettm $0x1  }
0x9: {  	s19 =	sld [smem:$0x3FFB];
	_ =	sdelay $0x3  }
0xa: {  	_ =	strace s19  }
0xb: {  	s3 =	sld [smem:$0x3FFC];
	_ =	sdelay $0x3  }
0xc: {  	_ =	strace s3  }
0xd: {  	s3 =	sld [smem:$0x3FFD];
	_ =	sdelay $0x3  }
0xe: {  	_ =	strace s3  }
0xf: {  	_ =	strace $0x8FFFFFFF  }
0x10: {  	s20 =	sld [smem:$0x3FDB];
	_ =	sdelay $0x1  }
0x11: {  	s4 =	simm.s32 $_scs_section_size  }
0x12: {  	s5 =	simm.s32 $_size__tile_overlayer_lowered;
	s6 =	simm.s32 $_tile_overlayer_lowered  }
0x13: {  	s23 =	simm.s32 $0x1BFF;
	s22 =	sshll.u32 s6, $0x1;
	s3 =	sadd.s32 s4, s20  }
0x14: {  	s7 =	simm.s32 $0x0;
	s21 =	sshll.u32 s5, $0x1;
	s5 =	sadd.s32 s22, s3  }
0x15: {  	[timem:s7], [sflag:s23] =	dma.local [hbm:s5], s21  }
0x16: {  	_ =	swait.ge [sflag:s23], s21  }
0x17: {  	s4 =	ssub.s32 $0x0, s21;
	[sflag:s23] =	ssyncset.done $0x0  }
0x18: {  	[sflag:s23] =	ssyncadd.s32 s4;
	_ =	sdelay $0x1  }
0x19: {  	s24 =	simm.s32 $0x1B8B  }
0x1a: {  	_ =	swait.ge [sflag:s24], $0x1  }
0x1b: {  	[sflag:s24] =	ssyncset.done $0x0  }
0x1c: {  	s26 =	simm.s32 $0x1B8E;
	s25 =	sld [smem:$0x3FFE];
	[sflag:s24] =	ssyncadd.s32 $0xFFFFFFFF  }
0x1d: {  	s27 =	simm.s32 $execute0_lowered;
	[smem:$0x3FD2] =	sst s26  }
0x1e: {  	s5 =	sshll.u32 s27, $0x1;
	_ =	strace $0x80000049;
	[dreg:$0x1] =	wrdreg $0xFFFFFFFF  }
0x1f: {  	s28 =	simm.s32 $_size_execute0_lowered;
	s3 =	sadd.s32 s3, s5;
	[dreg:$0x0] =	wrdreg $0x0  }
0x20: {  	s5 =	sshll.u32 s28, $0x1;
	[dreg:$0x2] =	wrdreg s3  }
0x21: {  	[dreg:$0x3] =	wrdreg s5  }
0x22: {  	[dreg:$0x4] =	wrdreg $0xC0  }
0x23: {  	_ =	task [dreg:s7], $0x5FFFF  }
0x24: {  	[dreg:$0x1] =	wrdreg $0xFFFFFFFF  }
0x25: {  	[dreg:$0x0] =	wrdreg $0x60  }
0x26: {  	[dreg:$0x2] =	wrdreg s25  }
0x27: {  	[dreg:$0x3] =	wrdreg s2  }
0x28: {  	[dreg:$0x4] =	wrdreg $0x9  }
0x29: {  	_ =	task.clear_ibuf [dreg:s7], $0x5FFFF;
	_ =	strace $0x90000049  }
0x2a: {  	s29 =	simm.s32 $0x9;
	_ =	strace $0x8000004B  }
0x2b: {  	_ =	swait.ge [sflag:s29], $0x1  }
0x2c: {  	[sflag:s29] =	ssyncadd.s32 $0xFFFFFFFF  }
0x2d: {  	_ =	strace $0x9000004B  }
0x2e: {  	_ =	sfence  }
0x2f: {  	s30 =	sld [smem:$0x0];
	_ =	sdelay $0x2  }
0x30: {  	s31 =	sshll.u32 s1, $0xD;
	s1 =	sshrl.u32 s1, $0x2  }
0x31: {  	s3 =	sand.u32 $0x4000, s31;
	s1 =	sadd.s32 s1, s30  }
0x32: {  	s0 =	sor.u32 s3, s0;
	s1 =	sshll.u32 s1, $0x11  }
0x33: {  	s0 =	sor.u32 s1, s0  }
0x34: {  	s0 =	sadd.s32 $0x8F2B, s0  }
0x35: {  	[sflag:s0] =	ssyncadd.remote.s32 $0x1  }
0x36: {  	_ =	sfence.sel $0xFFFF  }
0x37: {  	[dreg:$0x0] =	wrdreg $0xFFFFFFFF;
	(pc) =	sbr.abs _section_cstart, $3  }
0x38: {  	[dreg:$0x1] =	wrdreg $0xFFFFFFFF  }
0x39: {  	_ =	task.clear_ibuf [dreg:s7], $0x2FFFF;
	_ =	strace $0x9FFFFFFF  }
0x3a: {  	(tm) =	ssettm $0x7FFFFFFF  }
0x3b: {  	_ =	shalt  }
tec
execute0_lowered:
.L_overlay_start_1:
0x0: {  	(tag) =	ssettag $0x1  }
0x1: {  	s0 =	srdreg.scid  }
0x2: {  	s1 =	sshll.u32 s0, $0x4  }
0x3: {  	s0 =	stileid.u32;
	s1 =	sand.u32 $0x10, s1  }
0x4: {  	s1 =	sor.u32 s0, s1  }
0x5: {  	s6 =	rddreg [dreg:$0x0];
	s4 =	simm.s32 $0x1;
	s2 =	sshll.u32 s1, $0x7  }
0x6: {  	s7 =	simm.s32 $0x2;
	s12 =	simm.s32 $0x0;
	s1 =	ssub.s32 $0x4000, s2  }
0x7: {  	s8 =	simm.s32 $0x20000;
	s13 =	simm.s32 $0x0;
	s3 =	sand.u32 $0xF80, s1  }
0x8: {  	s9 =	simm.s32 $0x0;
	s5 =	sshrl.u32 s1, $0xC;
	p0 =	sne.s32 s3, $0x0  }
.Ltmp0:
0x9: {  	s1 =	rddreg [dreg:$0x2];
	s4 =	simm.s32 @!p0 $0x0;
	(pc) =	sbr.rel .LBB1_1-.Ltmp0, $4  }
0xa: {  	s11 =	simm.s32 $0x0;
	s3 =	rddreg [dreg:$0x1];
	s5 =	sadd.s32 s4, s5  }
0xb: {  	_ =	strace $0x8000004A;
	s4 =	simm.s32 $0x1;
	s5 =	smul.u32 $0xC8, s5  }
0xc: {  	s6 =	sadd.s32 $0x800, s6;
	s10 =	smov.u32 s2;
	[sflag:s4] =	ssyncpa.u1 $0x0  }
0xd: {  	p0 =	por $0x0, $0x0;
	[sflag:s7] =	ssyncpa.u1 $0x0;
	s7 =	sor.u32 $0x1, s5  }
.LBB1_4:
0xe: {  	s16 =	sshll.u32 s13, $0x3;
	s17 =	sand.u32 $0x78, s13  }
0xf: {  	s30 =	sand.u32 $0x1F800, s13;
	s12 =	sshll.u32 s12, $0x11;
	s16 =	sand.u32 $0x3C00, s16  }
0x10: {  	[tilespmem:s15+$0x810 ss:$0x81] =	vst.msk $0xffff, v2;
	s31 =	sand.u32 $0x7, s13;
	s16 =	sor.u32 s17, s16;
	s17 =	sadd.s32 s3, s30  }
0x11: {  	[tilespmem:s15+$0x1020 ss:$0x81] =	vst.msk $0xffff, v0;
	s13 =	sshll.u32 s31, $0x12;
	s12 =	sadd.s32 s12, s17;
	s16 =	sshrl.u32 s16, $0x3  }
0x12: {  	[tilespmem:s15+$0x0 ss:$0x81] =	vst.msk $0xffff, v1;
	s13 =	sor.u32 $0x400, s13;
	s12 =	sadd.s32 s16, s12  }
0x13: {  	[hbm4b:s12+s13] =	stream.strided.scatter [tilespmem:s14], [sflag:$0x2], $0x2000, s8, s13, $0x20;
	[tilespmem:$0x8080] =	vst v63  }
.LBB1_5:
0x14: {  	s14 =	sadd.s32 $0x1, s9  }
0x15: {  	s12 =	sadd.s32 $0x1000, s10;
	s16 =	smov.u32 s10;
	p2 =	sgt.s32 s14, $0xC7  }
0x16: {  	s16 =	smov.u32 @p2 s12  }
0x17: {  	s14 =	simm.s32 @p2 $0x0;
	p2 =	sgt.s32 s16, $0x3FFF  }
0x18: {  	s16 =	smov.u32 @p2 s2;
	p2 =	sne.s32 s11, s7  }
.Ltmp1:
0x19: {  	p1 =	slt.u32 s11, $0x2;
	(pc) =	sbr.rel @!p2 .LBB1_6-.Ltmp1, $4  }
0x1a: {  	s15 =	simm.s32 @!p1 $0x2  }
0x1b: {  	s13 =	smov.u32 s10;
	p0 =	por !p0, !p0;
	_ =	swait.ge @!p1 [sflag:s15], $0x2000  }
0x1c: {  	s12 =	smov.u32 s9;
	[sflag:s15] =	ssyncset.done @!p1 $0x0;
	s9 =	smov.u32 s14  }
0x1d: {  	s11 =	sadd.s32 $0x1, s11;
	[sflag:s15] =	ssyncadd.s32 @!p1 $0xFFFFE000;
	s10 =	smov.u32 s16  }
.LBB1_1:
0x1e: {  	p1 =	sge.u32 s11, s5  }
0x1f: {  	s14 =	sand.u32 @!p1 $0x1FFFFFF, s9  }
0x20: {  	s15 =	smulhi.u32 @!p1 $0x147AE15, s14;
	_ =	sdelay $0x1  }
0x21: {  	s15 =	smul.u32 @!p1 $0xC8, s15  }
0x22: {  	s16 =	sxor.u32 @!p1 $0xFFFFFFFF, s11;
	s17 =	smul.u32 @!p1 $0xC80, s10  }
0x23: {  	s31 =	sadd.s32 $0xFFFFFFFF, s11;
	s16 =	sshll.u32 @!p1 s16, $0xD;
	s14 =	ssub.s32 @!p1 s14, s15  }
0x24: {  	s15 =	sand.u32 @!p1 $0x2000, s16;
	s16 =	sadd.s32 @!p1 s6, s17;
	s14 =	sshll.u32 @!p1 s14, $0x4  }
0x25: {  	s17 =	simm.s32 @!p1 $0x6400;
	s14 =	sadd.s32 @!p1 s14, s16;
	s16 =	simm.s32 @!p1 $0x40  }
0x26: {  	[tilespmem:s15], [sflag:$0x1] =	stream.strided.gather @!p1 [hbm4b:s14+s16], $0x2000, s17, s16, $0x38;
	[tilespmem:$0x8080] =	vst v63  }
0x27: {  	p1 =	sge.u32 s31, s5  }
.Ltmp2:
0x28: {  	_ = 	snop;
	(pc) =	sbr.rel @p1 .LBB1_5-.Ltmp2, $1  }
0x29: {  	_ =	sdelay $0x3  }
0x2a: {  	s14 =	simm.s32 $0x1  }
0x2b: {  	_ =	swait.ge [sflag:s4], $0x2000;
	s14 =	simm.s32 @!p0 $0x0  }
0x2c: {  	[sflag:s4] =	ssyncset.done $0x0;
	s15 =	sshll.u32 s14, $0xD  }
0x2d: {  	[sflag:s4] =	ssyncadd.s32 $0xFFFFE000;
	s18 =	sor.u32 $0x20, s15  }
0x2e: {  	s14 =	smul.u32 $0x8100, s14;
	v3 =	vld [tilespmem:s18+$0x10]  }
0x2f: {  	s30 =	sand.u32 $0x1, s11;
	v2 =	vld [tilespmem:s18+$0xFFFFFFF0]  }
0x30: {  	s15 =	smul.u32 $0x8100, s30;
	s14 =	sshrl.u32 s14, $0x2;
	v0 =	vld [tilespmem:s18+$0x0]  }
0x31: {  	v1 =	vld [tilespmem:s18+$0xFFFFFFE0];
	s16 =	sor.u32 $0x4000, s14  }
0x32: {  	s31 =	sshrl.u32 s15, $0x2;
	s15 =	sadd.s32 $0x0, s16  }
0x33: {  	s17 =	simm.s32 $0x4;
	s18 =	sadd.s32 $0x40, s18;
	s14 =	sor.u32 $0x4000, s31;
	[tilespmem:s15+$0x1830 ss:$0x81] =	vst.msk $0xffff, v3  }
.LBB1_3:
0x34: {  	v3 =	vld [tilespmem:s18+$0x10];
	p1 =	sne.s32 s17, $0x1FC;
	[tilespmem:s15+$0x810 ss:$0x81] =	vst.msk $0xffff, v2;
	s19 =	smov.u32 s17;
	s17 =	sadd.s32 $0x4, s17  }
.Ltmp3:
0x35: {  	v2 =	vld [tilespmem:s18+$0xFFFFFFF0];
	[tilespmem:s15+$0x1020 ss:$0x81] =	vst.msk $0xffff, v0;
	(pc) =	sbr.rel @p1 .LBB1_3-.Ltmp3, $4  }
0x36: {  	v0 =	vld [tilespmem:s18+$0x0];
	[tilespmem:s15+$0x0 ss:$0x81] =	vst.msk $0xffff, v1  }
0x37: {  	s15 =	sshra.s32 s19, $0x2;
	v1 =	vld [tilespmem:s18+$0xFFFFFFE0]  }
0x38: {  	s15 =	sadd.s32 s15, s16  }
0x39: {  	s18 =	sadd.s32 $0x40, s18;
	[tilespmem:s15+$0x1830 ss:$0x81] =	vst.msk $0xffff, v3  }
.Ltmp4:
0x3a: {  	_ = 	snop;
	(pc) =	sbr.rel .LBB1_4-.Ltmp4, $1  }
0x3b: {  	_ =	sdelay $0x3  }
.LBB1_6:
0x3c: {  	_ =	sfence.sel $0x180000  }
0x3d: {  	s2 =	simm.s32 $0x1;
	[bflag:$0x0] =	sbarrier.arrive $0xFFFF  }
0x3e: {  	s31 =	simm.s32 $0x2;
	[sflag:s2] =	ssyncpa.u1 $0x1  }
0x3f: {  	[sflag:s31] =	ssyncpa.u1 $0x1  }
0x40: {  	p0 =	sne.s32 s0, $0x0;
	_ =	strace $0x9000004A  }
0x41: {  	s0 =	sadd.s32 @!p0 $0x100000, s1;
	[bflag:$0x2] =	sbarrier.arrive $0xFFFF  }
0x42: {  	[sflag:s0] =	ssyncadd.tile.s32 @!p0 $0x1;
	_ =	shalt  }
.Lfunc_end1:
_tile_overlayer_lowered:
.L_overlay_start_2:
0x43: {  	(tag) =	ssettag $0x2  }
0x44: {  	s0 =	rddreg [dreg:$0x0];
	s2 =	stileid.u32  }
0x45: {  	s1 =	rddreg [dreg:$0x1];
	p0 =	sne.s32 s2, $0x0  }
0x46: {  	s3 =	rddreg [dreg:$0x2];
	[bflag:$0x3] =	sbarrier.arrive $0xFFFF;
	s2 =	simm.s32 @!p0 $0x1C01  }
0x47: {  	[timem:s3], [sflag:s2] =	dma.local @!p0 [hbm:s0], s1  }
0x48: {  	s0 =	simm.s32 @!p0 $0x1  }
0x49: {  	_ =	swait.ge @!p0 [sflag:s0], s1  }
0x4a: {  	s1 =	ssub.s32 @!p0 $0x0, s1;
	[sflag:s0] =	ssyncset.done @!p0 $0x0  }
0x4b: {  	[sflag:s0] =	ssyncadd.s32 @!p0 s1  }
0x4c: {  	[bflag:$0x3] =	sbarrier.arrive $0xFFFF  }
0x4d: {  	_ =	shalt  }

</sc_bundles>
